<compile_context>
chip_gen: v7x
topology: tpu7x:2x2x1
jax: 0.10.2.dev20260603
libtpu: 0.0.44.dev20260713+nightly
codegen_flags: <defaults>
</compile_context>

<pallas_src>
import functools

import jax
import jax.numpy as jnp
from jax import lax
from jax.experimental import pallas as pl
from jax.experimental.pallas import tpu as pltpu
from jax.experimental.pallas import tpu_sc as plsc

N = 10000
E = 320000
FD = 128
NCLS = 64

NC = 2
NS = 16
NW = NC * NS
NP = 10240
EPT = 10240
E_PAD = NW * EPT
CH = 128
NCHUNK = EPT // CH
RPT = NP // NS

_MESH = plsc.VectorSubcoreMesh(core_axis_name="c", subcore_axis_name="s")


@functools.partial(
    pl.kernel,
    out_type=(
        jax.ShapeDtypeStruct((NW, NP), jnp.float32),
        jax.ShapeDtypeStruct((NW, NP), jnp.float32),
    ),
    mesh=_MESH,
    compiler_params=pltpu.CompilerParams(use_tc_tiling_on_sc=False,
                                         needs_layout_passes=False),
    scratch_types=[
        pltpu.VMEM((NCHUNK, CH), jnp.int32),
        pltpu.VMEM((NCHUNK, CH), jnp.int32),
        pltpu.VMEM((NP,), jnp.float32),
        pltpu.VMEM((NP,), jnp.float32),
    ],
)
def _deg_sc(src_hbm, dst_hbm, degs_hbm, degd_hbm,
            src_v, dst_v, degs_t, degd_t):
    c = lax.axis_index("c")
    s = lax.axis_index("s")
    wid = c * NS + s

    @pl.loop(0, NP // 16)
    def _(i):
        degs_t[pl.ds(i * 16, 16)] = jnp.zeros((16,), jnp.float32)
        degd_t[pl.ds(i * 16, 16)] = jnp.zeros((16,), jnp.float32)

    pltpu.sync_copy(src_hbm.at[s, 2 * c], src_v.at[pl.ds(0, NCHUNK // 2)])
    pltpu.sync_copy(src_hbm.at[s, 2 * c + 1],
                    src_v.at[pl.ds(NCHUNK // 2, NCHUNK // 2)])
    pltpu.sync_copy(dst_hbm.at[s, 2 * c], dst_v.at[pl.ds(0, NCHUNK // 2)])
    pltpu.sync_copy(dst_hbm.at[s, 2 * c + 1],
                    dst_v.at[pl.ds(NCHUNK // 2, NCHUNK // 2)])

    ones16 = jnp.full((16,), 1.0, jnp.float32)

    @pl.loop(0, NCHUNK)
    def _(i):
        @pl.loop(0, CH // 16)
        def _(j):
            si = src_v[i, pl.ds(j * 16, 16)]
            plsc.addupdate_scatter(degs_t, [si], ones16)
            di = dst_v[i, pl.ds(j * 16, 16)]
            plsc.addupdate_scatter(degd_t, [di], ones16)

    pltpu.sync_copy(degs_t, degs_hbm.at[wid])
    pltpu.sync_copy(degd_t, degd_hbm.at[wid])


_NB = 4
NCHUNK2 = E_PAD // NS // CH
QN = 4
QCH = NCHUNK2 // QN


def _make_agg_sc(D):
    Dh = D // 2

    @functools.partial(
        pl.kernel,
        out_type=jax.ShapeDtypeStruct((NC, NP, Dh), jnp.float32),
        mesh=_MESH,
        compiler_params=pltpu.CompilerParams(use_tc_tiling_on_sc=False),
        scratch_types=[
            pltpu.VMEM((QCH, CH), jnp.int32),
            pltpu.VMEM((QCH, CH), jnp.int32),
            pltpu.VMEM((_NB, CH, Dh), jnp.float32),
            pltpu.VMEM_SHARED((NP, Dh), jnp.float32),
            pltpu.VMEM_SHARED((NP, Dh), jnp.float32),
            pltpu.SemaphoreType.DMA,
        ],
    )
    def _agg_sc(h_hbm, src_hbm, dst_hbm, out_hbm,
                src_v, dst_v, rows_v, h_sh, agg_sh, gsem):
        c = lax.axis_index("c")
        s = lax.axis_index("s")

        @pl.loop(0, CH)
        def _(i):
            @pl.loop(0, Dh // 16)
            def _(j):
                rows_v[0, i, pl.ds(j * 16, 16)] = jnp.zeros((16,), jnp.float32)

        @pl.loop(0, RPT // CH)
        def _(t):
            row = s * RPT + t * CH
            pltpu.sync_copy(rows_v.at[0], agg_sh.at[pl.ds(row, CH)])
            pltpu.sync_copy(h_hbm.at[c, pl.ds(row, CH)], h_sh.at[pl.ds(row, CH)])
        plsc.subcore_barrier()

        for q in range(QN):
            pltpu.sync_copy(src_hbm.at[s, q], src_v)
            pltpu.sync_copy(dst_hbm.at[s, q], dst_v)

            for b in range(_NB - 1):
                pltpu.async_copy(h_sh.at[src_v.at[b]], rows_v.at[b], gsem)

            @pl.loop(0, QCH)
            def _(i):
                par = lax.rem(i, _NB)
                pltpu.make_async_copy(h_sh.at[src_v.at[0]], rows_v.at[0],
                                      gsem).wait()

                @pl.when(i + _NB - 1 < QCH)
                def _():
                    j = i + _NB - 1
                    pltpu.async_copy(h_sh.at[src_v.at[j]],
                                     rows_v.at[lax.rem(j, _NB)], gsem)

                pltpu.sync_copy(rows_v.at[par], agg_sh.at[dst_v.at[i]],
                                add=True)

        plsc.subcore_barrier()

        @pl.loop(0, RPT // CH)
        def _(t):
            row = s * RPT + t * CH
            pltpu.sync_copy(agg_sh.at[pl.ds(row, CH)], out_hbm.at[c, pl.ds(row, CH)])

    return _agg_sc


_agg_sc_128 = _make_agg_sc(FD)
_agg_sc_64 = _make_agg_sc(NCLS)

BM = 1024


def _norm_from_parts(p_ref):
    deg = jnp.sum(p_ref[...], axis=1, keepdims=True)
    return lax.rsqrt(jnp.maximum(deg, 1.0))


def _tc1_body(f_ref, ds_ref, o_ref):
    h = f_ref[...] * _norm_from_parts(ds_ref)
    o_ref[0] = h[:, :FD // 2]
    o_ref[1] = h[:, FD // 2:]


def _tc1(feats, degs_p):
    return pl.pallas_call(
        _tc1_body,
        grid=(NP // BM,),
        in_specs=[
            pl.BlockSpec((BM, FD), lambda i: (i, 0)),
            pl.BlockSpec((BM, NW), lambda i: (i, 0)),
        ],
        out_specs=pl.BlockSpec((NC, BM, FD // 2), lambda i: (0, i, 0)),
        out_shape=jax.ShapeDtypeStruct((NC, NP, FD // 2), jnp.float32),
    )(feats, degs_p)


def _tc2_body(p_ref, ds_ref, dd_ref, w1_ref, b1_ref, w2_ref, o_ref):
    agg = jnp.concatenate([p_ref[0], p_ref[1]], axis=1)
    nsrc = _norm_from_parts(ds_ref)
    ndst = _norm_from_parts(dd_ref)
    x1 = jnp.dot(agg, w1_ref[...], preferred_element_type=jnp.float32)
    x1 = jnp.maximum(x1 * ndst + b1_ref[...], 0.0)
    y = jnp.dot(x1 * nsrc, w2_ref[...], preferred_element_type=jnp.float32)
    o_ref[0] = y[:, :NCLS // 2]
    o_ref[1] = y[:, NCLS // 2:]


def _tc2(p1, degs_p, degd_p, W1, b1, W2):
    return pl.pallas_call(
        _tc2_body,
        grid=(NP // BM,),
        in_specs=[
            pl.BlockSpec((NC, BM, FD // 2), lambda i: (0, i, 0)),
            pl.BlockSpec((BM, NW), lambda i: (i, 0)),
            pl.BlockSpec((BM, NW), lambda i: (i, 0)),
            pl.BlockSpec((FD, FD), lambda i: (0, 0)),
            pl.BlockSpec((1, FD), lambda i: (0, 0)),
            pl.BlockSpec((FD, NCLS), lambda i: (0, 0)),
        ],
        out_specs=pl.BlockSpec((NC, BM, NCLS // 2), lambda i: (0, i, 0)),
        out_shape=jax.ShapeDtypeStruct((NC, NP, NCLS // 2), jnp.float32),
    )(p1, degs_p, degd_p, W1, b1, W2)


BM3 = 1000


def _tc3_body(p_ref, dd_ref, b2_ref, o_ref):
    agg = jnp.concatenate([p_ref[0], p_ref[1]], axis=1)
    o_ref[...] = agg * _norm_from_parts(dd_ref) + b2_ref[...]


def _tc3(p2, degd_p, b2):
    return pl.pallas_call(
        _tc3_body,
        grid=(N // BM3,),
        in_specs=[
            pl.BlockSpec((NC, BM3, NCLS // 2), lambda i: (0, i, 0)),
            pl.BlockSpec((BM3, NW), lambda i: (i, 0)),
            pl.BlockSpec((1, NCLS), lambda i: (0, 0)),
        ],
        out_specs=pl.BlockSpec((BM3, NCLS), lambda i: (i, 0)),
        out_shape=jax.ShapeDtypeStruct((N, NCLS), jnp.float32),
    )(p2, degd_p, b2)


def kernel(features, edge_index, W1, b1, W2, b2):
    src = edge_index[0].astype(jnp.int32)
    dst = edge_index[1].astype(jnp.int32)
    pad = jnp.full((E_PAD - E,), N, jnp.int32)
    src_a = jnp.concatenate([src, pad]).reshape(NS, QN, QCH, CH)
    dst_a = jnp.concatenate([dst, pad]).reshape(NS, QN, QCH, CH)
    feats_p = jnp.zeros((NP, FD), jnp.float32).at[:N].set(features)

    degs_w, degd_w = _deg_sc(src_a, dst_a)
    degs_p = degs_w.T
    degd_p = degd_w.T
    h1 = _tc1(feats_p, degs_p)
    p1 = _agg_sc_128(h1, src_a, dst_a)
    y2 = _tc2(p1, degs_p, degd_p, W1, b1.reshape(1, FD), W2)
    p2 = _agg_sc_64(y2, src_a, dst_a)
    return _tc3(p2, degd_p, b2.reshape(1, NCLS))

# --- scband reference (transcript-rebuilt; emitter-appended) ---
"""Pipeline reference for scband-gcn-drop-1597727834314 (READ-ONLY COPY).

The authoritative reference and input builder live on the scoring server;
editing this copy changes nothing except your own understanding.
"""

import jax, jax.numpy as jnp
import numpy as np

N = 10000
E = 320000
F_IN = 128
NHID = 128
NCLS = 64


def setup_inputs(seed: int = 0) -> dict:
    key = jax.random.key(seed)
    k1, k2, k3, k4 = jax.random.split(key, 4)
    features = jax.random.normal(k1, (N, F_IN), dtype=jnp.float32)
    edge_index = jax.random.randint(k2, (2, E), 0, N)
    W1 = jax.random.normal(k3, (F_IN, NHID), dtype=jnp.float32) * (1.0 / np.sqrt(F_IN))
    b1 = jnp.zeros((NHID,), dtype=jnp.float32)
    W2 = jax.random.normal(k4, (NHID, NCLS), dtype=jnp.float32) * (1.0 / np.sqrt(NHID))
    b2 = jnp.zeros((NCLS,), dtype=jnp.float32)
    return {"features": features, "edge_index": edge_index, "W1": W1, "b1": b1, "W2": W2, "b2": b2}


def reference(features, edge_index, W1, b1, W2, b2):
    # DGL GraphConv with norm='both', bias=True; dropout is identity (eval mode)
    src = edge_index[0]
    dst = edge_index[1]
    ones_e = jnp.ones((src.shape[0],), dtype=jnp.float32)
    deg_out = jax.ops.segment_sum(ones_e, src, num_segments=N)
    norm_src = jnp.power(jnp.clip(deg_out, 1.0, None), -0.5)
    deg_in = jax.ops.segment_sum(ones_e, dst, num_segments=N)
    norm_dst = jnp.power(jnp.clip(deg_in, 1.0, None), -0.5)

    def gconv(feat, W, b):
        h = feat * norm_src[:, None]
        agg = jax.ops.segment_sum(h[src], dst, num_segments=N)
        rst = agg @ W
        rst = rst * norm_dst[:, None] + b
        return rst

    x = features  # F.dropout in eval mode -> identity
    x = jax.nn.relu(gconv(x, W1, b1))
    x = gconv(x, W2, b2)
    return x

if __name__ == "__main__":
    import jax
    _d = setup_inputs()
    print(jax.jit(kernel)(*tuple(_d.values())))

</pallas_src>

<mosaic_0001>
#map = affine_map<(d0, d1) -> (0, 0, 0, 0)>
#map1 = affine_map<(d0, d1) -> (0, 0)>
module attributes {stable_mosaic.version = 14 : i64} {
  func.func @_deg_sc(%arg0: i32, %arg1: i32, %arg2: memref<16x4x40x128xi32, #tpu.memory_space<hbm>>, %arg3: memref<16x4x40x128xi32, #tpu.memory_space<hbm>>, %arg4: memref<32x10240xf32, #tpu.memory_space<hbm>>, %arg5: memref<32x10240xf32, #tpu.memory_space<hbm>>, %arg6: memref<80x128xi32, #tpu.memory_space<vmem>>, %arg7: memref<80x128xi32, #tpu.memory_space<vmem>>, %arg8: memref<10240xf32, #tpu.memory_space<vmem>>, %arg9: memref<10240xf32, #tpu.memory_space<vmem>>) attributes {dimension_semantics = [#tpu.dimension_semantics<core_parallel>, #tpu.dimension_semantics<subcore_parallel>], iteration_bounds = array<i64: 2, 16>, scalar_prefetch = 0 : i64, scratch_operands = 4 : i64, tpu.core_type = #tpu.core_type<sc_vector_subcore>, window_params = [{transform_indices = #map}, {transform_indices = #map}, {transform_indices = #map1}, {transform_indices = #map1}]} {
    %mul3A = arith.constant 16 : i32
    %mul3A_0 = arith.muli %arg0, %mul3A : i32
    %add3A = arith.addi %mul3A_0, %arg1 : i32
    %scan3A = arith.constant 0 : i32
    %scan3A_1 = arith.constant 640 : i32
    %scan3A_2 = arith.addi %scan3A, %scan3A_1 : i32
    %scan3A_3 = arith.constant 1 : i32
    scf.for %scan3A_23 = %scan3A to %scan3A_2 step %scan3A_3  : i32 {
      %mul3A_24 = arith.constant 1 : i32
      %mul3A_25 = arith.muli %scan3A_23, %mul3A_24 : i32
      %add3A_26 = arith.constant 0 : i32
      %add3A_27 = arith.addi %add3A_26, %mul3A_25 : i32
      %broadcast_in_dim3A_28 = arith.constant 0.000000e+00 : f32
      %broadcast_in_dim3A_29 = vector.broadcast %broadcast_in_dim3A_28 : f32 to vector<16xf32>
      %mul3A_30 = arith.constant 16 : i32
      %mul3A_31 = arith.muli %add3A_27, %mul3A_30 : i32
      %swap3A = arith.index_cast %mul3A_31 : i32 to index
      %swap3A_32 = tpu.vector_load %arg8[%swap3A] {strides = array<i32>} : memref<10240xf32, #tpu.memory_space<vmem>>, vector<16xf32>,
      tpu.vector_store %arg8[%swap3A], %broadcast_in_dim3A_29 {strides = array<i32>} : memref<10240xf32, #tpu.memory_space<vmem>>, vector<16xf32>,
      %broadcast_in_dim3A_33 = arith.constant 0.000000e+00 : f32
      %broadcast_in_dim3A_34 = vector.broadcast %broadcast_in_dim3A_33 : f32 to vector<16xf32>
      %mul3A_35 = arith.constant 16 : i32
      %mul3A_36 = arith.muli %add3A_27, %mul3A_35 : i32
      %swap3A_37 = arith.index_cast %mul3A_36 : i32 to index
      %swap3A_38 = tpu.vector_load %arg9[%swap3A_37] {strides = array<i32>} : memref<10240xf32, #tpu.memory_space<vmem>>, vector<16xf32>,
      tpu.vector_store %arg9[%swap3A_37], %broadcast_in_dim3A_34 {strides = array<i32>} : memref<10240xf32, #tpu.memory_space<vmem>>, vector<16xf32>,
    }
    %scan3A_4 = arith.constant 640 : i32
    %mul3A_5 = arith.constant 2 : i32
    %mul3A_6 = arith.muli %mul3A_5, %arg0 : i32
    "tpu.region"() ({
      %run_scoped3A = tpu.sem_alloc : memref<!tpu.dma_semaphore, #tpu.memory_space<semaphore_mem>>
      %dma_start3A = arith.constant 0 : i32
      %dma_start3A_23 = arith.constant 0 : i32
      %dma_start3A_24 = tpu.memref_slice %arg6[%dma_start3A, %dma_start3A_23] : memref<80x128xi32, #tpu.memory_space<vmem>> -> memref<40x128xi32, #tpu.memory_space<vmem>>
      %dma_start3A_25 = arith.constant 0 : i32
      %dma_start3A_26 = arith.constant 0 : i32
      %dma_start3A_27 = tpu.memref_slice %arg2[%arg1, %mul3A_6, %dma_start3A_25, %dma_start3A_26] : memref<16x4x40x128xi32, #tpu.memory_space<hbm>> -> memref<1x1x40x128xi32, #tpu.memory_space<hbm>>
      %dma_start3A_28 = tpu.memref_squeeze %dma_start3A_27 : memref<1x1x40x128xi32, #tpu.memory_space<hbm>> -> memref<40x128xi32, #tpu.memory_space<hbm>>
      %dma_start3A_29 = arith.constant 0 : i32
      %dma_start3A_30 = arith.constant 0 : i32
      %dma_start3A_31 = tpu.memref_slice %arg6[%dma_start3A_29, %dma_start3A_30] : memref<80x128xi32, #tpu.memory_space<vmem>> -> memref<40x128xi32, #tpu.memory_space<vmem>>
      %dma_start3A_32 = arith.constant 0 : i32
      %dma_start3A_33 = arith.constant 0 : i32
      %dma_start3A_34 = tpu.memref_slice %arg2[%arg1, %mul3A_6, %dma_start3A_32, %dma_start3A_33] : memref<16x4x40x128xi32, #tpu.memory_space<hbm>> -> memref<1x1x40x128xi32, #tpu.memory_space<hbm>>
      %dma_start3A_35 = tpu.memref_squeeze %dma_start3A_34 : memref<1x1x40x128xi32, #tpu.memory_space<hbm>> -> memref<40x128xi32, #tpu.memory_space<hbm>>
      tpu.enqueue_dma source(%dma_start3A_35 : memref<40x128xi32, #tpu.memory_space<hbm>>) target(%dma_start3A_31 : memref<40x128xi32, #tpu.memory_space<vmem>>) target_semaphore(%run_scoped3A : memref<!tpu.dma_semaphore, #tpu.memory_space<semaphore_mem>>)
      %dma_wait3A = arith.constant 0 : i32
      %dma_wait3A_36 = arith.constant 0 : i32
      %dma_wait3A_37 = tpu.memref_slice %arg6[%dma_wait3A, %dma_wait3A_36] : memref<80x128xi32, #tpu.memory_space<vmem>> -> memref<40x128xi32, #tpu.memory_space<vmem>>
      %dma_wait3A_38 = arith.constant 0 : i32
      %dma_wait3A_39 = arith.constant 0 : i32
      %dma_wait3A_40 = tpu.memref_slice %arg2[%arg1, %mul3A_6, %dma_wait3A_38, %dma_wait3A_39] : memref<16x4x40x128xi32, #tpu.memory_space<hbm>> -> memref<1x1x40x128xi32, #tpu.memory_space<hbm>>
      %dma_wait3A_41 = tpu.memref_squeeze %dma_wait3A_40 : memref<1x1x40x128xi32, #tpu.memory_space<hbm>> -> memref<40x128xi32, #tpu.memory_space<hbm>>
      %dma_wait3A_42 = arith.constant 0 : i32
      %dma_wait3A_43 = arith.constant 0 : i32
      %dma_wait3A_44 = tpu.memref_slice %arg6[%dma_wait3A_42, %dma_wait3A_43] : memref<80x128xi32, #tpu.memory_space<vmem>> -> memref<40x128xi32, #tpu.memory_space<vmem>>
      %dma_wait3A_45 = arith.constant 0 : i32
      %dma_wait3A_46 = arith.constant 0 : i32
      %dma_wait3A_47 = tpu.memref_slice %arg2[%arg1, %mul3A_6, %dma_wait3A_45, %dma_wait3A_46] : memref<16x4x40x128xi32, #tpu.memory_space<hbm>> -> memref<1x1x40x128xi32, #tpu.memory_space<hbm>>
      %dma_wait3A_48 = tpu.memref_squeeze %dma_wait3A_47 : memref<1x1x40x128xi32, #tpu.memory_space<hbm>> -> memref<40x128xi32, #tpu.memory_space<hbm>>
      tpu.wait_dma2 semaphore(%run_scoped3A : memref<!tpu.dma_semaphore, #tpu.memory_space<semaphore_mem>>) src(%dma_wait3A_48 : memref<40x128xi32, #tpu.memory_space<hbm>>) dst(%dma_wait3A_44 : memref<40x128xi32, #tpu.memory_space<vmem>>)
      tpu.yield
    }) : () -> ()
    %mul3A_7 = arith.constant 2 : i32
    %mul3A_8 = arith.muli %mul3A_7, %arg0 : i32
    %add3A_9 = arith.constant 1 : i32
    %add3A_10 = arith.addi %mul3A_8, %add3A_9 : i32
    "tpu.region"() ({
      %run_scoped3A = tpu.sem_alloc : memref<!tpu.dma_semaphore, #tpu.memory_space<semaphore_mem>>
      %dma_start3A = arith.constant 40 : i32
      %dma_start3A_23 = arith.constant 0 : i32
      %dma_start3A_24 = tpu.memref_slice %arg6[%dma_start3A, %dma_start3A_23] : memref<80x128xi32, #tpu.memory_space<vmem>> -> memref<40x128xi32, #tpu.memory_space<vmem>>
      %dma_start3A_25 = arith.constant 0 : i32
      %dma_start3A_26 = arith.constant 0 : i32
      %dma_start3A_27 = tpu.memref_slice %arg2[%arg1, %add3A_10, %dma_start3A_25, %dma_start3A_26] : memref<16x4x40x128xi32, #tpu.memory_space<hbm>> -> memref<1x1x40x128xi32, #tpu.memory_space<hbm>>
      %dma_start3A_28 = tpu.memref_squeeze %dma_start3A_27 : memref<1x1x40x128xi32, #tpu.memory_space<hbm>> -> memref<40x128xi32, #tpu.memory_space<hbm>>
      %dma_start3A_29 = arith.constant 40 : i32
      %dma_start3A_30 = arith.constant 0 : i32
      %dma_start3A_31 = tpu.memref_slice %arg6[%dma_start3A_29, %dma_start3A_30] : memref<80x128xi32, #tpu.memory_space<vmem>> -> memref<40x128xi32, #tpu.memory_space<vmem>>
      %dma_start3A_32 = arith.constant 0 : i32
      %dma_start3A_33 = arith.constant 0 : i32
      %dma_start3A_34 = tpu.memref_slice %arg2[%arg1, %add3A_10, %dma_start3A_32, %dma_start3A_33] : memref<16x4x40x128xi32, #tpu.memory_space<hbm>> -> memref<1x1x40x128xi32, #tpu.memory_space<hbm>>
      %dma_start3A_35 = tpu.memref_squeeze %dma_start3A_34 : memref<1x1x40x128xi32, #tpu.memory_space<hbm>> -> memref<40x128xi32, #tpu.memory_space<hbm>>
      tpu.enqueue_dma source(%dma_start3A_35 : memref<40x128xi32, #tpu.memory_space<hbm>>) target(%dma_start3A_31 : memref<40x128xi32, #tpu.memory_space<vmem>>) target_semaphore(%run_scoped3A : memref<!tpu.dma_semaphore, #tpu.memory_space<semaphore_mem>>)
      %dma_wait3A = arith.constant 40 : i32
      %dma_wait3A_36 = arith.constant 0 : i32
      %dma_wait3A_37 = tpu.memref_slice %arg6[%dma_wait3A, %dma_wait3A_36] : memref<80x128xi32, #tpu.memory_space<vmem>> -> memref<40x128xi32, #tpu.memory_space<vmem>>
      %dma_wait3A_38 = arith.constant 0 : i32
      %dma_wait3A_39 = arith.constant 0 : i32
      %dma_wait3A_40 = tpu.memref_slice %arg2[%arg1, %add3A_10, %dma_wait3A_38, %dma_wait3A_39] : memref<16x4x40x128xi32, #tpu.memory_space<hbm>> -> memref<1x1x40x128xi32, #tpu.memory_space<hbm>>
      %dma_wait3A_41 = tpu.memref_squeeze %dma_wait3A_40 : memref<1x1x40x128xi32, #tpu.memory_space<hbm>> -> memref<40x128xi32, #tpu.memory_space<hbm>>
      %dma_wait3A_42 = arith.constant 40 : i32
      %dma_wait3A_43 = arith.constant 0 : i32
      %dma_wait3A_44 = tpu.memref_slice %arg6[%dma_wait3A_42, %dma_wait3A_43] : memref<80x128xi32, #tpu.memory_space<vmem>> -> memref<40x128xi32, #tpu.memory_space<vmem>>
      %dma_wait3A_45 = arith.constant 0 : i32
      %dma_wait3A_46 = arith.constant 0 : i32
      %dma_wait3A_47 = tpu.memref_slice %arg2[%arg1, %add3A_10, %dma_wait3A_45, %dma_wait3A_46] : memref<16x4x40x128xi32, #tpu.memory_space<hbm>> -> memref<1x1x40x128xi32, #tpu.memory_space<hbm>>
      %dma_wait3A_48 = tpu.memref_squeeze %dma_wait3A_47 : memref<1x1x40x128xi32, #tpu.memory_space<hbm>> -> memref<40x128xi32, #tpu.memory_space<hbm>>
      tpu.wait_dma2 semaphore(%run_scoped3A : memref<!tpu.dma_semaphore, #tpu.memory_space<semaphore_mem>>) src(%dma_wait3A_48 : memref<40x128xi32, #tpu.memory_space<hbm>>) dst(%dma_wait3A_44 : memref<40x128xi32, #tpu.memory_space<vmem>>)
      tpu.yield
    }) : () -> ()
    %mul3A_11 = arith.constant 2 : i32
    %mul3A_12 = arith.muli %mul3A_11, %arg0 : i32
    "tpu.region"() ({
      %run_scoped3A = tpu.sem_alloc : memref<!tpu.dma_semaphore, #tpu.memory_space<semaphore_mem>>
      %dma_start3A = arith.constant 0 : i32
      %dma_start3A_23 = arith.constant 0 : i32
      %dma_start3A_24 = tpu.memref_slice %arg7[%dma_start3A, %dma_start3A_23] : memref<80x128xi32, #tpu.memory_space<vmem>> -> memref<40x128xi32, #tpu.memory_space<vmem>>
      %dma_start3A_25 = arith.constant 0 : i32
      %dma_start3A_26 = arith.constant 0 : i32
      %dma_start3A_27 = tpu.memref_slice %arg3[%arg1, %mul3A_12, %dma_start3A_25, %dma_start3A_26] : memref<16x4x40x128xi32, #tpu.memory_space<hbm>> -> memref<1x1x40x128xi32, #tpu.memory_space<hbm>>
      %dma_start3A_28 = tpu.memref_squeeze %dma_start3A_27 : memref<1x1x40x128xi32, #tpu.memory_space<hbm>> -> memref<40x128xi32, #tpu.memory_space<hbm>>
      %dma_start3A_29 = arith.constant 0 : i32
      %dma_start3A_30 = arith.constant 0 : i32
      %dma_start3A_31 = tpu.memref_slice %arg7[%dma_start3A_29, %dma_start3A_30] : memref<80x128xi32, #tpu.memory_space<vmem>> -> memref<40x128xi32, #tpu.memory_space<vmem>>
      %dma_start3A_32 = arith.constant 0 : i32
      %dma_start3A_33 = arith.constant 0 : i32
      %dma_start3A_34 = tpu.memref_slice %arg3[%arg1, %mul3A_12, %dma_start3A_32, %dma_start3A_33] : memref<16x4x40x128xi32, #tpu.memory_space<hbm>> -> memref<1x1x40x128xi32, #tpu.memory_space<hbm>>
      %dma_start3A_35 = tpu.memref_squeeze %dma_start3A_34 : memref<1x1x40x128xi32, #tpu.memory_space<hbm>> -> memref<40x128xi32, #tpu.memory_space<hbm>>
      tpu.enqueue_dma source(%dma_start3A_35 : memref<40x128xi32, #tpu.memory_space<hbm>>) target(%dma_start3A_31 : memref<40x128xi32, #tpu.memory_space<vmem>>) target_semaphore(%run_scoped3A : memref<!tpu.dma_semaphore, #tpu.memory_space<semaphore_mem>>)
      %dma_wait3A = arith.constant 0 : i32
      %dma_wait3A_36 = arith.constant 0 : i32
      %dma_wait3A_37 = tpu.memref_slice %arg7[%dma_wait3A, %dma_wait3A_36] : memref<80x128xi32, #tpu.memory_space<vmem>> -> memref<40x128xi32, #tpu.memory_space<vmem>>
      %dma_wait3A_38 = arith.constant 0 : i32
      %dma_wait3A_39 = arith.constant 0 : i32
      %dma_wait3A_40 = tpu.memref_slice %arg3[%arg1, %mul3A_12, %dma_wait3A_38, %dma_wait3A_39] : memref<16x4x40x128xi32, #tpu.memory_space<hbm>> -> memref<1x1x40x128xi32, #tpu.memory_space<hbm>>
      %dma_wait3A_41 = tpu.memref_squeeze %dma_wait3A_40 : memref<1x1x40x128xi32, #tpu.memory_space<hbm>> -> memref<40x128xi32, #tpu.memory_space<hbm>>
      %dma_wait3A_42 = arith.constant 0 : i32
      %dma_wait3A_43 = arith.constant 0 : i32
      %dma_wait3A_44 = tpu.memref_slice %arg7[%dma_wait3A_42, %dma_wait3A_43] : memref<80x128xi32, #tpu.memory_space<vmem>> -> memref<40x128xi32, #tpu.memory_space<vmem>>
      %dma_wait3A_45 = arith.constant 0 : i32
      %dma_wait3A_46 = arith.constant 0 : i32
      %dma_wait3A_47 = tpu.memref_slice %arg3[%arg1, %mul3A_12, %dma_wait3A_45, %dma_wait3A_46] : memref<16x4x40x128xi32, #tpu.memory_space<hbm>> -> memref<1x1x40x128xi32, #tpu.memory_space<hbm>>
      %dma_wait3A_48 = tpu.memref_squeeze %dma_wait3A_47 : memref<1x1x40x128xi32, #tpu.memory_space<hbm>> -> memref<40x128xi32, #tpu.memory_space<hbm>>
      tpu.wait_dma2 semaphore(%run_scoped3A : memref<!tpu.dma_semaphore, #tpu.memory_space<semaphore_mem>>) src(%dma_wait3A_48 : memref<40x128xi32, #tpu.memory_space<hbm>>) dst(%dma_wait3A_44 : memref<40x128xi32, #tpu.memory_space<vmem>>)
      tpu.yield
    }) : () -> ()
    %mul3A_13 = arith.constant 2 : i32
    %mul3A_14 = arith.muli %mul3A_13, %arg0 : i32
    %add3A_15 = arith.constant 1 : i32
    %add3A_16 = arith.addi %mul3A_14, %add3A_15 : i32
    "tpu.region"() ({
      %run_scoped3A = tpu.sem_alloc : memref<!tpu.dma_semaphore, #tpu.memory_space<semaphore_mem>>
      %dma_start3A = arith.constant 40 : i32
      %dma_start3A_23 = arith.constant 0 : i32
      %dma_start3A_24 = tpu.memref_slice %arg7[%dma_start3A, %dma_start3A_23] : memref<80x128xi32, #tpu.memory_space<vmem>> -> memref<40x128xi32, #tpu.memory_space<vmem>>
      %dma_start3A_25 = arith.constant 0 : i32
      %dma_start3A_26 = arith.constant 0 : i32
      %dma_start3A_27 = tpu.memref_slice %arg3[%arg1, %add3A_16, %dma_start3A_25, %dma_start3A_26] : memref<16x4x40x128xi32, #tpu.memory_space<hbm>> -> memref<1x1x40x128xi32, #tpu.memory_space<hbm>>
      %dma_start3A_28 = tpu.memref_squeeze %dma_start3A_27 : memref<1x1x40x128xi32, #tpu.memory_space<hbm>> -> memref<40x128xi32, #tpu.memory_space<hbm>>
      %dma_start3A_29 = arith.constant 40 : i32
      %dma_start3A_30 = arith.constant 0 : i32
      %dma_start3A_31 = tpu.memref_slice %arg7[%dma_start3A_29, %dma_start3A_30] : memref<80x128xi32, #tpu.memory_space<vmem>> -> memref<40x128xi32, #tpu.memory_space<vmem>>
      %dma_start3A_32 = arith.constant 0 : i32
      %dma_start3A_33 = arith.constant 0 : i32
      %dma_start3A_34 = tpu.memref_slice %arg3[%arg1, %add3A_16, %dma_start3A_32, %dma_start3A_33] : memref<16x4x40x128xi32, #tpu.memory_space<hbm>> -> memref<1x1x40x128xi32, #tpu.memory_space<hbm>>
      %dma_start3A_35 = tpu.memref_squeeze %dma_start3A_34 : memref<1x1x40x128xi32, #tpu.memory_space<hbm>> -> memref<40x128xi32, #tpu.memory_space<hbm>>
      tpu.enqueue_dma source(%dma_start3A_35 : memref<40x128xi32, #tpu.memory_space<hbm>>) target(%dma_start3A_31 : memref<40x128xi32, #tpu.memory_space<vmem>>) target_semaphore(%run_scoped3A : memref<!tpu.dma_semaphore, #tpu.memory_space<semaphore_mem>>)
      %dma_wait3A = arith.constant 40 : i32
      %dma_wait3A_36 = arith.constant 0 : i32
      %dma_wait3A_37 = tpu.memref_slice %arg7[%dma_wait3A, %dma_wait3A_36] : memref<80x128xi32, #tpu.memory_space<vmem>> -> memref<40x128xi32, #tpu.memory_space<vmem>>
      %dma_wait3A_38 = arith.constant 0 : i32
      %dma_wait3A_39 = arith.constant 0 : i32
      %dma_wait3A_40 = tpu.memref_slice %arg3[%arg1, %add3A_16, %dma_wait3A_38, %dma_wait3A_39] : memref<16x4x40x128xi32, #tpu.memory_space<hbm>> -> memref<1x1x40x128xi32, #tpu.memory_space<hbm>>
      %dma_wait3A_41 = tpu.memref_squeeze %dma_wait3A_40 : memref<1x1x40x128xi32, #tpu.memory_space<hbm>> -> memref<40x128xi32, #tpu.memory_space<hbm>>
      %dma_wait3A_42 = arith.constant 40 : i32
      %dma_wait3A_43 = arith.constant 0 : i32
      %dma_wait3A_44 = tpu.memref_slice %arg7[%dma_wait3A_42, %dma_wait3A_43] : memref<80x128xi32, #tpu.memory_space<vmem>> -> memref<40x128xi32, #tpu.memory_space<vmem>>
      %dma_wait3A_45 = arith.constant 0 : i32
      %dma_wait3A_46 = arith.constant 0 : i32
      %dma_wait3A_47 = tpu.memref_slice %arg3[%arg1, %add3A_16, %dma_wait3A_45, %dma_wait3A_46] : memref<16x4x40x128xi32, #tpu.memory_space<hbm>> -> memref<1x1x40x128xi32, #tpu.memory_space<hbm>>
      %dma_wait3A_48 = tpu.memref_squeeze %dma_wait3A_47 : memref<1x1x40x128xi32, #tpu.memory_space<hbm>> -> memref<40x128xi32, #tpu.memory_space<hbm>>
      tpu.wait_dma2 semaphore(%run_scoped3A : memref<!tpu.dma_semaphore, #tpu.memory_space<semaphore_mem>>) src(%dma_wait3A_48 : memref<40x128xi32, #tpu.memory_space<hbm>>) dst(%dma_wait3A_44 : memref<40x128xi32, #tpu.memory_space<vmem>>)
      tpu.yield
    }) : () -> ()
    %broadcast_in_dim3A = arith.constant 1.000000e+00 : f32
    %broadcast_in_dim3A_17 = vector.broadcast %broadcast_in_dim3A : f32 to vector<16xf32>
    %scan3A_18 = arith.constant 0 : i32
    %scan3A_19 = arith.constant 80 : i32
    %scan3A_20 = arith.addi %scan3A_18, %scan3A_19 : i32
    %scan3A_21 = arith.constant 1 : i32
    scf.for %scan3A_23 = %scan3A_18 to %scan3A_20 step %scan3A_21  : i32 {
      %mul3A_24 = arith.constant 1 : i32
      %mul3A_25 = arith.muli %scan3A_23, %mul3A_24 : i32
      %add3A_26 = arith.constant 0 : i32
      %add3A_27 = arith.addi %add3A_26, %mul3A_25 : i32
      %scan3A_28 = arith.constant 0 : i32
      %scan3A_29 = arith.constant 8 : i32
      %scan3A_30 = arith.addi %scan3A_28, %scan3A_29 : i32
      %scan3A_31 = arith.constant 1 : i32
      scf.for %scan3A_33 = %scan3A_28 to %scan3A_30 step %scan3A_31  : i32 {
        %mul3A_34 = arith.constant 1 : i32
        %mul3A_35 = arith.muli %scan3A_33, %mul3A_34 : i32
        %add3A_36 = arith.constant 0 : i32
        %add3A_37 = arith.addi %add3A_36, %mul3A_35 : i32
        %mul3A_38 = arith.constant 16 : i32
        %mul3A_39 = arith.muli %add3A_37, %mul3A_38 : i32
        %get3A = arith.index_cast %add3A_27 : i32 to index
        %get3A_40 = arith.index_cast %mul3A_39 : i32 to index
        %get3A_41 = tpu.vector_load %arg6[%get3A, %get3A_40] {strides = array<i32>} : memref<80x128xi32, #tpu.memory_space<vmem>>, vector<16xi32>,
        tpu.vector_store_idx %arg8[%get3A_41], %broadcast_in_dim3A_17 {add = true} : memref<10240xf32, #tpu.memory_space<vmem>>[vector<16xi32>], vector<16xf32>,
        %mul3A_42 = arith.constant 16 : i32
        %mul3A_43 = arith.muli %add3A_37, %mul3A_42 : i32
        %get3A_44 = arith.index_cast %add3A_27 : i32 to index
        %get3A_45 = arith.index_cast %mul3A_43 : i32 to index
        %get3A_46 = tpu.vector_load %arg7[%get3A_44, %get3A_45] {strides = array<i32>} : memref<80x128xi32, #tpu.memory_space<vmem>>, vector<16xi32>,
        tpu.vector_store_idx %arg9[%get3A_46], %broadcast_in_dim3A_17 {add = true} : memref<10240xf32, #tpu.memory_space<vmem>>[vector<16xi32>], vector<16xf32>,
      }
      %scan3A_32 = arith.constant 8 : i32
    }
    %scan3A_22 = arith.constant 80 : i32
    "tpu.region"() ({
      %run_scoped3A = tpu.sem_alloc : memref<!tpu.dma_semaphore, #tpu.memory_space<semaphore_mem>>
      %dma_start3A = arith.constant 0 : i32
      %dma_start3A_23 = tpu.memref_slice %arg4[%add3A, %dma_start3A] : memref<32x10240xf32, #tpu.memory_space<hbm>> -> memref<1x10240xf32, #tpu.memory_space<hbm>>
      %dma_start3A_24 = tpu.memref_squeeze %dma_start3A_23 : memref<1x10240xf32, #tpu.memory_space<hbm>> -> memref<10240xf32, #tpu.memory_space<hbm>>
      %dma_start3A_25 = arith.constant 0 : i32
      %dma_start3A_26 = tpu.memref_slice %arg4[%add3A, %dma_start3A_25] : memref<32x10240xf32, #tpu.memory_space<hbm>> -> memref<1x10240xf32, #tpu.memory_space<hbm>>
      %dma_start3A_27 = tpu.memref_squeeze %dma_start3A_26 : memref<1x10240xf32, #tpu.memory_space<hbm>> -> memref<10240xf32, #tpu.memory_space<hbm>>
      tpu.enqueue_dma source(%arg8 : memref<10240xf32, #tpu.memory_space<vmem>>) target(%dma_start3A_27 : memref<10240xf32, #tpu.memory_space<hbm>>) target_semaphore(%run_scoped3A : memref<!tpu.dma_semaphore, #tpu.memory_space<semaphore_mem>>)
      %dma_wait3A = arith.constant 0 : i32
      %dma_wait3A_28 = tpu.memref_slice %arg4[%add3A, %dma_wait3A] : memref<32x10240xf32, #tpu.memory_space<hbm>> -> memref<1x10240xf32, #tpu.memory_space<hbm>>
      %dma_wait3A_29 = tpu.memref_squeeze %dma_wait3A_28 : memref<1x10240xf32, #tpu.memory_space<hbm>> -> memref<10240xf32, #tpu.memory_space<hbm>>
      %dma_wait3A_30 = arith.constant 0 : i32
      %dma_wait3A_31 = tpu.memref_slice %arg4[%add3A, %dma_wait3A_30] : memref<32x10240xf32, #tpu.memory_space<hbm>> -> memref<1x10240xf32, #tpu.memory_space<hbm>>
      %dma_wait3A_32 = tpu.memref_squeeze %dma_wait3A_31 : memref<1x10240xf32, #tpu.memory_space<hbm>> -> memref<10240xf32, #tpu.memory_space<hbm>>
      tpu.wait_dma2 semaphore(%run_scoped3A : memref<!tpu.dma_semaphore, #tpu.memory_space<semaphore_mem>>) src(%arg8 : memref<10240xf32, #tpu.memory_space<vmem>>) dst(%dma_wait3A_32 : memref<10240xf32, #tpu.memory_space<hbm>>)
      tpu.yield
    }) : () -> ()
    "tpu.region"() ({
      %run_scoped3A = tpu.sem_alloc : memref<!tpu.dma_semaphore, #tpu.memory_space<semaphore_mem>>
      %dma_start3A = arith.constant 0 : i32
      %dma_start3A_23 = tpu.memref_slice %arg5[%add3A, %dma_start3A] : memref<32x10240xf32, #tpu.memory_space<hbm>> -> memref<1x10240xf32, #tpu.memory_space<hbm>>
      %dma_start3A_24 = tpu.memref_squeeze %dma_start3A_23 : memref<1x10240xf32, #tpu.memory_space<hbm>> -> memref<10240xf32, #tpu.memory_space<hbm>>
      %dma_start3A_25 = arith.constant 0 : i32
      %dma_start3A_26 = tpu.memref_slice %arg5[%add3A, %dma_start3A_25] : memref<32x10240xf32, #tpu.memory_space<hbm>> -> memref<1x10240xf32, #tpu.memory_space<hbm>>
      %dma_start3A_27 = tpu.memref_squeeze %dma_start3A_26 : memref<1x10240xf32, #tpu.memory_space<hbm>> -> memref<10240xf32, #tpu.memory_space<hbm>>
      tpu.enqueue_dma source(%arg9 : memref<10240xf32, #tpu.memory_space<vmem>>) target(%dma_start3A_27 : memref<10240xf32, #tpu.memory_space<hbm>>) target_semaphore(%run_scoped3A : memref<!tpu.dma_semaphore, #tpu.memory_space<semaphore_mem>>)
      %dma_wait3A = arith.constant 0 : i32
      %dma_wait3A_28 = tpu.memref_slice %arg5[%add3A, %dma_wait3A] : memref<32x10240xf32, #tpu.memory_space<hbm>> -> memref<1x10240xf32, #tpu.memory_space<hbm>>
      %dma_wait3A_29 = tpu.memref_squeeze %dma_wait3A_28 : memref<1x10240xf32, #tpu.memory_space<hbm>> -> memref<10240xf32, #tpu.memory_space<hbm>>
      %dma_wait3A_30 = arith.constant 0 : i32
      %dma_wait3A_31 = tpu.memref_slice %arg5[%add3A, %dma_wait3A_30] : memref<32x10240xf32, #tpu.memory_space<hbm>> -> memref<1x10240xf32, #tpu.memory_space<hbm>>
      %dma_wait3A_32 = tpu.memref_squeeze %dma_wait3A_31 : memref<1x10240xf32, #tpu.memory_space<hbm>> -> memref<10240xf32, #tpu.memory_space<hbm>>
      tpu.wait_dma2 semaphore(%run_scoped3A : memref<!tpu.dma_semaphore, #tpu.memory_space<semaphore_mem>>) src(%arg9 : memref<10240xf32, #tpu.memory_space<vmem>>) dst(%dma_wait3A_32 : memref<10240xf32, #tpu.memory_space<hbm>>)
      tpu.yield
    }) : () -> ()
    return
  }
}

#map = affine_map<(d0, d1) -> (0, 0, 0)>
#map1 = affine_map<(d0, d1) -> (0, 0, 0, 0)>
module attributes {stable_mosaic.version = 14 : i64} {
  func.func @_agg_sc(%arg0: i32, %arg1: i32, %arg2: memref<2x10240x64xf32, #tpu.memory_space<hbm>>, %arg3: memref<16x4x40x128xi32, #tpu.memory_space<hbm>>, %arg4: memref<16x4x40x128xi32, #tpu.memory_space<hbm>>, %arg5: memref<2x10240x64xf32, #tpu.memory_space<hbm>>, %arg6: memref<40x128xi32, #tpu.memory_space<vmem>>, %arg7: memref<40x128xi32, #tpu.memory_space<vmem>>, %arg8: memref<4x128x64xf32, #tpu.memory_space<vmem>>, %arg9: memref<10240x64xf32, #tpu.memory_space<vmem_shared>>, %arg10: memref<10240x64xf32, #tpu.memory_space<vmem_shared>>, %arg11: memref<!tpu.dma_semaphore, #tpu.memory_space<semaphore_mem>>) attributes {dimension_semantics = [#tpu.dimension_semantics<core_parallel>, #tpu.dimension_semantics<subcore_parallel>], iteration_bounds = array<i64: 2, 16>, scalar_prefetch = 0 : i64, scratch_operands = 6 : i64, tpu.core_type = #tpu.core_type<sc_vector_subcore>, window_params = [{transform_indices = #map}, {transform_indices = #map1}, {transform_indices = #map1}, {transform_indices = #map}]} {
    %scan3A = arith.constant 0 : i32
    %scan3A_0 = arith.constant 128 : i32
    %scan3A_1 = arith.addi %scan3A, %scan3A_0 : i32
    %scan3A_2 = arith.constant 1 : i32
    scf.for %scan3A_185 = %scan3A to %scan3A_1 step %scan3A_2  : i32 {
      %mul3A = arith.constant 1 : i32
      %mul3A_186 = arith.muli %scan3A_185, %mul3A : i32
      %add3A = arith.constant 0 : i32
      %add3A_187 = arith.addi %add3A, %mul3A_186 : i32
      %scan3A_188 = arith.constant 0 : i32
      %scan3A_189 = arith.constant 4 : i32
      %scan3A_190 = arith.addi %scan3A_188, %scan3A_189 : i32
      %scan3A_191 = arith.constant 1 : i32
      scf.for %scan3A_193 = %scan3A_188 to %scan3A_190 step %scan3A_191  : i32 {
        %mul3A_194 = arith.constant 1 : i32
        %mul3A_195 = arith.muli %scan3A_193, %mul3A_194 : i32
        %add3A_196 = arith.constant 0 : i32
        %add3A_197 = arith.addi %add3A_196, %mul3A_195 : i32
        %broadcast_in_dim3A = arith.constant 0.000000e+00 : f32
        %broadcast_in_dim3A_198 = vector.broadcast %broadcast_in_dim3A : f32 to vector<16xf32>
        %mul3A_199 = arith.constant 16 : i32
        %mul3A_200 = arith.muli %add3A_197, %mul3A_199 : i32
        %swap3A = arith.constant 0 : i32
        %swap3A_201 = arith.index_cast %swap3A : i32 to index
        %swap3A_202 = arith.index_cast %add3A_187 : i32 to index
        %swap3A_203 = arith.index_cast %mul3A_200 : i32 to index
        %swap3A_204 = tpu.vector_load %arg8[%swap3A_201, %swap3A_202, %swap3A_203] {strides = array<i32>} : memref<4x128x64xf32, #tpu.memory_space<vmem>>, vector<1x1x16xf32>,
        %swap3A_205 = vector.shape_cast %swap3A_204 : vector<1x1x16xf32> to vector<16xf32>
        %swap3A_206 = vector.shape_cast %broadcast_in_dim3A_198 : vector<16xf32> to vector<1x1x16xf32>
        tpu.vector_store %arg8[%swap3A_201, %swap3A_202, %swap3A_203], %swap3A_206 {strides = array<i32>} : memref<4x128x64xf32, #tpu.memory_space<vmem>>, vector<1x1x16xf32>,
      }
      %scan3A_192 = arith.constant 4 : i32
    }
    %scan3A_3 = arith.constant 128 : i32
    %scan3A_4 = arith.constant 0 : i32
    %scan3A_5 = arith.constant 5 : i32
    %scan3A_6 = arith.addi %scan3A_4, %scan3A_5 : i32
    %scan3A_7 = arith.constant 1 : i32
    scf.for %scan3A_185 = %scan3A_4 to %scan3A_6 step %scan3A_7  : i32 {
      %mul3A = arith.constant 1 : i32
      %mul3A_186 = arith.muli %scan3A_185, %mul3A : i32
      %add3A = arith.constant 0 : i32
      %add3A_187 = arith.addi %add3A, %mul3A_186 : i32
      %mul3A_188 = arith.constant 640 : i32
      %mul3A_189 = arith.muli %arg1, %mul3A_188 : i32
      %mul3A_190 = arith.constant 128 : i32
      %mul3A_191 = arith.muli %add3A_187, %mul3A_190 : i32
      %add3A_192 = arith.addi %mul3A_189, %mul3A_191 : i32
      %run_scoped3A_193 = arith.constant 0 : i32
      "tpu.region"() ({
        %run_scoped3A_194 = tpu.sem_alloc : memref<!tpu.dma_semaphore, #tpu.memory_space<semaphore_mem>>
        %dma_start3A_195 = arith.constant 0 : i32
        %dma_start3A_196 = arith.constant 0 : i32
        %dma_start3A_197 = tpu.memref_slice %arg8[%run_scoped3A_193, %dma_start3A_195, %dma_start3A_196] : memref<4x128x64xf32, #tpu.memory_space<vmem>> -> memref<1x128x64xf32, #tpu.memory_space<vmem>>
        %dma_start3A_198 = tpu.memref_squeeze %dma_start3A_197 : memref<1x128x64xf32, #tpu.memory_space<vmem>> -> memref<128x64xf32, #tpu.memory_space<vmem>>
        %dma_start3A_199 = arith.constant 0 : i32
        %dma_start3A_200 = tpu.memref_slice %arg10[%add3A_192, %dma_start3A_199] : memref<10240x64xf32, #tpu.memory_space<vmem_shared>> -> memref<128x64xf32, #tpu.memory_space<vmem_shared>>
        %dma_start3A_201 = arith.constant 0 : i32
        %dma_start3A_202 = tpu.memref_slice %arg10[%add3A_192, %dma_start3A_201] : memref<10240x64xf32, #tpu.memory_space<vmem_shared>> -> memref<128x64xf32, #tpu.memory_space<vmem_shared>>
        %dma_start3A_203 = arith.constant 0 : i32
        %dma_start3A_204 = arith.constant 0 : i32
        %dma_start3A_205 = tpu.memref_slice %arg8[%run_scoped3A_193, %dma_start3A_203, %dma_start3A_204] : memref<4x128x64xf32, #tpu.memory_space<vmem>> -> memref<1x128x64xf32, #tpu.memory_space<vmem>>
        %dma_start3A_206 = tpu.memref_squeeze %dma_start3A_205 : memref<1x128x64xf32, #tpu.memory_space<vmem>> -> memref<128x64xf32, #tpu.memory_space<vmem>>
        tpu.enqueue_dma source(%dma_start3A_206 : memref<128x64xf32, #tpu.memory_space<vmem>>) target(%dma_start3A_202 : memref<128x64xf32, #tpu.memory_space<vmem_shared>>) target_semaphore(%run_scoped3A_194 : memref<!tpu.dma_semaphore, #tpu.memory_space<semaphore_mem>>)
        %dma_wait3A = arith.constant 0 : i32
        %dma_wait3A_207 = arith.constant 0 : i32
        %dma_wait3A_208 = tpu.memref_slice %arg8[%run_scoped3A_193, %dma_wait3A, %dma_wait3A_207] : memref<4x128x64xf32, #tpu.memory_space<vmem>> -> memref<1x128x64xf32, #tpu.memory_space<vmem>>
        %dma_wait3A_209 = tpu.memref_squeeze %dma_wait3A_208 : memref<1x128x64xf32, #tpu.memory_space<vmem>> -> memref<128x64xf32, #tpu.memory_space<vmem>>
        %dma_wait3A_210 = arith.constant 0 : i32
        %dma_wait3A_211 = tpu.memref_slice %arg10[%add3A_192, %dma_wait3A_210] : memref<10240x64xf32, #tpu.memory_space<vmem_shared>> -> memref<128x64xf32, #tpu.memory_space<vmem_shared>>
        %dma_wait3A_212 = arith.constant 0 : i32
        %dma_wait3A_213 = tpu.memref_slice %arg10[%add3A_192, %dma_wait3A_212] : memref<10240x64xf32, #tpu.memory_space<vmem_shared>> -> memref<128x64xf32, #tpu.memory_space<vmem_shared>>
        %dma_wait3A_214 = arith.constant 0 : i32
        %dma_wait3A_215 = arith.constant 0 : i32
        %dma_wait3A_216 = tpu.memref_slice %arg8[%run_scoped3A_193, %dma_wait3A_214, %dma_wait3A_215] : memref<4x128x64xf32, #tpu.memory_space<vmem>> -> memref<1x128x64xf32, #tpu.memory_space<vmem>>
        %dma_wait3A_217 = tpu.memref_squeeze %dma_wait3A_216 : memref<1x128x64xf32, #tpu.memory_space<vmem>> -> memref<128x64xf32, #tpu.memory_space<vmem>>
        tpu.wait_dma2 semaphore(%run_scoped3A_194 : memref<!tpu.dma_semaphore, #tpu.memory_space<semaphore_mem>>) src(%dma_wait3A_217 : memref<128x64xf32, #tpu.memory_space<vmem>>) dst(%dma_wait3A_213 : memref<128x64xf32, #tpu.memory_space<vmem_shared>>)
        tpu.yield
      }) : () -> ()
      "tpu.region"() ({
        %run_scoped3A_194 = tpu.sem_alloc : memref<!tpu.dma_semaphore, #tpu.memory_space<semaphore_mem>>
        %dma_start3A_195 = arith.constant 0 : i32
        %dma_start3A_196 = tpu.memref_slice %arg9[%add3A_192, %dma_start3A_195] : memref<10240x64xf32, #tpu.memory_space<vmem_shared>> -> memref<128x64xf32, #tpu.memory_space<vmem_shared>>
        %dma_start3A_197 = arith.constant 0 : i32
        %dma_start3A_198 = tpu.memref_slice %arg2[%arg0, %add3A_192, %dma_start3A_197] : memref<2x10240x64xf32, #tpu.memory_space<hbm>> -> memref<1x128x64xf32, #tpu.memory_space<hbm>>
        %dma_start3A_199 = tpu.memref_squeeze %dma_start3A_198 : memref<1x128x64xf32, #tpu.memory_space<hbm>> -> memref<128x64xf32, #tpu.memory_space<hbm>>
        tpu.enqueue_dma source(%dma_start3A_199 : memref<128x64xf32, #tpu.memory_space<hbm>>) target(%dma_start3A_196 : memref<128x64xf32, #tpu.memory_space<vmem_shared>>) target_semaphore(%run_scoped3A_194 : memref<!tpu.dma_semaphore, #tpu.memory_space<semaphore_mem>>)
        %dma_wait3A = arith.constant 0 : i32
        %dma_wait3A_200 = tpu.memref_slice %arg9[%add3A_192, %dma_wait3A] : memref<10240x64xf32, #tpu.memory_space<vmem_shared>> -> memref<128x64xf32, #tpu.memory_space<vmem_shared>>
        %dma_wait3A_201 = arith.constant 0 : i32
        %dma_wait3A_202 = tpu.memref_slice %arg2[%arg0, %add3A_192, %dma_wait3A_201] : memref<2x10240x64xf32, #tpu.memory_space<hbm>> -> memref<1x128x64xf32, #tpu.memory_space<hbm>>
        %dma_wait3A_203 = tpu.memref_squeeze %dma_wait3A_202 : memref<1x128x64xf32, #tpu.memory_space<hbm>> -> memref<128x64xf32, #tpu.memory_space<hbm>>
        tpu.wait_dma2 semaphore(%run_scoped3A_194 : memref<!tpu.dma_semaphore, #tpu.memory_space<semaphore_mem>>) src(%dma_wait3A_203 : memref<128x64xf32, #tpu.memory_space<hbm>>) dst(%dma_wait3A_200 : memref<128x64xf32, #tpu.memory_space<vmem_shared>>)
        tpu.yield
      }) : () -> ()
    }
    %scan3A_8 = arith.constant 5 : i32
    %barrier3A = arith.constant 0 : index
    tpu.barrier barrier_id(%barrier3A)
    %run_scoped3A = arith.constant 0 : i32
    "tpu.region"() ({
      %run_scoped3A_185 = tpu.sem_alloc : memref<!tpu.dma_semaphore, #tpu.memory_space<semaphore_mem>>
      %dma_start3A_186 = arith.constant 0 : i32
      %dma_start3A_187 = arith.constant 0 : i32
      %dma_start3A_188 = tpu.memref_slice %arg3[%arg1, %run_scoped3A, %dma_start3A_186, %dma_start3A_187] : memref<16x4x40x128xi32, #tpu.memory_space<hbm>> -> memref<1x1x40x128xi32, #tpu.memory_space<hbm>>
      %dma_start3A_189 = tpu.memref_squeeze %dma_start3A_188 : memref<1x1x40x128xi32, #tpu.memory_space<hbm>> -> memref<40x128xi32, #tpu.memory_space<hbm>>
      %dma_start3A_190 = arith.constant 0 : i32
      %dma_start3A_191 = arith.constant 0 : i32
      %dma_start3A_192 = tpu.memref_slice %arg3[%arg1, %run_scoped3A, %dma_start3A_190, %dma_start3A_191] : memref<16x4x40x128xi32, #tpu.memory_space<hbm>> -> memref<1x1x40x128xi32, #tpu.memory_space<hbm>>
      %dma_start3A_193 = tpu.memref_squeeze %dma_start3A_192 : memref<1x1x40x128xi32, #tpu.memory_space<hbm>> -> memref<40x128xi32, #tpu.memory_space<hbm>>
      tpu.enqueue_dma source(%dma_start3A_193 : memref<40x128xi32, #tpu.memory_space<hbm>>) target(%arg6 : memref<40x128xi32, #tpu.memory_space<vmem>>) target_semaphore(%run_scoped3A_185 : memref<!tpu.dma_semaphore, #tpu.memory_space<semaphore_mem>>)
      %dma_wait3A = arith.constant 0 : i32
      %dma_wait3A_194 = arith.constant 0 : i32
      %dma_wait3A_195 = tpu.memref_slice %arg3[%arg1, %run_scoped3A, %dma_wait3A, %dma_wait3A_194] : memref<16x4x40x128xi32, #tpu.memory_space<hbm>> -> memref<1x1x40x128xi32, #tpu.memory_space<hbm>>
      %dma_wait3A_196 = tpu.memref_squeeze %dma_wait3A_195 : memref<1x1x40x128xi32, #tpu.memory_space<hbm>> -> memref<40x128xi32, #tpu.memory_space<hbm>>
      %dma_wait3A_197 = arith.constant 0 : i32
      %dma_wait3A_198 = arith.constant 0 : i32
      %dma_wait3A_199 = tpu.memref_slice %arg3[%arg1, %run_scoped3A, %dma_wait3A_197, %dma_wait3A_198] : memref<16x4x40x128xi32, #tpu.memory_space<hbm>> -> memref<1x1x40x128xi32, #tpu.memory_space<hbm>>
      %dma_wait3A_200 = tpu.memref_squeeze %dma_wait3A_199 : memref<1x1x40x128xi32, #tpu.memory_space<hbm>> -> memref<40x128xi32, #tpu.memory_space<hbm>>
      tpu.wait_dma2 semaphore(%run_scoped3A_185 : memref<!tpu.dma_semaphore, #tpu.memory_space<semaphore_mem>>) src(%dma_wait3A_200 : memref<40x128xi32, #tpu.memory_space<hbm>>) dst(%arg6 : memref<40x128xi32, #tpu.memory_space<vmem>>)
      tpu.yield
    }) : () -> ()
    %run_scoped3A_9 = arith.constant 0 : i32
    "tpu.region"() ({
      %run_scoped3A_185 = tpu.sem_alloc : memref<!tpu.dma_semaphore, #tpu.memory_space<semaphore_mem>>
      %dma_start3A_186 = arith.constant 0 : i32
      %dma_start3A_187 = arith.constant 0 : i32
      %dma_start3A_188 = tpu.memref_slice %arg4[%arg1, %run_scoped3A_9, %dma_start3A_186, %dma_start3A_187] : memref<16x4x40x128xi32, #tpu.memory_space<hbm>> -> memref<1x1x40x128xi32, #tpu.memory_space<hbm>>
      %dma_start3A_189 = tpu.memref_squeeze %dma_start3A_188 : memref<1x1x40x128xi32, #tpu.memory_space<hbm>> -> memref<40x128xi32, #tpu.memory_space<hbm>>
      %dma_start3A_190 = arith.constant 0 : i32
      %dma_start3A_191 = arith.constant 0 : i32
      %dma_start3A_192 = tpu.memref_slice %arg4[%arg1, %run_scoped3A_9, %dma_start3A_190, %dma_start3A_191] : memref<16x4x40x128xi32, #tpu.memory_space<hbm>> -> memref<1x1x40x128xi32, #tpu.memory_space<hbm>>
      %dma_start3A_193 = tpu.memref_squeeze %dma_start3A_192 : memref<1x1x40x128xi32, #tpu.memory_space<hbm>> -> memref<40x128xi32, #tpu.memory_space<hbm>>
      tpu.enqueue_dma source(%dma_start3A_193 : memref<40x128xi32, #tpu.memory_space<hbm>>) target(%arg7 : memref<40x128xi32, #tpu.memory_space<vmem>>) target_semaphore(%run_scoped3A_185 : memref<!tpu.dma_semaphore, #tpu.memory_space<semaphore_mem>>)
      %dma_wait3A = arith.constant 0 : i32
      %dma_wait3A_194 = arith.constant 0 : i32
      %dma_wait3A_195 = tpu.memref_slice %arg4[%arg1, %run_scoped3A_9, %dma_wait3A, %dma_wait3A_194] : memref<16x4x40x128xi32, #tpu.memory_space<hbm>> -> memref<1x1x40x128xi32, #tpu.memory_space<hbm>>
      %dma_wait3A_196 = tpu.memref_squeeze %dma_wait3A_195 : memref<1x1x40x128xi32, #tpu.memory_space<hbm>> -> memref<40x128xi32, #tpu.memory_space<hbm>>
      %dma_wait3A_197 = arith.constant 0 : i32
      %dma_wait3A_198 = arith.constant 0 : i32
      %dma_wait3A_199 = tpu.memref_slice %arg4[%arg1, %run_scoped3A_9, %dma_wait3A_197, %dma_wait3A_198] : memref<16x4x40x128xi32, #tpu.memory_space<hbm>> -> memref<1x1x40x128xi32, #tpu.memory_space<hbm>>
      %dma_wait3A_200 = tpu.memref_squeeze %dma_wait3A_199 : memref<1x1x40x128xi32, #tpu.memory_space<hbm>> -> memref<40x128xi32, #tpu.memory_space<hbm>>
      tpu.wait_dma2 semaphore(%run_scoped3A_185 : memref<!tpu.dma_semaphore, #tpu.memory_space<semaphore_mem>>) src(%dma_wait3A_200 : memref<40x128xi32, #tpu.memory_space<hbm>>) dst(%arg7 : memref<40x128xi32, #tpu.memory_space<vmem>>)
      tpu.yield
    }) : () -> ()
    %dma_start3A = arith.constant 0 : i32
    %dma_start3A_10 = arith.constant 0 : i32
    %dma_start3A_11 = arith.constant 0 : i32
    %dma_start3A_12 = arith.constant 0 : i32
    %dma_start3A_13 = tpu.memref_slice %arg8[%dma_start3A_10, %dma_start3A_11, %dma_start3A_12] : memref<4x128x64xf32, #tpu.memory_space<vmem>> -> memref<1x128x64xf32, #tpu.memory_space<vmem>>
    %dma_start3A_14 = tpu.memref_squeeze %dma_start3A_13 : memref<1x128x64xf32, #tpu.memory_space<vmem>> -> memref<128x64xf32, #tpu.memory_space<vmem>>
    %dma_start3A_15 = arith.constant 0 : i32
    %dma_start3A_16 = tpu.memref_slice %arg6[%dma_start3A, %dma_start3A_15] : memref<40x128xi32, #tpu.memory_space<vmem>> -> memref<1x128xi32, #tpu.memory_space<vmem>>
    %dma_start3A_17 = tpu.memref_squeeze %dma_start3A_16 : memref<1x128xi32, #tpu.memory_space<vmem>> -> memref<128xi32, #tpu.memory_space<vmem>>
    %dma_start3A_18 = arith.constant 0 : i32
    %dma_start3A_19 = arith.constant 0 : i32
    %dma_start3A_20 = tpu.memref_slice %arg9[%dma_start3A_18, %dma_start3A_19] : memref<10240x64xf32, #tpu.memory_space<vmem_shared>> -> memref<10240x64xf32, #tpu.memory_space<vmem_shared>>
    tpu.enqueue_indirect_dma source(%dma_start3A_20 : memref<10240x64xf32, #tpu.memory_space<vmem_shared>>) target(%dma_start3A_14 : memref<128x64xf32, #tpu.memory_space<vmem>>) offsets(%dma_start3A_17 : memref<128xi32, #tpu.memory_space<vmem>>) semaphore(%arg11 : memref<!tpu.dma_semaphore, #tpu.memory_space<semaphore_mem>>)
    %dma_start3A_21 = arith.constant 1 : i32
    %dma_start3A_22 = arith.constant 1 : i32
    %dma_start3A_23 = arith.constant 0 : i32
    %dma_start3A_24 = arith.constant 0 : i32
    %dma_start3A_25 = tpu.memref_slice %arg8[%dma_start3A_22, %dma_start3A_23, %dma_start3A_24] : memref<4x128x64xf32, #tpu.memory_space<vmem>> -> memref<1x128x64xf32, #tpu.memory_space<vmem>>
    %dma_start3A_26 = tpu.memref_squeeze %dma_start3A_25 : memref<1x128x64xf32, #tpu.memory_space<vmem>> -> memref<128x64xf32, #tpu.memory_space<vmem>>
    %dma_start3A_27 = arith.constant 0 : i32
    %dma_start3A_28 = tpu.memref_slice %arg6[%dma_start3A_21, %dma_start3A_27] : memref<40x128xi32, #tpu.memory_space<vmem>> -> memref<1x128xi32, #tpu.memory_space<vmem>>
    %dma_start3A_29 = tpu.memref_squeeze %dma_start3A_28 : memref<1x128xi32, #tpu.memory_space<vmem>> -> memref<128xi32, #tpu.memory_space<vmem>>
    %dma_start3A_30 = arith.constant 0 : i32
    %dma_start3A_31 = arith.constant 0 : i32
    %dma_start3A_32 = tpu.memref_slice %arg9[%dma_start3A_30, %dma_start3A_31] : memref<10240x64xf32, #tpu.memory_space<vmem_shared>> -> memref<10240x64xf32, #tpu.memory_space<vmem_shared>>
    tpu.enqueue_indirect_dma source(%dma_start3A_32 : memref<10240x64xf32, #tpu.memory_space<vmem_shared>>) target(%dma_start3A_26 : memref<128x64xf32, #tpu.memory_space<vmem>>) offsets(%dma_start3A_29 : memref<128xi32, #tpu.memory_space<vmem>>) semaphore(%arg11 : memref<!tpu.dma_semaphore, #tpu.memory_space<semaphore_mem>>)
    %dma_start3A_33 = arith.constant 2 : i32
    %dma_start3A_34 = arith.constant 2 : i32
    %dma_start3A_35 = arith.constant 0 : i32
    %dma_start3A_36 = arith.constant 0 : i32
    %dma_start3A_37 = tpu.memref_slice %arg8[%dma_start3A_34, %dma_start3A_35, %dma_start3A_36] : memref<4x128x64xf32, #tpu.memory_space<vmem>> -> memref<1x128x64xf32, #tpu.memory_space<vmem>>
    %dma_start3A_38 = tpu.memref_squeeze %dma_start3A_37 : memref<1x128x64xf32, #tpu.memory_space<vmem>> -> memref<128x64xf32, #tpu.memory_space<vmem>>
    %dma_start3A_39 = arith.constant 0 : i32
    %dma_start3A_40 = tpu.memref_slice %arg6[%dma_start3A_33, %dma_start3A_39] : memref<40x128xi32, #tpu.memory_space<vmem>> -> memref<1x128xi32, #tpu.memory_space<vmem>>
    %dma_start3A_41 = tpu.memref_squeeze %dma_start3A_40 : memref<1x128xi32, #tpu.memory_space<vmem>> -> memref<128xi32, #tpu.memory_space<vmem>>
    %dma_start3A_42 = arith.constant 0 : i32
    %dma_start3A_43 = arith.constant 0 : i32
    %dma_start3A_44 = tpu.memref_slice %arg9[%dma_start3A_42, %dma_start3A_43] : memref<10240x64xf32, #tpu.memory_space<vmem_shared>> -> memref<10240x64xf32, #tpu.memory_space<vmem_shared>>
    tpu.enqueue_indirect_dma source(%dma_start3A_44 : memref<10240x64xf32, #tpu.memory_space<vmem_shared>>) target(%dma_start3A_38 : memref<128x64xf32, #tpu.memory_space<vmem>>) offsets(%dma_start3A_41 : memref<128xi32, #tpu.memory_space<vmem>>) semaphore(%arg11 : memref<!tpu.dma_semaphore, #tpu.memory_space<semaphore_mem>>)
    %scan3A_45 = arith.constant 0 : i32
    %scan3A_46 = arith.constant 40 : i32
    %scan3A_47 = arith.addi %scan3A_45, %scan3A_46 : i32
    %scan3A_48 = arith.constant 1 : i32
    scf.for %scan3A_185 = %scan3A_45 to %scan3A_47 step %scan3A_48  : i32 {
      %mul3A = arith.constant 1 : i32
      %mul3A_186 = arith.muli %scan3A_185, %mul3A : i32
      %add3A = arith.constant 0 : i32
      %add3A_187 = arith.addi %add3A, %mul3A_186 : i32
      %rem3A = arith.constant 4 : i32
      %rem3A_188 = arith.remsi %add3A_187, %rem3A : i32
      %dma_wait3A = arith.constant 0 : i32
      %dma_wait3A_189 = arith.constant 0 : i32
      %dma_wait3A_190 = arith.constant 0 : i32
      %dma_wait3A_191 = arith.constant 0 : i32
      %dma_wait3A_192 = tpu.memref_slice %arg8[%dma_wait3A_189, %dma_wait3A_190, %dma_wait3A_191] : memref<4x128x64xf32, #tpu.memory_space<vmem>> -> memref<1x128x64xf32, #tpu.memory_space<vmem>>
      %dma_wait3A_193 = tpu.memref_squeeze %dma_wait3A_192 : memref<1x128x64xf32, #tpu.memory_space<vmem>> -> memref<128x64xf32, #tpu.memory_space<vmem>>
      %dma_wait3A_194 = arith.constant 0 : i32
      %dma_wait3A_195 = tpu.memref_slice %arg6[%dma_wait3A, %dma_wait3A_194] : memref<40x128xi32, #tpu.memory_space<vmem>> -> memref<1x128xi32, #tpu.memory_space<vmem>>
      %dma_wait3A_196 = tpu.memref_squeeze %dma_wait3A_195 : memref<1x128xi32, #tpu.memory_space<vmem>> -> memref<128xi32, #tpu.memory_space<vmem>>
      %dma_wait3A_197 = arith.constant 0 : i32
      %dma_wait3A_198 = arith.constant 0 : i32
      %dma_wait3A_199 = tpu.memref_slice %arg9[%dma_wait3A_197, %dma_wait3A_198] : memref<10240x64xf32, #tpu.memory_space<vmem_shared>> -> memref<10240x64xf32, #tpu.memory_space<vmem_shared>>
      tpu.wait_indirect_dma semaphore(%arg11 : memref<!tpu.dma_semaphore, #tpu.memory_space<semaphore_mem>>) src(%dma_wait3A_199 : memref<10240x64xf32, #tpu.memory_space<vmem_shared>>) dst(%dma_wait3A_193 : memref<128x64xf32, #tpu.memory_space<vmem>>)
      %add3A_200 = arith.constant 4 : i32
      %add3A_201 = arith.addi %add3A_187, %add3A_200 : i32
      %sub3A = arith.constant 1 : i32
      %sub3A_202 = arith.subi %add3A_201, %sub3A : i32
      %lt3A = arith.constant 40 : i32
      %lt3A_203 = arith.cmpi slt, %sub3A_202, %lt3A : i32
      %convert_element_type3A = arith.extui %lt3A_203 : i1 to i32
      %cond3A = arith.constant 0 : i32
      %cond3A_204 = arith.cmpi ne, %convert_element_type3A, %cond3A : i32
      scf.if %cond3A_204 {
        %add3A_205 = arith.constant 4 : i32
        %add3A_206 = arith.addi %add3A_187, %add3A_205 : i32
        %sub3A_207 = arith.constant 1 : i32
        %sub3A_208 = arith.subi %add3A_206, %sub3A_207 : i32
        %rem3A_209 = arith.constant 4 : i32
        %rem3A_210 = arith.remsi %sub3A_208, %rem3A_209 : i32
        %dma_start3A_211 = arith.constant 0 : i32
        %dma_start3A_212 = arith.constant 0 : i32
        %dma_start3A_213 = tpu.memref_slice %arg8[%rem3A_210, %dma_start3A_211, %dma_start3A_212] : memref<4x128x64xf32, #tpu.memory_space<vmem>> -> memref<1x128x64xf32, #tpu.memory_space<vmem>>
        %dma_start3A_214 = tpu.memref_squeeze %dma_start3A_213 : memref<1x128x64xf32, #tpu.memory_space<vmem>> -> memref<128x64xf32, #tpu.memory_space<vmem>>
        %dma_start3A_215 = arith.constant 0 : i32
        %dma_start3A_216 = tpu.memref_slice %arg6[%sub3A_208, %dma_start3A_215] : memref<40x128xi32, #tpu.memory_space<vmem>> -> memref<1x128xi32, #tpu.memory_space<vmem>>
        %dma_start3A_217 = tpu.memref_squeeze %dma_start3A_216 : memref<1x128xi32, #tpu.memory_space<vmem>> -> memref<128xi32, #tpu.memory_space<vmem>>
        %dma_start3A_218 = arith.constant 0 : i32
        %dma_start3A_219 = arith.constant 0 : i32
        %dma_start3A_220 = tpu.memref_slice %arg9[%dma_start3A_218, %dma_start3A_219] : memref<10240x64xf32, #tpu.memory_space<vmem_shared>> -> memref<10240x64xf32, #tpu.memory_space<vmem_shared>>
        tpu.enqueue_indirect_dma source(%dma_start3A_220 : memref<10240x64xf32, #tpu.memory_space<vmem_shared>>) target(%dma_start3A_214 : memref<128x64xf32, #tpu.memory_space<vmem>>) offsets(%dma_start3A_217 : memref<128xi32, #tpu.memory_space<vmem>>) semaphore(%arg11 : memref<!tpu.dma_semaphore, #tpu.memory_space<semaphore_mem>>)
      } else {
      }
      "tpu.region"() ({
        %run_scoped3A_205 = tpu.sem_alloc : memref<!tpu.dma_semaphore, #tpu.memory_space<semaphore_mem>>
        %dma_start3A_206 = arith.constant 0 : i32
        %dma_start3A_207 = arith.constant 0 : i32
        %dma_start3A_208 = tpu.memref_slice %arg8[%rem3A_188, %dma_start3A_206, %dma_start3A_207] : memref<4x128x64xf32, #tpu.memory_space<vmem>> -> memref<1x128x64xf32, #tpu.memory_space<vmem>>
        %dma_start3A_209 = tpu.memref_squeeze %dma_start3A_208 : memref<1x128x64xf32, #tpu.memory_space<vmem>> -> memref<128x64xf32, #tpu.memory_space<vmem>>
        %dma_start3A_210 = arith.constant 0 : i32
        %dma_start3A_211 = tpu.memref_slice %arg7[%add3A_187, %dma_start3A_210] : memref<40x128xi32, #tpu.memory_space<vmem>> -> memref<1x128xi32, #tpu.memory_space<vmem>>
        %dma_start3A_212 = tpu.memref_squeeze %dma_start3A_211 : memref<1x128xi32, #tpu.memory_space<vmem>> -> memref<128xi32, #tpu.memory_space<vmem>>
        %dma_start3A_213 = arith.constant 0 : i32
        %dma_start3A_214 = arith.constant 0 : i32
        %dma_start3A_215 = tpu.memref_slice %arg10[%dma_start3A_213, %dma_start3A_214] : memref<10240x64xf32, #tpu.memory_space<vmem_shared>> -> memref<10240x64xf32, #tpu.memory_space<vmem_shared>>
        tpu.enqueue_indirect_dma source(%dma_start3A_209 : memref<128x64xf32, #tpu.memory_space<vmem>>) target(%dma_start3A_215 : memref<10240x64xf32, #tpu.memory_space<vmem_shared>>) offsets(%dma_start3A_212 : memref<128xi32, #tpu.memory_space<vmem>>) semaphore(%run_scoped3A_205 : memref<!tpu.dma_semaphore, #tpu.memory_space<semaphore_mem>>) {add = true}
        %dma_wait3A_216 = arith.constant 0 : i32
        %dma_wait3A_217 = arith.constant 0 : i32
        %dma_wait3A_218 = tpu.memref_slice %arg8[%rem3A_188, %dma_wait3A_216, %dma_wait3A_217] : memref<4x128x64xf32, #tpu.memory_space<vmem>> -> memref<1x128x64xf32, #tpu.memory_space<vmem>>
        %dma_wait3A_219 = tpu.memref_squeeze %dma_wait3A_218 : memref<1x128x64xf32, #tpu.memory_space<vmem>> -> memref<128x64xf32, #tpu.memory_space<vmem>>
        %dma_wait3A_220 = arith.constant 0 : i32
        %dma_wait3A_221 = tpu.memref_slice %arg7[%add3A_187, %dma_wait3A_220] : memref<40x128xi32, #tpu.memory_space<vmem>> -> memref<1x128xi32, #tpu.memory_space<vmem>>
        %dma_wait3A_222 = tpu.memref_squeeze %dma_wait3A_221 : memref<1x128xi32, #tpu.memory_space<vmem>> -> memref<128xi32, #tpu.memory_space<vmem>>
        %dma_wait3A_223 = arith.constant 0 : i32
        %dma_wait3A_224 = arith.constant 0 : i32
        %dma_wait3A_225 = tpu.memref_slice %arg10[%dma_wait3A_223, %dma_wait3A_224] : memref<10240x64xf32, #tpu.memory_space<vmem_shared>> -> memref<10240x64xf32, #tpu.memory_space<vmem_shared>>
        tpu.wait_indirect_dma semaphore(%run_scoped3A_205 : memref<!tpu.dma_semaphore, #tpu.memory_space<semaphore_mem>>) src(%dma_wait3A_219 : memref<128x64xf32, #tpu.memory_space<vmem>>) dst(%dma_wait3A_225 : memref<10240x64xf32, #tpu.memory_space<vmem_shared>>)
        tpu.yield
      }) : () -> ()
    }
    %scan3A_49 = arith.constant 40 : i32
    %run_scoped3A_50 = arith.constant 1 : i32
    "tpu.region"() ({
      %run_scoped3A_185 = tpu.sem_alloc : memref<!tpu.dma_semaphore, #tpu.memory_space<semaphore_mem>>
      %dma_start3A_186 = arith.constant 0 : i32
      %dma_start3A_187 = arith.constant 0 : i32
      %dma_start3A_188 = tpu.memref_slice %arg3[%arg1, %run_scoped3A_50, %dma_start3A_186, %dma_start3A_187] : memref<16x4x40x128xi32, #tpu.memory_space<hbm>> -> memref<1x1x40x128xi32, #tpu.memory_space<hbm>>
      %dma_start3A_189 = tpu.memref_squeeze %dma_start3A_188 : memref<1x1x40x128xi32, #tpu.memory_space<hbm>> -> memref<40x128xi32, #tpu.memory_space<hbm>>
      %dma_start3A_190 = arith.constant 0 : i32
      %dma_start3A_191 = arith.constant 0 : i32
      %dma_start3A_192 = tpu.memref_slice %arg3[%arg1, %run_scoped3A_50, %dma_start3A_190, %dma_start3A_191] : memref<16x4x40x128xi32, #tpu.memory_space<hbm>> -> memref<1x1x40x128xi32, #tpu.memory_space<hbm>>
      %dma_start3A_193 = tpu.memref_squeeze %dma_start3A_192 : memref<1x1x40x128xi32, #tpu.memory_space<hbm>> -> memref<40x128xi32, #tpu.memory_space<hbm>>
      tpu.enqueue_dma source(%dma_start3A_193 : memref<40x128xi32, #tpu.memory_space<hbm>>) target(%arg6 : memref<40x128xi32, #tpu.memory_space<vmem>>) target_semaphore(%run_scoped3A_185 : memref<!tpu.dma_semaphore, #tpu.memory_space<semaphore_mem>>)
      %dma_wait3A = arith.constant 0 : i32
      %dma_wait3A_194 = arith.constant 0 : i32
      %dma_wait3A_195 = tpu.memref_slice %arg3[%arg1, %run_scoped3A_50, %dma_wait3A, %dma_wait3A_194] : memref<16x4x40x128xi32, #tpu.memory_space<hbm>> -> memref<1x1x40x128xi32, #tpu.memory_space<hbm>>
      %dma_wait3A_196 = tpu.memref_squeeze %dma_wait3A_195 : memref<1x1x40x128xi32, #tpu.memory_space<hbm>> -> memref<40x128xi32, #tpu.memory_space<hbm>>
      %dma_wait3A_197 = arith.constant 0 : i32
      %dma_wait3A_198 = arith.constant 0 : i32
      %dma_wait3A_199 = tpu.memref_slice %arg3[%arg1, %run_scoped3A_50, %dma_wait3A_197, %dma_wait3A_198] : memref<16x4x40x128xi32, #tpu.memory_space<hbm>> -> memref<1x1x40x128xi32, #tpu.memory_space<hbm>>
      %dma_wait3A_200 = tpu.memref_squeeze %dma_wait3A_199 : memref<1x1x40x128xi32, #tpu.memory_space<hbm>> -> memref<40x128xi32, #tpu.memory_space<hbm>>
      tpu.wait_dma2 semaphore(%run_scoped3A_185 : memref<!tpu.dma_semaphore, #tpu.memory_space<semaphore_mem>>) src(%dma_wait3A_200 : memref<40x128xi32, #tpu.memory_space<hbm>>) dst(%arg6 : memref<40x128xi32, #tpu.memory_space<vmem>>)
      tpu.yield
    }) : () -> ()
    %run_scoped3A_51 = arith.constant 1 : i32
    "tpu.region"() ({
      %run_scoped3A_185 = tpu.sem_alloc : memref<!tpu.dma_semaphore, #tpu.memory_space<semaphore_mem>>
      %dma_start3A_186 = arith.constant 0 : i32
      %dma_start3A_187 = arith.constant 0 : i32
      %dma_start3A_188 = tpu.memref_slice %arg4[%arg1, %run_scoped3A_51, %dma_start3A_186, %dma_start3A_187] : memref<16x4x40x128xi32, #tpu.memory_space<hbm>> -> memref<1x1x40x128xi32, #tpu.memory_space<hbm>>
      %dma_start3A_189 = tpu.memref_squeeze %dma_start3A_188 : memref<1x1x40x128xi32, #tpu.memory_space<hbm>> -> memref<40x128xi32, #tpu.memory_space<hbm>>
      %dma_start3A_190 = arith.constant 0 : i32
      %dma_start3A_191 = arith.constant 0 : i32
      %dma_start3A_192 = tpu.memref_slice %arg4[%arg1, %run_scoped3A_51, %dma_start3A_190, %dma_start3A_191] : memref<16x4x40x128xi32, #tpu.memory_space<hbm>> -> memref<1x1x40x128xi32, #tpu.memory_space<hbm>>
      %dma_start3A_193 = tpu.memref_squeeze %dma_start3A_192 : memref<1x1x40x128xi32, #tpu.memory_space<hbm>> -> memref<40x128xi32, #tpu.memory_space<hbm>>
      tpu.enqueue_dma source(%dma_start3A_193 : memref<40x128xi32, #tpu.memory_space<hbm>>) target(%arg7 : memref<40x128xi32, #tpu.memory_space<vmem>>) target_semaphore(%run_scoped3A_185 : memref<!tpu.dma_semaphore, #tpu.memory_space<semaphore_mem>>)
      %dma_wait3A = arith.constant 0 : i32
      %dma_wait3A_194 = arith.constant 0 : i32
      %dma_wait3A_195 = tpu.memref_slice %arg4[%arg1, %run_scoped3A_51, %dma_wait3A, %dma_wait3A_194] : memref<16x4x40x128xi32, #tpu.memory_space<hbm>> -> memref<1x1x40x128xi32, #tpu.memory_space<hbm>>
      %dma_wait3A_196 = tpu.memref_squeeze %dma_wait3A_195 : memref<1x1x40x128xi32, #tpu.memory_space<hbm>> -> memref<40x128xi32, #tpu.memory_space<hbm>>
      %dma_wait3A_197 = arith.constant 0 : i32
      %dma_wait3A_198 = arith.constant 0 : i32
      %dma_wait3A_199 = tpu.memref_slice %arg4[%arg1, %run_scoped3A_51, %dma_wait3A_197, %dma_wait3A_198] : memref<16x4x40x128xi32, #tpu.memory_space<hbm>> -> memref<1x1x40x128xi32, #tpu.memory_space<hbm>>
      %dma_wait3A_200 = tpu.memref_squeeze %dma_wait3A_199 : memref<1x1x40x128xi32, #tpu.memory_space<hbm>> -> memref<40x128xi32, #tpu.memory_space<hbm>>
      tpu.wait_dma2 semaphore(%run_scoped3A_185 : memref<!tpu.dma_semaphore, #tpu.memory_space<semaphore_mem>>) src(%dma_wait3A_200 : memref<40x128xi32, #tpu.memory_space<hbm>>) dst(%arg7 : memref<40x128xi32, #tpu.memory_space<vmem>>)
      tpu.yield
    }) : () -> ()
    %dma_start3A_52 = arith.constant 0 : i32
    %dma_start3A_53 = arith.constant 0 : i32
    %dma_start3A_54 = arith.constant 0 : i32
    %dma_start3A_55 = arith.constant 0 : i32
    %dma_start3A_56 = tpu.memref_slice %arg8[%dma_start3A_53, %dma_start3A_54, %dma_start3A_55] : memref<4x128x64xf32, #tpu.memory_space<vmem>> -> memref<1x128x64xf32, #tpu.memory_space<vmem>>
    %dma_start3A_57 = tpu.memref_squeeze %dma_start3A_56 : memref<1x128x64xf32, #tpu.memory_space<vmem>> -> memref<128x64xf32, #tpu.memory_space<vmem>>
    %dma_start3A_58 = arith.constant 0 : i32
    %dma_start3A_59 = tpu.memref_slice %arg6[%dma_start3A_52, %dma_start3A_58] : memref<40x128xi32, #tpu.memory_space<vmem>> -> memref<1x128xi32, #tpu.memory_space<vmem>>
    %dma_start3A_60 = tpu.memref_squeeze %dma_start3A_59 : memref<1x128xi32, #tpu.memory_space<vmem>> -> memref<128xi32, #tpu.memory_space<vmem>>
    %dma_start3A_61 = arith.constant 0 : i32
    %dma_start3A_62 = arith.constant 0 : i32
    %dma_start3A_63 = tpu.memref_slice %arg9[%dma_start3A_61, %dma_start3A_62] : memref<10240x64xf32, #tpu.memory_space<vmem_shared>> -> memref<10240x64xf32, #tpu.memory_space<vmem_shared>>
    tpu.enqueue_indirect_dma source(%dma_start3A_63 : memref<10240x64xf32, #tpu.memory_space<vmem_shared>>) target(%dma_start3A_57 : memref<128x64xf32, #tpu.memory_space<vmem>>) offsets(%dma_start3A_60 : memref<128xi32, #tpu.memory_space<vmem>>) semaphore(%arg11 : memref<!tpu.dma_semaphore, #tpu.memory_space<semaphore_mem>>)
    %dma_start3A_64 = arith.constant 1 : i32
    %dma_start3A_65 = arith.constant 1 : i32
    %dma_start3A_66 = arith.constant 0 : i32
    %dma_start3A_67 = arith.constant 0 : i32
    %dma_start3A_68 = tpu.memref_slice %arg8[%dma_start3A_65, %dma_start3A_66, %dma_start3A_67] : memref<4x128x64xf32, #tpu.memory_space<vmem>> -> memref<1x128x64xf32, #tpu.memory_space<vmem>>
    %dma_start3A_69 = tpu.memref_squeeze %dma_start3A_68 : memref<1x128x64xf32, #tpu.memory_space<vmem>> -> memref<128x64xf32, #tpu.memory_space<vmem>>
    %dma_start3A_70 = arith.constant 0 : i32
    %dma_start3A_71 = tpu.memref_slice %arg6[%dma_start3A_64, %dma_start3A_70] : memref<40x128xi32, #tpu.memory_space<vmem>> -> memref<1x128xi32, #tpu.memory_space<vmem>>
    %dma_start3A_72 = tpu.memref_squeeze %dma_start3A_71 : memref<1x128xi32, #tpu.memory_space<vmem>> -> memref<128xi32, #tpu.memory_space<vmem>>
    %dma_start3A_73 = arith.constant 0 : i32
    %dma_start3A_74 = arith.constant 0 : i32
    %dma_start3A_75 = tpu.memref_slice %arg9[%dma_start3A_73, %dma_start3A_74] : memref<10240x64xf32, #tpu.memory_space<vmem_shared>> -> memref<10240x64xf32, #tpu.memory_space<vmem_shared>>
    tpu.enqueue_indirect_dma source(%dma_start3A_75 : memref<10240x64xf32, #tpu.memory_space<vmem_shared>>) target(%dma_start3A_69 : memref<128x64xf32, #tpu.memory_space<vmem>>) offsets(%dma_start3A_72 : memref<128xi32, #tpu.memory_space<vmem>>) semaphore(%arg11 : memref<!tpu.dma_semaphore, #tpu.memory_space<semaphore_mem>>)
    %dma_start3A_76 = arith.constant 2 : i32
    %dma_start3A_77 = arith.constant 2 : i32
    %dma_start3A_78 = arith.constant 0 : i32
    %dma_start3A_79 = arith.constant 0 : i32
    %dma_start3A_80 = tpu.memref_slice %arg8[%dma_start3A_77, %dma_start3A_78, %dma_start3A_79] : memref<4x128x64xf32, #tpu.memory_space<vmem>> -> memref<1x128x64xf32, #tpu.memory_space<vmem>>
    %dma_start3A_81 = tpu.memref_squeeze %dma_start3A_80 : memref<1x128x64xf32, #tpu.memory_space<vmem>> -> memref<128x64xf32, #tpu.memory_space<vmem>>
    %dma_start3A_82 = arith.constant 0 : i32
    %dma_start3A_83 = tpu.memref_slice %arg6[%dma_start3A_76, %dma_start3A_82] : memref<40x128xi32, #tpu.memory_space<vmem>> -> memref<1x128xi32, #tpu.memory_space<vmem>>
    %dma_start3A_84 = tpu.memref_squeeze %dma_start3A_83 : memref<1x128xi32, #tpu.memory_space<vmem>> -> memref<128xi32, #tpu.memory_space<vmem>>
    %dma_start3A_85 = arith.constant 0 : i32
    %dma_start3A_86 = arith.constant 0 : i32
    %dma_start3A_87 = tpu.memref_slice %arg9[%dma_start3A_85, %dma_start3A_86] : memref<10240x64xf32, #tpu.memory_space<vmem_shared>> -> memref<10240x64xf32, #tpu.memory_space<vmem_shared>>
    tpu.enqueue_indirect_dma source(%dma_start3A_87 : memref<10240x64xf32, #tpu.memory_space<vmem_shared>>) target(%dma_start3A_81 : memref<128x64xf32, #tpu.memory_space<vmem>>) offsets(%dma_start3A_84 : memref<128xi32, #tpu.memory_space<vmem>>) semaphore(%arg11 : memref<!tpu.dma_semaphore, #tpu.memory_space<semaphore_mem>>)
    %scan3A_88 = arith.constant 0 : i32
    %scan3A_89 = arith.constant 40 : i32
    %scan3A_90 = arith.addi %scan3A_88, %scan3A_89 : i32
    %scan3A_91 = arith.constant 1 : i32
    scf.for %scan3A_185 = %scan3A_88 to %scan3A_90 step %scan3A_91  : i32 {
      %mul3A = arith.constant 1 : i32
      %mul3A_186 = arith.muli %scan3A_185, %mul3A : i32
      %add3A = arith.constant 0 : i32
      %add3A_187 = arith.addi %add3A, %mul3A_186 : i32
      %rem3A = arith.constant 4 : i32
      %rem3A_188 = arith.remsi %add3A_187, %rem3A : i32
      %dma_wait3A = arith.constant 0 : i32
      %dma_wait3A_189 = arith.constant 0 : i32
      %dma_wait3A_190 = arith.constant 0 : i32
      %dma_wait3A_191 = arith.constant 0 : i32
      %dma_wait3A_192 = tpu.memref_slice %arg8[%dma_wait3A_189, %dma_wait3A_190, %dma_wait3A_191] : memref<4x128x64xf32, #tpu.memory_space<vmem>> -> memref<1x128x64xf32, #tpu.memory_space<vmem>>
      %dma_wait3A_193 = tpu.memref_squeeze %dma_wait3A_192 : memref<1x128x64xf32, #tpu.memory_space<vmem>> -> memref<128x64xf32, #tpu.memory_space<vmem>>
      %dma_wait3A_194 = arith.constant 0 : i32
      %dma_wait3A_195 = tpu.memref_slice %arg6[%dma_wait3A, %dma_wait3A_194] : memref<40x128xi32, #tpu.memory_space<vmem>> -> memref<1x128xi32, #tpu.memory_space<vmem>>
      %dma_wait3A_196 = tpu.memref_squeeze %dma_wait3A_195 : memref<1x128xi32, #tpu.memory_space<vmem>> -> memref<128xi32, #tpu.memory_space<vmem>>
      %dma_wait3A_197 = arith.constant 0 : i32
      %dma_wait3A_198 = arith.constant 0 : i32
      %dma_wait3A_199 = tpu.memref_slice %arg9[%dma_wait3A_197, %dma_wait3A_198] : memref<10240x64xf32, #tpu.memory_space<vmem_shared>> -> memref<10240x64xf32, #tpu.memory_space<vmem_shared>>
      tpu.wait_indirect_dma semaphore(%arg11 : memref<!tpu.dma_semaphore, #tpu.memory_space<semaphore_mem>>) src(%dma_wait3A_199 : memref<10240x64xf32, #tpu.memory_space<vmem_shared>>) dst(%dma_wait3A_193 : memref<128x64xf32, #tpu.memory_space<vmem>>)
      %add3A_200 = arith.constant 4 : i32
      %add3A_201 = arith.addi %add3A_187, %add3A_200 : i32
      %sub3A = arith.constant 1 : i32
      %sub3A_202 = arith.subi %add3A_201, %sub3A : i32
      %lt3A = arith.constant 40 : i32
      %lt3A_203 = arith.cmpi slt, %sub3A_202, %lt3A : i32
      %convert_element_type3A = arith.extui %lt3A_203 : i1 to i32
      %cond3A = arith.constant 0 : i32
      %cond3A_204 = arith.cmpi ne, %convert_element_type3A, %cond3A : i32
      scf.if %cond3A_204 {
        %add3A_205 = arith.constant 4 : i32
        %add3A_206 = arith.addi %add3A_187, %add3A_205 : i32
        %sub3A_207 = arith.constant 1 : i32
        %sub3A_208 = arith.subi %add3A_206, %sub3A_207 : i32
        %rem3A_209 = arith.constant 4 : i32
        %rem3A_210 = arith.remsi %sub3A_208, %rem3A_209 : i32
        %dma_start3A_211 = arith.constant 0 : i32
        %dma_start3A_212 = arith.constant 0 : i32
        %dma_start3A_213 = tpu.memref_slice %arg8[%rem3A_210, %dma_start3A_211, %dma_start3A_212] : memref<4x128x64xf32, #tpu.memory_space<vmem>> -> memref<1x128x64xf32, #tpu.memory_space<vmem>>
        %dma_start3A_214 = tpu.memref_squeeze %dma_start3A_213 : memref<1x128x64xf32, #tpu.memory_space<vmem>> -> memref<128x64xf32, #tpu.memory_space<vmem>>
        %dma_start3A_215 = arith.constant 0 : i32
        %dma_start3A_216 = tpu.memref_slice %arg6[%sub3A_208, %dma_start3A_215] : memref<40x128xi32, #tpu.memory_space<vmem>> -> memref<1x128xi32, #tpu.memory_space<vmem>>
        %dma_start3A_217 = tpu.memref_squeeze %dma_start3A_216 : memref<1x128xi32, #tpu.memory_space<vmem>> -> memref<128xi32, #tpu.memory_space<vmem>>
        %dma_start3A_218 = arith.constant 0 : i32
        %dma_start3A_219 = arith.constant 0 : i32
        %dma_start3A_220 = tpu.memref_slice %arg9[%dma_start3A_218, %dma_start3A_219] : memref<10240x64xf32, #tpu.memory_space<vmem_shared>> -> memref<10240x64xf32, #tpu.memory_space<vmem_shared>>
        tpu.enqueue_indirect_dma source(%dma_start3A_220 : memref<10240x64xf32, #tpu.memory_space<vmem_shared>>) target(%dma_start3A_214 : memref<128x64xf32, #tpu.memory_space<vmem>>) offsets(%dma_start3A_217 : memref<128xi32, #tpu.memory_space<vmem>>) semaphore(%arg11 : memref<!tpu.dma_semaphore, #tpu.memory_space<semaphore_mem>>)
      } else {
      }
      "tpu.region"() ({
        %run_scoped3A_205 = tpu.sem_alloc : memref<!tpu.dma_semaphore, #tpu.memory_space<semaphore_mem>>
        %dma_start3A_206 = arith.constant 0 : i32
        %dma_start3A_207 = arith.constant 0 : i32
        %dma_start3A_208 = tpu.memref_slice %arg8[%rem3A_188, %dma_start3A_206, %dma_start3A_207] : memref<4x128x64xf32, #tpu.memory_space<vmem>> -> memref<1x128x64xf32, #tpu.memory_space<vmem>>
        %dma_start3A_209 = tpu.memref_squeeze %dma_start3A_208 : memref<1x128x64xf32, #tpu.memory_space<vmem>> -> memref<128x64xf32, #tpu.memory_space<vmem>>
        %dma_start3A_210 = arith.constant 0 : i32
        %dma_start3A_211 = tpu.memref_slice %arg7[%add3A_187, %dma_start3A_210] : memref<40x128xi32, #tpu.memory_space<vmem>> -> memref<1x128xi32, #tpu.memory_space<vmem>>
        %dma_start3A_212 = tpu.memref_squeeze %dma_start3A_211 : memref<1x128xi32, #tpu.memory_space<vmem>> -> memref<128xi32, #tpu.memory_space<vmem>>
        %dma_start3A_213 = arith.constant 0 : i32
        %dma_start3A_214 = arith.constant 0 : i32
        %dma_start3A_215 = tpu.memref_slice %arg10[%dma_start3A_213, %dma_start3A_214] : memref<10240x64xf32, #tpu.memory_space<vmem_shared>> -> memref<10240x64xf32, #tpu.memory_space<vmem_shared>>
        tpu.enqueue_indirect_dma source(%dma_start3A_209 : memref<128x64xf32, #tpu.memory_space<vmem>>) target(%dma_start3A_215 : memref<10240x64xf32, #tpu.memory_space<vmem_shared>>) offsets(%dma_start3A_212 : memref<128xi32, #tpu.memory_space<vmem>>) semaphore(%run_scoped3A_205 : memref<!tpu.dma_semaphore, #tpu.memory_space<semaphore_mem>>) {add = true}
        %dma_wait3A_216 = arith.constant 0 : i32
        %dma_wait3A_217 = arith.constant 0 : i32
        %dma_wait3A_218 = tpu.memref_slice %arg8[%rem3A_188, %dma_wait3A_216, %dma_wait3A_217] : memref<4x128x64xf32, #tpu.memory_space<vmem>> -> memref<1x128x64xf32, #tpu.memory_space<vmem>>
        %dma_wait3A_219 = tpu.memref_squeeze %dma_wait3A_218 : memref<1x128x64xf32, #tpu.memory_space<vmem>> -> memref<128x64xf32, #tpu.memory_space<vmem>>
        %dma_wait3A_220 = arith.constant 0 : i32
        %dma_wait3A_221 = tpu.memref_slice %arg7[%add3A_187, %dma_wait3A_220] : memref<40x128xi32, #tpu.memory_space<vmem>> -> memref<1x128xi32, #tpu.memory_space<vmem>>
        %dma_wait3A_222 = tpu.memref_squeeze %dma_wait3A_221 : memref<1x128xi32, #tpu.memory_space<vmem>> -> memref<128xi32, #tpu.memory_space<vmem>>
        %dma_wait3A_223 = arith.constant 0 : i32
        %dma_wait3A_224 = arith.constant 0 : i32
        %dma_wait3A_225 = tpu.memref_slice %arg10[%dma_wait3A_223, %dma_wait3A_224] : memref<10240x64xf32, #tpu.memory_space<vmem_shared>> -> memref<10240x64xf32, #tpu.memory_space<vmem_shared>>
        tpu.wait_indirect_dma semaphore(%run_scoped3A_205 : memref<!tpu.dma_semaphore, #tpu.memory_space<semaphore_mem>>) src(%dma_wait3A_219 : memref<128x64xf32, #tpu.memory_space<vmem>>) dst(%dma_wait3A_225 : memref<10240x64xf32, #tpu.memory_space<vmem_shared>>)
        tpu.yield
      }) : () -> ()
    }
    %scan3A_92 = arith.constant 40 : i32
    %run_scoped3A_93 = arith.constant 2 : i32
    "tpu.region"() ({
      %run_scoped3A_185 = tpu.sem_alloc : memref<!tpu.dma_semaphore, #tpu.memory_space<semaphore_mem>>
      %dma_start3A_186 = arith.constant 0 : i32
      %dma_start3A_187 = arith.constant 0 : i32
      %dma_start3A_188 = tpu.memref_slice %arg3[%arg1, %run_scoped3A_93, %dma_start3A_186, %dma_start3A_187] : memref<16x4x40x128xi32, #tpu.memory_space<hbm>> -> memref<1x1x40x128xi32, #tpu.memory_space<hbm>>
      %dma_start3A_189 = tpu.memref_squeeze %dma_start3A_188 : memref<1x1x40x128xi32, #tpu.memory_space<hbm>> -> memref<40x128xi32, #tpu.memory_space<hbm>>
      %dma_start3A_190 = arith.constant 0 : i32
      %dma_start3A_191 = arith.constant 0 : i32
      %dma_start3A_192 = tpu.memref_slice %arg3[%arg1, %run_scoped3A_93, %dma_start3A_190, %dma_start3A_191] : memref<16x4x40x128xi32, #tpu.memory_space<hbm>> -> memref<1x1x40x128xi32, #tpu.memory_space<hbm>>
      %dma_start3A_193 = tpu.memref_squeeze %dma_start3A_192 : memref<1x1x40x128xi32, #tpu.memory_space<hbm>> -> memref<40x128xi32, #tpu.memory_space<hbm>>
      tpu.enqueue_dma source(%dma_start3A_193 : memref<40x128xi32, #tpu.memory_space<hbm>>) target(%arg6 : memref<40x128xi32, #tpu.memory_space<vmem>>) target_semaphore(%run_scoped3A_185 : memref<!tpu.dma_semaphore, #tpu.memory_space<semaphore_mem>>)
      %dma_wait3A = arith.constant 0 : i32
      %dma_wait3A_194 = arith.constant 0 : i32
      %dma_wait3A_195 = tpu.memref_slice %arg3[%arg1, %run_scoped3A_93, %dma_wait3A, %dma_wait3A_194] : memref<16x4x40x128xi32, #tpu.memory_space<hbm>> -> memref<1x1x40x128xi32, #tpu.memory_space<hbm>>
      %dma_wait3A_196 = tpu.memref_squeeze %dma_wait3A_195 : memref<1x1x40x128xi32, #tpu.memory_space<hbm>> -> memref<40x128xi32, #tpu.memory_space<hbm>>
      %dma_wait3A_197 = arith.constant 0 : i32
      %dma_wait3A_198 = arith.constant 0 : i32
      %dma_wait3A_199 = tpu.memref_slice %arg3[%arg1, %run_scoped3A_93, %dma_wait3A_197, %dma_wait3A_198] : memref<16x4x40x128xi32, #tpu.memory_space<hbm>> -> memref<1x1x40x128xi32, #tpu.memory_space<hbm>>
      %dma_wait3A_200 = tpu.memref_squeeze %dma_wait3A_199 : memref<1x1x40x128xi32, #tpu.memory_space<hbm>> -> memref<40x128xi32, #tpu.memory_space<hbm>>
      tpu.wait_dma2 semaphore(%run_scoped3A_185 : memref<!tpu.dma_semaphore, #tpu.memory_space<semaphore_mem>>) src(%dma_wait3A_200 : memref<40x128xi32, #tpu.memory_space<hbm>>) dst(%arg6 : memref<40x128xi32, #tpu.memory_space<vmem>>)
      tpu.yield
    }) : () -> ()
    %run_scoped3A_94 = arith.constant 2 : i32
    "tpu.region"() ({
      %run_scoped3A_185 = tpu.sem_alloc : memref<!tpu.dma_semaphore, #tpu.memory_space<semaphore_mem>>
      %dma_start3A_186 = arith.constant 0 : i32
      %dma_start3A_187 = arith.constant 0 : i32
      %dma_start3A_188 = tpu.memref_slice %arg4[%arg1, %run_scoped3A_94, %dma_start3A_186, %dma_start3A_187] : memref<16x4x40x128xi32, #tpu.memory_space<hbm>> -> memref<1x1x40x128xi32, #tpu.memory_space<hbm>>
      %dma_start3A_189 = tpu.memref_squeeze %dma_start3A_188 : memref<1x1x40x128xi32, #tpu.memory_space<hbm>> -> memref<40x128xi32, #tpu.memory_space<hbm>>
      %dma_start3A_190 = arith.constant 0 : i32
      %dma_start3A_191 = arith.constant 0 : i32
      %dma_start3A_192 = tpu.memref_slice %arg4[%arg1, %run_scoped3A_94, %dma_start3A_190, %dma_start3A_191] : memref<16x4x40x128xi32, #tpu.memory_space<hbm>> -> memref<1x1x40x128xi32, #tpu.memory_space<hbm>>
      %dma_start3A_193 = tpu.memref_squeeze %dma_start3A_192 : memref<1x1x40x128xi32, #tpu.memory_space<hbm>> -> memref<40x128xi32, #tpu.memory_space<hbm>>
      tpu.enqueue_dma source(%dma_start3A_193 : memref<40x128xi32, #tpu.memory_space<hbm>>) target(%arg7 : memref<40x128xi32, #tpu.memory_space<vmem>>) target_semaphore(%run_scoped3A_185 : memref<!tpu.dma_semaphore, #tpu.memory_space<semaphore_mem>>)
      %dma_wait3A = arith.constant 0 : i32
      %dma_wait3A_194 = arith.constant 0 : i32
      %dma_wait3A_195 = tpu.memref_slice %arg4[%arg1, %run_scoped3A_94, %dma_wait3A, %dma_wait3A_194] : memref<16x4x40x128xi32, #tpu.memory_space<hbm>> -> memref<1x1x40x128xi32, #tpu.memory_space<hbm>>
      %dma_wait3A_196 = tpu.memref_squeeze %dma_wait3A_195 : memref<1x1x40x128xi32, #tpu.memory_space<hbm>> -> memref<40x128xi32, #tpu.memory_space<hbm>>
      %dma_wait3A_197 = arith.constant 0 : i32
      %dma_wait3A_198 = arith.constant 0 : i32
      %dma_wait3A_199 = tpu.memref_slice %arg4[%arg1, %run_scoped3A_94, %dma_wait3A_197, %dma_wait3A_198] : memref<16x4x40x128xi32, #tpu.memory_space<hbm>> -> memref<1x1x40x128xi32, #tpu.memory_space<hbm>>
      %dma_wait3A_200 = tpu.memref_squeeze %dma_wait3A_199 : memref<1x1x40x128xi32, #tpu.memory_space<hbm>> -> memref<40x128xi32, #tpu.memory_space<hbm>>
      tpu.wait_dma2 semaphore(%run_scoped3A_185 : memref<!tpu.dma_semaphore, #tpu.memory_space<semaphore_mem>>) src(%dma_wait3A_200 : memref<40x128xi32, #tpu.memory_space<hbm>>) dst(%arg7 : memref<40x128xi32, #tpu.memory_space<vmem>>)
      tpu.yield
    }) : () -> ()
    %dma_start3A_95 = arith.constant 0 : i32
    %dma_start3A_96 = arith.constant 0 : i32
    %dma_start3A_97 = arith.constant 0 : i32
    %dma_start3A_98 = arith.constant 0 : i32
    %dma_start3A_99 = tpu.memref_slice %arg8[%dma_start3A_96, %dma_start3A_97, %dma_start3A_98] : memref<4x128x64xf32, #tpu.memory_space<vmem>> -> memref<1x128x64xf32, #tpu.memory_space<vmem>>
    %dma_start3A_100 = tpu.memref_squeeze %dma_start3A_99 : memref<1x128x64xf32, #tpu.memory_space<vmem>> -> memref<128x64xf32, #tpu.memory_space<vmem>>
    %dma_start3A_101 = arith.constant 0 : i32
    %dma_start3A_102 = tpu.memref_slice %arg6[%dma_start3A_95, %dma_start3A_101] : memref<40x128xi32, #tpu.memory_space<vmem>> -> memref<1x128xi32, #tpu.memory_space<vmem>>
    %dma_start3A_103 = tpu.memref_squeeze %dma_start3A_102 : memref<1x128xi32, #tpu.memory_space<vmem>> -> memref<128xi32, #tpu.memory_space<vmem>>
    %dma_start3A_104 = arith.constant 0 : i32
    %dma_start3A_105 = arith.constant 0 : i32
    %dma_start3A_106 = tpu.memref_slice %arg9[%dma_start3A_104, %dma_start3A_105] : memref<10240x64xf32, #tpu.memory_space<vmem_shared>> -> memref<10240x64xf32, #tpu.memory_space<vmem_shared>>
    tpu.enqueue_indirect_dma source(%dma_start3A_106 : memref<10240x64xf32, #tpu.memory_space<vmem_shared>>) target(%dma_start3A_100 : memref<128x64xf32, #tpu.memory_space<vmem>>) offsets(%dma_start3A_103 : memref<128xi32, #tpu.memory_space<vmem>>) semaphore(%arg11 : memref<!tpu.dma_semaphore, #tpu.memory_space<semaphore_mem>>)
    %dma_start3A_107 = arith.constant 1 : i32
    %dma_start3A_108 = arith.constant 1 : i32
    %dma_start3A_109 = arith.constant 0 : i32
    %dma_start3A_110 = arith.constant 0 : i32
    %dma_start3A_111 = tpu.memref_slice %arg8[%dma_start3A_108, %dma_start3A_109, %dma_start3A_110] : memref<4x128x64xf32, #tpu.memory_space<vmem>> -> memref<1x128x64xf32, #tpu.memory_space<vmem>>
    %dma_start3A_112 = tpu.memref_squeeze %dma_start3A_111 : memref<1x128x64xf32, #tpu.memory_space<vmem>> -> memref<128x64xf32, #tpu.memory_space<vmem>>
    %dma_start3A_113 = arith.constant 0 : i32
    %dma_start3A_114 = tpu.memref_slice %arg6[%dma_start3A_107, %dma_start3A_113] : memref<40x128xi32, #tpu.memory_space<vmem>> -> memref<1x128xi32, #tpu.memory_space<vmem>>
    %dma_start3A_115 = tpu.memref_squeeze %dma_start3A_114 : memref<1x128xi32, #tpu.memory_space<vmem>> -> memref<128xi32, #tpu.memory_space<vmem>>
    %dma_start3A_116 = arith.constant 0 : i32
    %dma_start3A_117 = arith.constant 0 : i32
    %dma_start3A_118 = tpu.memref_slice %arg9[%dma_start3A_116, %dma_start3A_117] : memref<10240x64xf32, #tpu.memory_space<vmem_shared>> -> memref<10240x64xf32, #tpu.memory_space<vmem_shared>>
    tpu.enqueue_indirect_dma source(%dma_start3A_118 : memref<10240x64xf32, #tpu.memory_space<vmem_shared>>) target(%dma_start3A_112 : memref<128x64xf32, #tpu.memory_space<vmem>>) offsets(%dma_start3A_115 : memref<128xi32, #tpu.memory_space<vmem>>) semaphore(%arg11 : memref<!tpu.dma_semaphore, #tpu.memory_space<semaphore_mem>>)
    %dma_start3A_119 = arith.constant 2 : i32
    %dma_start3A_120 = arith.constant 2 : i32
    %dma_start3A_121 = arith.constant 0 : i32
    %dma_start3A_122 = arith.constant 0 : i32
    %dma_start3A_123 = tpu.memref_slice %arg8[%dma_start3A_120, %dma_start3A_121, %dma_start3A_122] : memref<4x128x64xf32, #tpu.memory_space<vmem>> -> memref<1x128x64xf32, #tpu.memory_space<vmem>>
    %dma_start3A_124 = tpu.memref_squeeze %dma_start3A_123 : memref<1x128x64xf32, #tpu.memory_space<vmem>> -> memref<128x64xf32, #tpu.memory_space<vmem>>
    %dma_start3A_125 = arith.constant 0 : i32
    %dma_start3A_126 = tpu.memref_slice %arg6[%dma_start3A_119, %dma_start3A_125] : memref<40x128xi32, #tpu.memory_space<vmem>> -> memref<1x128xi32, #tpu.memory_space<vmem>>
    %dma_start3A_127 = tpu.memref_squeeze %dma_start3A_126 : memref<1x128xi32, #tpu.memory_space<vmem>> -> memref<128xi32, #tpu.memory_space<vmem>>
    %dma_start3A_128 = arith.constant 0 : i32
    %dma_start3A_129 = arith.constant 0 : i32
    %dma_start3A_130 = tpu.memref_slice %arg9[%dma_start3A_128, %dma_start3A_129] : memref<10240x64xf32, #tpu.memory_space<vmem_shared>> -> memref<10240x64xf32, #tpu.memory_space<vmem_shared>>
    tpu.enqueue_indirect_dma source(%dma_start3A_130 : memref<10240x64xf32, #tpu.memory_space<vmem_shared>>) target(%dma_start3A_124 : memref<128x64xf32, #tpu.memory_space<vmem>>) offsets(%dma_start3A_127 : memref<128xi32, #tpu.memory_space<vmem>>) semaphore(%arg11 : memref<!tpu.dma_semaphore, #tpu.memory_space<semaphore_mem>>)
    %scan3A_131 = arith.constant 0 : i32
    %scan3A_132 = arith.constant 40 : i32
    %scan3A_133 = arith.addi %scan3A_131, %scan3A_132 : i32
    %scan3A_134 = arith.constant 1 : i32
    scf.for %scan3A_185 = %scan3A_131 to %scan3A_133 step %scan3A_134  : i32 {
      %mul3A = arith.constant 1 : i32
      %mul3A_186 = arith.muli %scan3A_185, %mul3A : i32
      %add3A = arith.constant 0 : i32
      %add3A_187 = arith.addi %add3A, %mul3A_186 : i32
      %rem3A = arith.constant 4 : i32
      %rem3A_188 = arith.remsi %add3A_187, %rem3A : i32
      %dma_wait3A = arith.constant 0 : i32
      %dma_wait3A_189 = arith.constant 0 : i32
      %dma_wait3A_190 = arith.constant 0 : i32
      %dma_wait3A_191 = arith.constant 0 : i32
      %dma_wait3A_192 = tpu.memref_slice %arg8[%dma_wait3A_189, %dma_wait3A_190, %dma_wait3A_191] : memref<4x128x64xf32, #tpu.memory_space<vmem>> -> memref<1x128x64xf32, #tpu.memory_space<vmem>>
      %dma_wait3A_193 = tpu.memref_squeeze %dma_wait3A_192 : memref<1x128x64xf32, #tpu.memory_space<vmem>> -> memref<128x64xf32, #tpu.memory_space<vmem>>
      %dma_wait3A_194 = arith.constant 0 : i32
      %dma_wait3A_195 = tpu.memref_slice %arg6[%dma_wait3A, %dma_wait3A_194] : memref<40x128xi32, #tpu.memory_space<vmem>> -> memref<1x128xi32, #tpu.memory_space<vmem>>
      %dma_wait3A_196 = tpu.memref_squeeze %dma_wait3A_195 : memref<1x128xi32, #tpu.memory_space<vmem>> -> memref<128xi32, #tpu.memory_space<vmem>>
      %dma_wait3A_197 = arith.constant 0 : i32
      %dma_wait3A_198 = arith.constant 0 : i32
      %dma_wait3A_199 = tpu.memref_slice %arg9[%dma_wait3A_197, %dma_wait3A_198] : memref<10240x64xf32, #tpu.memory_space<vmem_shared>> -> memref<10240x64xf32, #tpu.memory_space<vmem_shared>>
      tpu.wait_indirect_dma semaphore(%arg11 : memref<!tpu.dma_semaphore, #tpu.memory_space<semaphore_mem>>) src(%dma_wait3A_199 : memref<10240x64xf32, #tpu.memory_space<vmem_shared>>) dst(%dma_wait3A_193 : memref<128x64xf32, #tpu.memory_space<vmem>>)
      %add3A_200 = arith.constant 4 : i32
      %add3A_201 = arith.addi %add3A_187, %add3A_200 : i32
      %sub3A = arith.constant 1 : i32
      %sub3A_202 = arith.subi %add3A_201, %sub3A : i32
      %lt3A = arith.constant 40 : i32
      %lt3A_203 = arith.cmpi slt, %sub3A_202, %lt3A : i32
      %convert_element_type3A = arith.extui %lt3A_203 : i1 to i32
      %cond3A = arith.constant 0 : i32
      %cond3A_204 = arith.cmpi ne, %convert_element_type3A, %cond3A : i32
      scf.if %cond3A_204 {
        %add3A_205 = arith.constant 4 : i32
        %add3A_206 = arith.addi %add3A_187, %add3A_205 : i32
        %sub3A_207 = arith.constant 1 : i32
        %sub3A_208 = arith.subi %add3A_206, %sub3A_207 : i32
        %rem3A_209 = arith.constant 4 : i32
        %rem3A_210 = arith.remsi %sub3A_208, %rem3A_209 : i32
        %dma_start3A_211 = arith.constant 0 : i32
        %dma_start3A_212 = arith.constant 0 : i32
        %dma_start3A_213 = tpu.memref_slice %arg8[%rem3A_210, %dma_start3A_211, %dma_start3A_212] : memref<4x128x64xf32, #tpu.memory_space<vmem>> -> memref<1x128x64xf32, #tpu.memory_space<vmem>>
        %dma_start3A_214 = tpu.memref_squeeze %dma_start3A_213 : memref<1x128x64xf32, #tpu.memory_space<vmem>> -> memref<128x64xf32, #tpu.memory_space<vmem>>
        %dma_start3A_215 = arith.constant 0 : i32
        %dma_start3A_216 = tpu.memref_slice %arg6[%sub3A_208, %dma_start3A_215] : memref<40x128xi32, #tpu.memory_space<vmem>> -> memref<1x128xi32, #tpu.memory_space<vmem>>
        %dma_start3A_217 = tpu.memref_squeeze %dma_start3A_216 : memref<1x128xi32, #tpu.memory_space<vmem>> -> memref<128xi32, #tpu.memory_space<vmem>>
        %dma_start3A_218 = arith.constant 0 : i32
        %dma_start3A_219 = arith.constant 0 : i32
        %dma_start3A_220 = tpu.memref_slice %arg9[%dma_start3A_218, %dma_start3A_219] : memref<10240x64xf32, #tpu.memory_space<vmem_shared>> -> memref<10240x64xf32, #tpu.memory_space<vmem_shared>>
        tpu.enqueue_indirect_dma source(%dma_start3A_220 : memref<10240x64xf32, #tpu.memory_space<vmem_shared>>) target(%dma_start3A_214 : memref<128x64xf32, #tpu.memory_space<vmem>>) offsets(%dma_start3A_217 : memref<128xi32, #tpu.memory_space<vmem>>) semaphore(%arg11 : memref<!tpu.dma_semaphore, #tpu.memory_space<semaphore_mem>>)
      } else {
      }
      "tpu.region"() ({
        %run_scoped3A_205 = tpu.sem_alloc : memref<!tpu.dma_semaphore, #tpu.memory_space<semaphore_mem>>
        %dma_start3A_206 = arith.constant 0 : i32
        %dma_start3A_207 = arith.constant 0 : i32
        %dma_start3A_208 = tpu.memref_slice %arg8[%rem3A_188, %dma_start3A_206, %dma_start3A_207] : memref<4x128x64xf32, #tpu.memory_space<vmem>> -> memref<1x128x64xf32, #tpu.memory_space<vmem>>
        %dma_start3A_209 = tpu.memref_squeeze %dma_start3A_208 : memref<1x128x64xf32, #tpu.memory_space<vmem>> -> memref<128x64xf32, #tpu.memory_space<vmem>>
        %dma_start3A_210 = arith.constant 0 : i32
        %dma_start3A_211 = tpu.memref_slice %arg7[%add3A_187, %dma_start3A_210] : memref<40x128xi32, #tpu.memory_space<vmem>> -> memref<1x128xi32, #tpu.memory_space<vmem>>
        %dma_start3A_212 = tpu.memref_squeeze %dma_start3A_211 : memref<1x128xi32, #tpu.memory_space<vmem>> -> memref<128xi32, #tpu.memory_space<vmem>>
        %dma_start3A_213 = arith.constant 0 : i32
        %dma_start3A_214 = arith.constant 0 : i32
        %dma_start3A_215 = tpu.memref_slice %arg10[%dma_start3A_213, %dma_start3A_214] : memref<10240x64xf32, #tpu.memory_space<vmem_shared>> -> memref<10240x64xf32, #tpu.memory_space<vmem_shared>>
        tpu.enqueue_indirect_dma source(%dma_start3A_209 : memref<128x64xf32, #tpu.memory_space<vmem>>) target(%dma_start3A_215 : memref<10240x64xf32, #tpu.memory_space<vmem_shared>>) offsets(%dma_start3A_212 : memref<128xi32, #tpu.memory_space<vmem>>) semaphore(%run_scoped3A_205 : memref<!tpu.dma_semaphore, #tpu.memory_space<semaphore_mem>>) {add = true}
        %dma_wait3A_216 = arith.constant 0 : i32
        %dma_wait3A_217 = arith.constant 0 : i32
        %dma_wait3A_218 = tpu.memref_slice %arg8[%rem3A_188, %dma_wait3A_216, %dma_wait3A_217] : memref<4x128x64xf32, #tpu.memory_space<vmem>> -> memref<1x128x64xf32, #tpu.memory_space<vmem>>
        %dma_wait3A_219 = tpu.memref_squeeze %dma_wait3A_218 : memref<1x128x64xf32, #tpu.memory_space<vmem>> -> memref<128x64xf32, #tpu.memory_space<vmem>>
        %dma_wait3A_220 = arith.constant 0 : i32
        %dma_wait3A_221 = tpu.memref_slice %arg7[%add3A_187, %dma_wait3A_220] : memref<40x128xi32, #tpu.memory_space<vmem>> -> memref<1x128xi32, #tpu.memory_space<vmem>>
        %dma_wait3A_222 = tpu.memref_squeeze %dma_wait3A_221 : memref<1x128xi32, #tpu.memory_space<vmem>> -> memref<128xi32, #tpu.memory_space<vmem>>
        %dma_wait3A_223 = arith.constant 0 : i32
        %dma_wait3A_224 = arith.constant 0 : i32
        %dma_wait3A_225 = tpu.memref_slice %arg10[%dma_wait3A_223, %dma_wait3A_224] : memref<10240x64xf32, #tpu.memory_space<vmem_shared>> -> memref<10240x64xf32, #tpu.memory_space<vmem_shared>>
        tpu.wait_indirect_dma semaphore(%run_scoped3A_205 : memref<!tpu.dma_semaphore, #tpu.memory_space<semaphore_mem>>) src(%dma_wait3A_219 : memref<128x64xf32, #tpu.memory_space<vmem>>) dst(%dma_wait3A_225 : memref<10240x64xf32, #tpu.memory_space<vmem_shared>>)
        tpu.yield
      }) : () -> ()
    }
    %scan3A_135 = arith.constant 40 : i32
    %run_scoped3A_136 = arith.constant 3 : i32
    "tpu.region"() ({
      %run_scoped3A_185 = tpu.sem_alloc : memref<!tpu.dma_semaphore, #tpu.memory_space<semaphore_mem>>
      %dma_start3A_186 = arith.constant 0 : i32
      %dma_start3A_187 = arith.constant 0 : i32
      %dma_start3A_188 = tpu.memref_slice %arg3[%arg1, %run_scoped3A_136, %dma_start3A_186, %dma_start3A_187] : memref<16x4x40x128xi32, #tpu.memory_space<hbm>> -> memref<1x1x40x128xi32, #tpu.memory_space<hbm>>
      %dma_start3A_189 = tpu.memref_squeeze %dma_start3A_188 : memref<1x1x40x128xi32, #tpu.memory_space<hbm>> -> memref<40x128xi32, #tpu.memory_space<hbm>>
      %dma_start3A_190 = arith.constant 0 : i32
      %dma_start3A_191 = arith.constant 0 : i32
      %dma_start3A_192 = tpu.memref_slice %arg3[%arg1, %run_scoped3A_136, %dma_start3A_190, %dma_start3A_191] : memref<16x4x40x128xi32, #tpu.memory_space<hbm>> -> memref<1x1x40x128xi32, #tpu.memory_space<hbm>>
      %dma_start3A_193 = tpu.memref_squeeze %dma_start3A_192 : memref<1x1x40x128xi32, #tpu.memory_space<hbm>> -> memref<40x128xi32, #tpu.memory_space<hbm>>
      tpu.enqueue_dma source(%dma_start3A_193 : memref<40x128xi32, #tpu.memory_space<hbm>>) target(%arg6 : memref<40x128xi32, #tpu.memory_space<vmem>>) target_semaphore(%run_scoped3A_185 : memref<!tpu.dma_semaphore, #tpu.memory_space<semaphore_mem>>)
      %dma_wait3A = arith.constant 0 : i32
      %dma_wait3A_194 = arith.constant 0 : i32
      %dma_wait3A_195 = tpu.memref_slice %arg3[%arg1, %run_scoped3A_136, %dma_wait3A, %dma_wait3A_194] : memref<16x4x40x128xi32, #tpu.memory_space<hbm>> -> memref<1x1x40x128xi32, #tpu.memory_space<hbm>>
      %dma_wait3A_196 = tpu.memref_squeeze %dma_wait3A_195 : memref<1x1x40x128xi32, #tpu.memory_space<hbm>> -> memref<40x128xi32, #tpu.memory_space<hbm>>
      %dma_wait3A_197 = arith.constant 0 : i32
      %dma_wait3A_198 = arith.constant 0 : i32
      %dma_wait3A_199 = tpu.memref_slice %arg3[%arg1, %run_scoped3A_136, %dma_wait3A_197, %dma_wait3A_198] : memref<16x4x40x128xi32, #tpu.memory_space<hbm>> -> memref<1x1x40x128xi32, #tpu.memory_space<hbm>>
      %dma_wait3A_200 = tpu.memref_squeeze %dma_wait3A_199 : memref<1x1x40x128xi32, #tpu.memory_space<hbm>> -> memref<40x128xi32, #tpu.memory_space<hbm>>
      tpu.wait_dma2 semaphore(%run_scoped3A_185 : memref<!tpu.dma_semaphore, #tpu.memory_space<semaphore_mem>>) src(%dma_wait3A_200 : memref<40x128xi32, #tpu.memory_space<hbm>>) dst(%arg6 : memref<40x128xi32, #tpu.memory_space<vmem>>)
      tpu.yield
    }) : () -> ()
    %run_scoped3A_137 = arith.constant 3 : i32
    "tpu.region"() ({
      %run_scoped3A_185 = tpu.sem_alloc : memref<!tpu.dma_semaphore, #tpu.memory_space<semaphore_mem>>
      %dma_start3A_186 = arith.constant 0 : i32
      %dma_start3A_187 = arith.constant 0 : i32
      %dma_start3A_188 = tpu.memref_slice %arg4[%arg1, %run_scoped3A_137, %dma_start3A_186, %dma_start3A_187] : memref<16x4x40x128xi32, #tpu.memory_space<hbm>> -> memref<1x1x40x128xi32, #tpu.memory_space<hbm>>
      %dma_start3A_189 = tpu.memref_squeeze %dma_start3A_188 : memref<1x1x40x128xi32, #tpu.memory_space<hbm>> -> memref<40x128xi32, #tpu.memory_space<hbm>>
      %dma_start3A_190 = arith.constant 0 : i32
      %dma_start3A_191 = arith.constant 0 : i32
      %dma_start3A_192 = tpu.memref_slice %arg4[%arg1, %run_scoped3A_137, %dma_start3A_190, %dma_start3A_191] : memref<16x4x40x128xi32, #tpu.memory_space<hbm>> -> memref<1x1x40x128xi32, #tpu.memory_space<hbm>>
      %dma_start3A_193 = tpu.memref_squeeze %dma_start3A_192 : memref<1x1x40x128xi32, #tpu.memory_space<hbm>> -> memref<40x128xi32, #tpu.memory_space<hbm>>
      tpu.enqueue_dma source(%dma_start3A_193 : memref<40x128xi32, #tpu.memory_space<hbm>>) target(%arg7 : memref<40x128xi32, #tpu.memory_space<vmem>>) target_semaphore(%run_scoped3A_185 : memref<!tpu.dma_semaphore, #tpu.memory_space<semaphore_mem>>)
      %dma_wait3A = arith.constant 0 : i32
      %dma_wait3A_194 = arith.constant 0 : i32
      %dma_wait3A_195 = tpu.memref_slice %arg4[%arg1, %run_scoped3A_137, %dma_wait3A, %dma_wait3A_194] : memref<16x4x40x128xi32, #tpu.memory_space<hbm>> -> memref<1x1x40x128xi32, #tpu.memory_space<hbm>>
      %dma_wait3A_196 = tpu.memref_squeeze %dma_wait3A_195 : memref<1x1x40x128xi32, #tpu.memory_space<hbm>> -> memref<40x128xi32, #tpu.memory_space<hbm>>
      %dma_wait3A_197 = arith.constant 0 : i32
      %dma_wait3A_198 = arith.constant 0 : i32
      %dma_wait3A_199 = tpu.memref_slice %arg4[%arg1, %run_scoped3A_137, %dma_wait3A_197, %dma_wait3A_198] : memref<16x4x40x128xi32, #tpu.memory_space<hbm>> -> memref<1x1x40x128xi32, #tpu.memory_space<hbm>>
      %dma_wait3A_200 = tpu.memref_squeeze %dma_wait3A_199 : memref<1x1x40x128xi32, #tpu.memory_space<hbm>> -> memref<40x128xi32, #tpu.memory_space<hbm>>
      tpu.wait_dma2 semaphore(%run_scoped3A_185 : memref<!tpu.dma_semaphore, #tpu.memory_space<semaphore_mem>>) src(%dma_wait3A_200 : memref<40x128xi32, #tpu.memory_space<hbm>>) dst(%arg7 : memref<40x128xi32, #tpu.memory_space<vmem>>)
      tpu.yield
    }) : () -> ()
    %dma_start3A_138 = arith.constant 0 : i32
    %dma_start3A_139 = arith.constant 0 : i32
    %dma_start3A_140 = arith.constant 0 : i32
    %dma_start3A_141 = arith.constant 0 : i32
    %dma_start3A_142 = tpu.memref_slice %arg8[%dma_start3A_139, %dma_start3A_140, %dma_start3A_141] : memref<4x128x64xf32, #tpu.memory_space<vmem>> -> memref<1x128x64xf32, #tpu.memory_space<vmem>>
    %dma_start3A_143 = tpu.memref_squeeze %dma_start3A_142 : memref<1x128x64xf32, #tpu.memory_space<vmem>> -> memref<128x64xf32, #tpu.memory_space<vmem>>
    %dma_start3A_144 = arith.constant 0 : i32
    %dma_start3A_145 = tpu.memref_slice %arg6[%dma_start3A_138, %dma_start3A_144] : memref<40x128xi32, #tpu.memory_space<vmem>> -> memref<1x128xi32, #tpu.memory_space<vmem>>
    %dma_start3A_146 = tpu.memref_squeeze %dma_start3A_145 : memref<1x128xi32, #tpu.memory_space<vmem>> -> memref<128xi32, #tpu.memory_space<vmem>>
    %dma_start3A_147 = arith.constant 0 : i32
    %dma_start3A_148 = arith.constant 0 : i32
    %dma_start3A_149 = tpu.memref_slice %arg9[%dma_start3A_147, %dma_start3A_148] : memref<10240x64xf32, #tpu.memory_space<vmem_shared>> -> memref<10240x64xf32, #tpu.memory_space<vmem_shared>>
    tpu.enqueue_indirect_dma source(%dma_start3A_149 : memref<10240x64xf32, #tpu.memory_space<vmem_shared>>) target(%dma_start3A_143 : memref<128x64xf32, #tpu.memory_space<vmem>>) offsets(%dma_start3A_146 : memref<128xi32, #tpu.memory_space<vmem>>) semaphore(%arg11 : memref<!tpu.dma_semaphore, #tpu.memory_space<semaphore_mem>>)
    %dma_start3A_150 = arith.constant 1 : i32
    %dma_start3A_151 = arith.constant 1 : i32
    %dma_start3A_152 = arith.constant 0 : i32
    %dma_start3A_153 = arith.constant 0 : i32
    %dma_start3A_154 = tpu.memref_slice %arg8[%dma_start3A_151, %dma_start3A_152, %dma_start3A_153] : memref<4x128x64xf32, #tpu.memory_space<vmem>> -> memref<1x128x64xf32, #tpu.memory_space<vmem>>
    %dma_start3A_155 = tpu.memref_squeeze %dma_start3A_154 : memref<1x128x64xf32, #tpu.memory_space<vmem>> -> memref<128x64xf32, #tpu.memory_space<vmem>>
    %dma_start3A_156 = arith.constant 0 : i32
    %dma_start3A_157 = tpu.memref_slice %arg6[%dma_start3A_150, %dma_start3A_156] : memref<40x128xi32, #tpu.memory_space<vmem>> -> memref<1x128xi32, #tpu.memory_space<vmem>>
    %dma_start3A_158 = tpu.memref_squeeze %dma_start3A_157 : memref<1x128xi32, #tpu.memory_space<vmem>> -> memref<128xi32, #tpu.memory_space<vmem>>
    %dma_start3A_159 = arith.constant 0 : i32
    %dma_start3A_160 = arith.constant 0 : i32
    %dma_start3A_161 = tpu.memref_slice %arg9[%dma_start3A_159, %dma_start3A_160] : memref<10240x64xf32, #tpu.memory_space<vmem_shared>> -> memref<10240x64xf32, #tpu.memory_space<vmem_shared>>
    tpu.enqueue_indirect_dma source(%dma_start3A_161 : memref<10240x64xf32, #tpu.memory_space<vmem_shared>>) target(%dma_start3A_155 : memref<128x64xf32, #tpu.memory_space<vmem>>) offsets(%dma_start3A_158 : memref<128xi32, #tpu.memory_space<vmem>>) semaphore(%arg11 : memref<!tpu.dma_semaphore, #tpu.memory_space<semaphore_mem>>)
    %dma_start3A_162 = arith.constant 2 : i32
    %dma_start3A_163 = arith.constant 2 : i32
    %dma_start3A_164 = arith.constant 0 : i32
    %dma_start3A_165 = arith.constant 0 : i32
    %dma_start3A_166 = tpu.memref_slice %arg8[%dma_start3A_163, %dma_start3A_164, %dma_start3A_165] : memref<4x128x64xf32, #tpu.memory_space<vmem>> -> memref<1x128x64xf32, #tpu.memory_space<vmem>>
    %dma_start3A_167 = tpu.memref_squeeze %dma_start3A_166 : memref<1x128x64xf32, #tpu.memory_space<vmem>> -> memref<128x64xf32, #tpu.memory_space<vmem>>
    %dma_start3A_168 = arith.constant 0 : i32
    %dma_start3A_169 = tpu.memref_slice %arg6[%dma_start3A_162, %dma_start3A_168] : memref<40x128xi32, #tpu.memory_space<vmem>> -> memref<1x128xi32, #tpu.memory_space<vmem>>
    %dma_start3A_170 = tpu.memref_squeeze %dma_start3A_169 : memref<1x128xi32, #tpu.memory_space<vmem>> -> memref<128xi32, #tpu.memory_space<vmem>>
    %dma_start3A_171 = arith.constant 0 : i32
    %dma_start3A_172 = arith.constant 0 : i32
    %dma_start3A_173 = tpu.memref_slice %arg9[%dma_start3A_171, %dma_start3A_172] : memref<10240x64xf32, #tpu.memory_space<vmem_shared>> -> memref<10240x64xf32, #tpu.memory_space<vmem_shared>>
    tpu.enqueue_indirect_dma source(%dma_start3A_173 : memref<10240x64xf32, #tpu.memory_space<vmem_shared>>) target(%dma_start3A_167 : memref<128x64xf32, #tpu.memory_space<vmem>>) offsets(%dma_start3A_170 : memref<128xi32, #tpu.memory_space<vmem>>) semaphore(%arg11 : memref<!tpu.dma_semaphore, #tpu.memory_space<semaphore_mem>>)
    %scan3A_174 = arith.constant 0 : i32
    %scan3A_175 = arith.constant 40 : i32
    %scan3A_176 = arith.addi %scan3A_174, %scan3A_175 : i32
    %scan3A_177 = arith.constant 1 : i32
    scf.for %scan3A_185 = %scan3A_174 to %scan3A_176 step %scan3A_177  : i32 {
      %mul3A = arith.constant 1 : i32
      %mul3A_186 = arith.muli %scan3A_185, %mul3A : i32
      %add3A = arith.constant 0 : i32
      %add3A_187 = arith.addi %add3A, %mul3A_186 : i32
      %rem3A = arith.constant 4 : i32
      %rem3A_188 = arith.remsi %add3A_187, %rem3A : i32
      %dma_wait3A = arith.constant 0 : i32
      %dma_wait3A_189 = arith.constant 0 : i32
      %dma_wait3A_190 = arith.constant 0 : i32
      %dma_wait3A_191 = arith.constant 0 : i32
      %dma_wait3A_192 = tpu.memref_slice %arg8[%dma_wait3A_189, %dma_wait3A_190, %dma_wait3A_191] : memref<4x128x64xf32, #tpu.memory_space<vmem>> -> memref<1x128x64xf32, #tpu.memory_space<vmem>>
      %dma_wait3A_193 = tpu.memref_squeeze %dma_wait3A_192 : memref<1x128x64xf32, #tpu.memory_space<vmem>> -> memref<128x64xf32, #tpu.memory_space<vmem>>
      %dma_wait3A_194 = arith.constant 0 : i32
      %dma_wait3A_195 = tpu.memref_slice %arg6[%dma_wait3A, %dma_wait3A_194] : memref<40x128xi32, #tpu.memory_space<vmem>> -> memref<1x128xi32, #tpu.memory_space<vmem>>
      %dma_wait3A_196 = tpu.memref_squeeze %dma_wait3A_195 : memref<1x128xi32, #tpu.memory_space<vmem>> -> memref<128xi32, #tpu.memory_space<vmem>>
      %dma_wait3A_197 = arith.constant 0 : i32
      %dma_wait3A_198 = arith.constant 0 : i32
      %dma_wait3A_199 = tpu.memref_slice %arg9[%dma_wait3A_197, %dma_wait3A_198] : memref<10240x64xf32, #tpu.memory_space<vmem_shared>> -> memref<10240x64xf32, #tpu.memory_space<vmem_shared>>
      tpu.wait_indirect_dma semaphore(%arg11 : memref<!tpu.dma_semaphore, #tpu.memory_space<semaphore_mem>>) src(%dma_wait3A_199 : memref<10240x64xf32, #tpu.memory_space<vmem_shared>>) dst(%dma_wait3A_193 : memref<128x64xf32, #tpu.memory_space<vmem>>)
      %add3A_200 = arith.constant 4 : i32
      %add3A_201 = arith.addi %add3A_187, %add3A_200 : i32
      %sub3A = arith.constant 1 : i32
      %sub3A_202 = arith.subi %add3A_201, %sub3A : i32
      %lt3A = arith.constant 40 : i32
      %lt3A_203 = arith.cmpi slt, %sub3A_202, %lt3A : i32
      %convert_element_type3A = arith.extui %lt3A_203 : i1 to i32
      %cond3A = arith.constant 0 : i32
      %cond3A_204 = arith.cmpi ne, %convert_element_type3A, %cond3A : i32
      scf.if %cond3A_204 {
        %add3A_205 = arith.constant 4 : i32
        %add3A_206 = arith.addi %add3A_187, %add3A_205 : i32
        %sub3A_207 = arith.constant 1 : i32
        %sub3A_208 = arith.subi %add3A_206, %sub3A_207 : i32
        %rem3A_209 = arith.constant 4 : i32
        %rem3A_210 = arith.remsi %sub3A_208, %rem3A_209 : i32
        %dma_start3A_211 = arith.constant 0 : i32
        %dma_start3A_212 = arith.constant 0 : i32
        %dma_start3A_213 = tpu.memref_slice %arg8[%rem3A_210, %dma_start3A_211, %dma_start3A_212] : memref<4x128x64xf32, #tpu.memory_space<vmem>> -> memref<1x128x64xf32, #tpu.memory_space<vmem>>
        %dma_start3A_214 = tpu.memref_squeeze %dma_start3A_213 : memref<1x128x64xf32, #tpu.memory_space<vmem>> -> memref<128x64xf32, #tpu.memory_space<vmem>>
        %dma_start3A_215 = arith.constant 0 : i32
        %dma_start3A_216 = tpu.memref_slice %arg6[%sub3A_208, %dma_start3A_215] : memref<40x128xi32, #tpu.memory_space<vmem>> -> memref<1x128xi32, #tpu.memory_space<vmem>>
        %dma_start3A_217 = tpu.memref_squeeze %dma_start3A_216 : memref<1x128xi32, #tpu.memory_space<vmem>> -> memref<128xi32, #tpu.memory_space<vmem>>
        %dma_start3A_218 = arith.constant 0 : i32
        %dma_start3A_219 = arith.constant 0 : i32
        %dma_start3A_220 = tpu.memref_slice %arg9[%dma_start3A_218, %dma_start3A_219] : memref<10240x64xf32, #tpu.memory_space<vmem_shared>> -> memref<10240x64xf32, #tpu.memory_space<vmem_shared>>
        tpu.enqueue_indirect_dma source(%dma_start3A_220 : memref<10240x64xf32, #tpu.memory_space<vmem_shared>>) target(%dma_start3A_214 : memref<128x64xf32, #tpu.memory_space<vmem>>) offsets(%dma_start3A_217 : memref<128xi32, #tpu.memory_space<vmem>>) semaphore(%arg11 : memref<!tpu.dma_semaphore, #tpu.memory_space<semaphore_mem>>)
      } else {
      }
      "tpu.region"() ({
        %run_scoped3A_205 = tpu.sem_alloc : memref<!tpu.dma_semaphore, #tpu.memory_space<semaphore_mem>>
        %dma_start3A_206 = arith.constant 0 : i32
        %dma_start3A_207 = arith.constant 0 : i32
        %dma_start3A_208 = tpu.memref_slice %arg8[%rem3A_188, %dma_start3A_206, %dma_start3A_207] : memref<4x128x64xf32, #tpu.memory_space<vmem>> -> memref<1x128x64xf32, #tpu.memory_space<vmem>>
        %dma_start3A_209 = tpu.memref_squeeze %dma_start3A_208 : memref<1x128x64xf32, #tpu.memory_space<vmem>> -> memref<128x64xf32, #tpu.memory_space<vmem>>
        %dma_start3A_210 = arith.constant 0 : i32
        %dma_start3A_211 = tpu.memref_slice %arg7[%add3A_187, %dma_start3A_210] : memref<40x128xi32, #tpu.memory_space<vmem>> -> memref<1x128xi32, #tpu.memory_space<vmem>>
        %dma_start3A_212 = tpu.memref_squeeze %dma_start3A_211 : memref<1x128xi32, #tpu.memory_space<vmem>> -> memref<128xi32, #tpu.memory_space<vmem>>
        %dma_start3A_213 = arith.constant 0 : i32
        %dma_start3A_214 = arith.constant 0 : i32
        %dma_start3A_215 = tpu.memref_slice %arg10[%dma_start3A_213, %dma_start3A_214] : memref<10240x64xf32, #tpu.memory_space<vmem_shared>> -> memref<10240x64xf32, #tpu.memory_space<vmem_shared>>
        tpu.enqueue_indirect_dma source(%dma_start3A_209 : memref<128x64xf32, #tpu.memory_space<vmem>>) target(%dma_start3A_215 : memref<10240x64xf32, #tpu.memory_space<vmem_shared>>) offsets(%dma_start3A_212 : memref<128xi32, #tpu.memory_space<vmem>>) semaphore(%run_scoped3A_205 : memref<!tpu.dma_semaphore, #tpu.memory_space<semaphore_mem>>) {add = true}
        %dma_wait3A_216 = arith.constant 0 : i32
        %dma_wait3A_217 = arith.constant 0 : i32
        %dma_wait3A_218 = tpu.memref_slice %arg8[%rem3A_188, %dma_wait3A_216, %dma_wait3A_217] : memref<4x128x64xf32, #tpu.memory_space<vmem>> -> memref<1x128x64xf32, #tpu.memory_space<vmem>>
        %dma_wait3A_219 = tpu.memref_squeeze %dma_wait3A_218 : memref<1x128x64xf32, #tpu.memory_space<vmem>> -> memref<128x64xf32, #tpu.memory_space<vmem>>
        %dma_wait3A_220 = arith.constant 0 : i32
        %dma_wait3A_221 = tpu.memref_slice %arg7[%add3A_187, %dma_wait3A_220] : memref<40x128xi32, #tpu.memory_space<vmem>> -> memref<1x128xi32, #tpu.memory_space<vmem>>
        %dma_wait3A_222 = tpu.memref_squeeze %dma_wait3A_221 : memref<1x128xi32, #tpu.memory_space<vmem>> -> memref<128xi32, #tpu.memory_space<vmem>>
        %dma_wait3A_223 = arith.constant 0 : i32
        %dma_wait3A_224 = arith.constant 0 : i32
        %dma_wait3A_225 = tpu.memref_slice %arg10[%dma_wait3A_223, %dma_wait3A_224] : memref<10240x64xf32, #tpu.memory_space<vmem_shared>> -> memref<10240x64xf32, #tpu.memory_space<vmem_shared>>
        tpu.wait_indirect_dma semaphore(%run_scoped3A_205 : memref<!tpu.dma_semaphore, #tpu.memory_space<semaphore_mem>>) src(%dma_wait3A_219 : memref<128x64xf32, #tpu.memory_space<vmem>>) dst(%dma_wait3A_225 : memref<10240x64xf32, #tpu.memory_space<vmem_shared>>)
        tpu.yield
      }) : () -> ()
    }
    %scan3A_178 = arith.constant 40 : i32
    %barrier3A_179 = arith.constant 0 : index
    tpu.barrier barrier_id(%barrier3A_179)
    %scan3A_180 = arith.constant 0 : i32
    %scan3A_181 = arith.constant 5 : i32
    %scan3A_182 = arith.addi %scan3A_180, %scan3A_181 : i32
    %scan3A_183 = arith.constant 1 : i32
    scf.for %scan3A_185 = %scan3A_180 to %scan3A_182 step %scan3A_183  : i32 {
      %mul3A = arith.constant 1 : i32
      %mul3A_186 = arith.muli %scan3A_185, %mul3A : i32
      %add3A = arith.constant 0 : i32
      %add3A_187 = arith.addi %add3A, %mul3A_186 : i32
      %mul3A_188 = arith.constant 640 : i32
      %mul3A_189 = arith.muli %arg1, %mul3A_188 : i32
      %mul3A_190 = arith.constant 128 : i32
      %mul3A_191 = arith.muli %add3A_187, %mul3A_190 : i32
      %add3A_192 = arith.addi %mul3A_189, %mul3A_191 : i32
      "tpu.region"() ({
        %run_scoped3A_193 = tpu.sem_alloc : memref<!tpu.dma_semaphore, #tpu.memory_space<semaphore_mem>>
        %dma_start3A_194 = arith.constant 0 : i32
        %dma_start3A_195 = tpu.memref_slice %arg5[%arg0, %add3A_192, %dma_start3A_194] : memref<2x10240x64xf32, #tpu.memory_space<hbm>> -> memref<1x128x64xf32, #tpu.memory_space<hbm>>
        %dma_start3A_196 = tpu.memref_squeeze %dma_start3A_195 : memref<1x128x64xf32, #tpu.memory_space<hbm>> -> memref<128x64xf32, #tpu.memory_space<hbm>>
        %dma_start3A_197 = arith.constant 0 : i32
        %dma_start3A_198 = tpu.memref_slice %arg10[%add3A_192, %dma_start3A_197] : memref<10240x64xf32, #tpu.memory_space<vmem_shared>> -> memref<128x64xf32, #tpu.memory_space<vmem_shared>>
        tpu.enqueue_dma source(%dma_start3A_198 : memref<128x64xf32, #tpu.memory_space<vmem_shared>>) target(%dma_start3A_196 : memref<128x64xf32, #tpu.memory_space<hbm>>) target_semaphore(%run_scoped3A_193 : memref<!tpu.dma_semaphore, #tpu.memory_space<semaphore_mem>>)
        %dma_wait3A = arith.constant 0 : i32
        %dma_wait3A_199 = tpu.memref_slice %arg5[%arg0, %add3A_192, %dma_wait3A] : memref<2x10240x64xf32, #tpu.memory_space<hbm>> -> memref<1x128x64xf32, #tpu.memory_space<hbm>>
        %dma_wait3A_200 = tpu.memref_squeeze %dma_wait3A_199 : memref<1x128x64xf32, #tpu.memory_space<hbm>> -> memref<128x64xf32, #tpu.memory_space<hbm>>
        %dma_wait3A_201 = arith.constant 0 : i32
        %dma_wait3A_202 = tpu.memref_slice %arg10[%add3A_192, %dma_wait3A_201] : memref<10240x64xf32, #tpu.memory_space<vmem_shared>> -> memref<128x64xf32, #tpu.memory_space<vmem_shared>>
        tpu.wait_dma2 semaphore(%run_scoped3A_193 : memref<!tpu.dma_semaphore, #tpu.memory_space<semaphore_mem>>) src(%dma_wait3A_202 : memref<128x64xf32, #tpu.memory_space<vmem_shared>>) dst(%dma_wait3A_200 : memref<128x64xf32, #tpu.memory_space<hbm>>)
        tpu.yield
      }) : () -> ()
    }
    %scan3A_184 = arith.constant 5 : i32
    return
  }
}

#map = affine_map<(d0, d1) -> (0, 0, 0)>
#map1 = affine_map<(d0, d1) -> (0, 0, 0, 0)>
module attributes {stable_mosaic.version = 14 : i64} {
  func.func @_agg_sc(%arg0: i32, %arg1: i32, %arg2: memref<2x10240x32xf32, #tpu.memory_space<hbm>>, %arg3: memref<16x4x40x128xi32, #tpu.memory_space<hbm>>, %arg4: memref<16x4x40x128xi32, #tpu.memory_space<hbm>>, %arg5: memref<2x10240x32xf32, #tpu.memory_space<hbm>>, %arg6: memref<40x128xi32, #tpu.memory_space<vmem>>, %arg7: memref<40x128xi32, #tpu.memory_space<vmem>>, %arg8: memref<4x128x32xf32, #tpu.memory_space<vmem>>, %arg9: memref<10240x32xf32, #tpu.memory_space<vmem_shared>>, %arg10: memref<10240x32xf32, #tpu.memory_space<vmem_shared>>, %arg11: memref<!tpu.dma_semaphore, #tpu.memory_space<semaphore_mem>>) attributes {dimension_semantics = [#tpu.dimension_semantics<core_parallel>, #tpu.dimension_semantics<subcore_parallel>], iteration_bounds = array<i64: 2, 16>, scalar_prefetch = 0 : i64, scratch_operands = 6 : i64, tpu.core_type = #tpu.core_type<sc_vector_subcore>, window_params = [{transform_indices = #map}, {transform_indices = #map1}, {transform_indices = #map1}, {transform_indices = #map}]} {
    %scan3A = arith.constant 0 : i32
    %scan3A_0 = arith.constant 128 : i32
    %scan3A_1 = arith.addi %scan3A, %scan3A_0 : i32
    %scan3A_2 = arith.constant 1 : i32
    scf.for %scan3A_185 = %scan3A to %scan3A_1 step %scan3A_2  : i32 {
      %mul3A = arith.constant 1 : i32
      %mul3A_186 = arith.muli %scan3A_185, %mul3A : i32
      %add3A = arith.constant 0 : i32
      %add3A_187 = arith.addi %add3A, %mul3A_186 : i32
      %scan3A_188 = arith.constant 0 : i32
      %scan3A_189 = arith.constant 2 : i32
      %scan3A_190 = arith.addi %scan3A_188, %scan3A_189 : i32
      %scan3A_191 = arith.constant 1 : i32
      scf.for %scan3A_193 = %scan3A_188 to %scan3A_190 step %scan3A_191  : i32 {
        %mul3A_194 = arith.constant 1 : i32
        %mul3A_195 = arith.muli %scan3A_193, %mul3A_194 : i32
        %add3A_196 = arith.constant 0 : i32
        %add3A_197 = arith.addi %add3A_196, %mul3A_195 : i32
        %broadcast_in_dim3A = arith.constant 0.000000e+00 : f32
        %broadcast_in_dim3A_198 = vector.broadcast %broadcast_in_dim3A : f32 to vector<16xf32>
        %mul3A_199 = arith.constant 16 : i32
        %mul3A_200 = arith.muli %add3A_197, %mul3A_199 : i32
        %swap3A = arith.constant 0 : i32
        %swap3A_201 = arith.index_cast %swap3A : i32 to index
        %swap3A_202 = arith.index_cast %add3A_187 : i32 to index
        %swap3A_203 = arith.index_cast %mul3A_200 : i32 to index
        %swap3A_204 = tpu.vector_load %arg8[%swap3A_201, %swap3A_202, %swap3A_203] {strides = array<i32>} : memref<4x128x32xf32, #tpu.memory_space<vmem>>, vector<1x1x16xf32>,
        %swap3A_205 = vector.shape_cast %swap3A_204 : vector<1x1x16xf32> to vector<16xf32>
        %swap3A_206 = vector.shape_cast %broadcast_in_dim3A_198 : vector<16xf32> to vector<1x1x16xf32>
        tpu.vector_store %arg8[%swap3A_201, %swap3A_202, %swap3A_203], %swap3A_206 {strides = array<i32>} : memref<4x128x32xf32, #tpu.memory_space<vmem>>, vector<1x1x16xf32>,
      }
      %scan3A_192 = arith.constant 2 : i32
    }
    %scan3A_3 = arith.constant 128 : i32
    %scan3A_4 = arith.constant 0 : i32
    %scan3A_5 = arith.constant 5 : i32
    %scan3A_6 = arith.addi %scan3A_4, %scan3A_5 : i32
    %scan3A_7 = arith.constant 1 : i32
    scf.for %scan3A_185 = %scan3A_4 to %scan3A_6 step %scan3A_7  : i32 {
      %mul3A = arith.constant 1 : i32
      %mul3A_186 = arith.muli %scan3A_185, %mul3A : i32
      %add3A = arith.constant 0 : i32
      %add3A_187 = arith.addi %add3A, %mul3A_186 : i32
      %mul3A_188 = arith.constant 640 : i32
      %mul3A_189 = arith.muli %arg1, %mul3A_188 : i32
      %mul3A_190 = arith.constant 128 : i32
      %mul3A_191 = arith.muli %add3A_187, %mul3A_190 : i32
      %add3A_192 = arith.addi %mul3A_189, %mul3A_191 : i32
      %run_scoped3A_193 = arith.constant 0 : i32
      "tpu.region"() ({
        %run_scoped3A_194 = tpu.sem_alloc : memref<!tpu.dma_semaphore, #tpu.memory_space<semaphore_mem>>
        %dma_start3A_195 = arith.constant 0 : i32
        %dma_start3A_196 = arith.constant 0 : i32
        %dma_start3A_197 = tpu.memref_slice %arg8[%run_scoped3A_193, %dma_start3A_195, %dma_start3A_196] : memref<4x128x32xf32, #tpu.memory_space<vmem>> -> memref<1x128x32xf32, #tpu.memory_space<vmem>>
        %dma_start3A_198 = tpu.memref_squeeze %dma_start3A_197 : memref<1x128x32xf32, #tpu.memory_space<vmem>> -> memref<128x32xf32, #tpu.memory_space<vmem>>
        %dma_start3A_199 = arith.constant 0 : i32
        %dma_start3A_200 = tpu.memref_slice %arg10[%add3A_192, %dma_start3A_199] : memref<10240x32xf32, #tpu.memory_space<vmem_shared>> -> memref<128x32xf32, #tpu.memory_space<vmem_shared>>
        %dma_start3A_201 = arith.constant 0 : i32
        %dma_start3A_202 = tpu.memref_slice %arg10[%add3A_192, %dma_start3A_201] : memref<10240x32xf32, #tpu.memory_space<vmem_shared>> -> memref<128x32xf32, #tpu.memory_space<vmem_shared>>
        %dma_start3A_203 = arith.constant 0 : i32
        %dma_start3A_204 = arith.constant 0 : i32
        %dma_start3A_205 = tpu.memref_slice %arg8[%run_scoped3A_193, %dma_start3A_203, %dma_start3A_204] : memref<4x128x32xf32, #tpu.memory_space<vmem>> -> memref<1x128x32xf32, #tpu.memory_space<vmem>>
        %dma_start3A_206 = tpu.memref_squeeze %dma_start3A_205 : memref<1x128x32xf32, #tpu.memory_space<vmem>> -> memref<128x32xf32, #tpu.memory_space<vmem>>
        tpu.enqueue_dma source(%dma_start3A_206 : memref<128x32xf32, #tpu.memory_space<vmem>>) target(%dma_start3A_202 : memref<128x32xf32, #tpu.memory_space<vmem_shared>>) target_semaphore(%run_scoped3A_194 : memref<!tpu.dma_semaphore, #tpu.memory_space<semaphore_mem>>)
        %dma_wait3A = arith.constant 0 : i32
        %dma_wait3A_207 = arith.constant 0 : i32
        %dma_wait3A_208 = tpu.memref_slice %arg8[%run_scoped3A_193, %dma_wait3A, %dma_wait3A_207] : memref<4x128x32xf32, #tpu.memory_space<vmem>> -> memref<1x128x32xf32, #tpu.memory_space<vmem>>
        %dma_wait3A_209 = tpu.memref_squeeze %dma_wait3A_208 : memref<1x128x32xf32, #tpu.memory_space<vmem>> -> memref<128x32xf32, #tpu.memory_space<vmem>>
        %dma_wait3A_210 = arith.constant 0 : i32
        %dma_wait3A_211 = tpu.memref_slice %arg10[%add3A_192, %dma_wait3A_210] : memref<10240x32xf32, #tpu.memory_space<vmem_shared>> -> memref<128x32xf32, #tpu.memory_space<vmem_shared>>
        %dma_wait3A_212 = arith.constant 0 : i32
        %dma_wait3A_213 = tpu.memref_slice %arg10[%add3A_192, %dma_wait3A_212] : memref<10240x32xf32, #tpu.memory_space<vmem_shared>> -> memref<128x32xf32, #tpu.memory_space<vmem_shared>>
        %dma_wait3A_214 = arith.constant 0 : i32
        %dma_wait3A_215 = arith.constant 0 : i32
        %dma_wait3A_216 = tpu.memref_slice %arg8[%run_scoped3A_193, %dma_wait3A_214, %dma_wait3A_215] : memref<4x128x32xf32, #tpu.memory_space<vmem>> -> memref<1x128x32xf32, #tpu.memory_space<vmem>>
        %dma_wait3A_217 = tpu.memref_squeeze %dma_wait3A_216 : memref<1x128x32xf32, #tpu.memory_space<vmem>> -> memref<128x32xf32, #tpu.memory_space<vmem>>
        tpu.wait_dma2 semaphore(%run_scoped3A_194 : memref<!tpu.dma_semaphore, #tpu.memory_space<semaphore_mem>>) src(%dma_wait3A_217 : memref<128x32xf32, #tpu.memory_space<vmem>>) dst(%dma_wait3A_213 : memref<128x32xf32, #tpu.memory_space<vmem_shared>>)
        tpu.yield
      }) : () -> ()
      "tpu.region"() ({
        %run_scoped3A_194 = tpu.sem_alloc : memref<!tpu.dma_semaphore, #tpu.memory_space<semaphore_mem>>
        %dma_start3A_195 = arith.constant 0 : i32
        %dma_start3A_196 = tpu.memref_slice %arg9[%add3A_192, %dma_start3A_195] : memref<10240x32xf32, #tpu.memory_space<vmem_shared>> -> memref<128x32xf32, #tpu.memory_space<vmem_shared>>
        %dma_start3A_197 = arith.constant 0 : i32
        %dma_start3A_198 = tpu.memref_slice %arg2[%arg0, %add3A_192, %dma_start3A_197] : memref<2x10240x32xf32, #tpu.memory_space<hbm>> -> memref<1x128x32xf32, #tpu.memory_space<hbm>>
        %dma_start3A_199 = tpu.memref_squeeze %dma_start3A_198 : memref<1x128x32xf32, #tpu.memory_space<hbm>> -> memref<128x32xf32, #tpu.memory_space<hbm>>
        tpu.enqueue_dma source(%dma_start3A_199 : memref<128x32xf32, #tpu.memory_space<hbm>>) target(%dma_start3A_196 : memref<128x32xf32, #tpu.memory_space<vmem_shared>>) target_semaphore(%run_scoped3A_194 : memref<!tpu.dma_semaphore, #tpu.memory_space<semaphore_mem>>)
        %dma_wait3A = arith.constant 0 : i32
        %dma_wait3A_200 = tpu.memref_slice %arg9[%add3A_192, %dma_wait3A] : memref<10240x32xf32, #tpu.memory_space<vmem_shared>> -> memref<128x32xf32, #tpu.memory_space<vmem_shared>>
        %dma_wait3A_201 = arith.constant 0 : i32
        %dma_wait3A_202 = tpu.memref_slice %arg2[%arg0, %add3A_192, %dma_wait3A_201] : memref<2x10240x32xf32, #tpu.memory_space<hbm>> -> memref<1x128x32xf32, #tpu.memory_space<hbm>>
        %dma_wait3A_203 = tpu.memref_squeeze %dma_wait3A_202 : memref<1x128x32xf32, #tpu.memory_space<hbm>> -> memref<128x32xf32, #tpu.memory_space<hbm>>
        tpu.wait_dma2 semaphore(%run_scoped3A_194 : memref<!tpu.dma_semaphore, #tpu.memory_space<semaphore_mem>>) src(%dma_wait3A_203 : memref<128x32xf32, #tpu.memory_space<hbm>>) dst(%dma_wait3A_200 : memref<128x32xf32, #tpu.memory_space<vmem_shared>>)
        tpu.yield
      }) : () -> ()
    }
    %scan3A_8 = arith.constant 5 : i32
    %barrier3A = arith.constant 0 : index
    tpu.barrier barrier_id(%barrier3A)
    %run_scoped3A = arith.constant 0 : i32
    "tpu.region"() ({
      %run_scoped3A_185 = tpu.sem_alloc : memref<!tpu.dma_semaphore, #tpu.memory_space<semaphore_mem>>
      %dma_start3A_186 = arith.constant 0 : i32
      %dma_start3A_187 = arith.constant 0 : i32
      %dma_start3A_188 = tpu.memref_slice %arg3[%arg1, %run_scoped3A, %dma_start3A_186, %dma_start3A_187] : memref<16x4x40x128xi32, #tpu.memory_space<hbm>> -> memref<1x1x40x128xi32, #tpu.memory_space<hbm>>
      %dma_start3A_189 = tpu.memref_squeeze %dma_start3A_188 : memref<1x1x40x128xi32, #tpu.memory_space<hbm>> -> memref<40x128xi32, #tpu.memory_space<hbm>>
      %dma_start3A_190 = arith.constant 0 : i32
      %dma_start3A_191 = arith.constant 0 : i32
      %dma_start3A_192 = tpu.memref_slice %arg3[%arg1, %run_scoped3A, %dma_start3A_190, %dma_start3A_191] : memref<16x4x40x128xi32, #tpu.memory_space<hbm>> -> memref<1x1x40x128xi32, #tpu.memory_space<hbm>>
      %dma_start3A_193 = tpu.memref_squeeze %dma_start3A_192 : memref<1x1x40x128xi32, #tpu.memory_space<hbm>> -> memref<40x128xi32, #tpu.memory_space<hbm>>
      tpu.enqueue_dma source(%dma_start3A_193 : memref<40x128xi32, #tpu.memory_space<hbm>>) target(%arg6 : memref<40x128xi32, #tpu.memory_space<vmem>>) target_semaphore(%run_scoped3A_185 : memref<!tpu.dma_semaphore, #tpu.memory_space<semaphore_mem>>)
      %dma_wait3A = arith.constant 0 : i32
      %dma_wait3A_194 = arith.constant 0 : i32
      %dma_wait3A_195 = tpu.memref_slice %arg3[%arg1, %run_scoped3A, %dma_wait3A, %dma_wait3A_194] : memref<16x4x40x128xi32, #tpu.memory_space<hbm>> -> memref<1x1x40x128xi32, #tpu.memory_space<hbm>>
      %dma_wait3A_196 = tpu.memref_squeeze %dma_wait3A_195 : memref<1x1x40x128xi32, #tpu.memory_space<hbm>> -> memref<40x128xi32, #tpu.memory_space<hbm>>
      %dma_wait3A_197 = arith.constant 0 : i32
      %dma_wait3A_198 = arith.constant 0 : i32
      %dma_wait3A_199 = tpu.memref_slice %arg3[%arg1, %run_scoped3A, %dma_wait3A_197, %dma_wait3A_198] : memref<16x4x40x128xi32, #tpu.memory_space<hbm>> -> memref<1x1x40x128xi32, #tpu.memory_space<hbm>>
      %dma_wait3A_200 = tpu.memref_squeeze %dma_wait3A_199 : memref<1x1x40x128xi32, #tpu.memory_space<hbm>> -> memref<40x128xi32, #tpu.memory_space<hbm>>
      tpu.wait_dma2 semaphore(%run_scoped3A_185 : memref<!tpu.dma_semaphore, #tpu.memory_space<semaphore_mem>>) src(%dma_wait3A_200 : memref<40x128xi32, #tpu.memory_space<hbm>>) dst(%arg6 : memref<40x128xi32, #tpu.memory_space<vmem>>)
      tpu.yield
    }) : () -> ()
    %run_scoped3A_9 = arith.constant 0 : i32
    "tpu.region"() ({
      %run_scoped3A_185 = tpu.sem_alloc : memref<!tpu.dma_semaphore, #tpu.memory_space<semaphore_mem>>
      %dma_start3A_186 = arith.constant 0 : i32
      %dma_start3A_187 = arith.constant 0 : i32
      %dma_start3A_188 = tpu.memref_slice %arg4[%arg1, %run_scoped3A_9, %dma_start3A_186, %dma_start3A_187] : memref<16x4x40x128xi32, #tpu.memory_space<hbm>> -> memref<1x1x40x128xi32, #tpu.memory_space<hbm>>
      %dma_start3A_189 = tpu.memref_squeeze %dma_start3A_188 : memref<1x1x40x128xi32, #tpu.memory_space<hbm>> -> memref<40x128xi32, #tpu.memory_space<hbm>>
      %dma_start3A_190 = arith.constant 0 : i32
      %dma_start3A_191 = arith.constant 0 : i32
      %dma_start3A_192 = tpu.memref_slice %arg4[%arg1, %run_scoped3A_9, %dma_start3A_190, %dma_start3A_191] : memref<16x4x40x128xi32, #tpu.memory_space<hbm>> -> memref<1x1x40x128xi32, #tpu.memory_space<hbm>>
      %dma_start3A_193 = tpu.memref_squeeze %dma_start3A_192 : memref<1x1x40x128xi32, #tpu.memory_space<hbm>> -> memref<40x128xi32, #tpu.memory_space<hbm>>
      tpu.enqueue_dma source(%dma_start3A_193 : memref<40x128xi32, #tpu.memory_space<hbm>>) target(%arg7 : memref<40x128xi32, #tpu.memory_space<vmem>>) target_semaphore(%run_scoped3A_185 : memref<!tpu.dma_semaphore, #tpu.memory_space<semaphore_mem>>)
      %dma_wait3A = arith.constant 0 : i32
      %dma_wait3A_194 = arith.constant 0 : i32
      %dma_wait3A_195 = tpu.memref_slice %arg4[%arg1, %run_scoped3A_9, %dma_wait3A, %dma_wait3A_194] : memref<16x4x40x128xi32, #tpu.memory_space<hbm>> -> memref<1x1x40x128xi32, #tpu.memory_space<hbm>>
      %dma_wait3A_196 = tpu.memref_squeeze %dma_wait3A_195 : memref<1x1x40x128xi32, #tpu.memory_space<hbm>> -> memref<40x128xi32, #tpu.memory_space<hbm>>
      %dma_wait3A_197 = arith.constant 0 : i32
      %dma_wait3A_198 = arith.constant 0 : i32
      %dma_wait3A_199 = tpu.memref_slice %arg4[%arg1, %run_scoped3A_9, %dma_wait3A_197, %dma_wait3A_198] : memref<16x4x40x128xi32, #tpu.memory_space<hbm>> -> memref<1x1x40x128xi32, #tpu.memory_space<hbm>>
      %dma_wait3A_200 = tpu.memref_squeeze %dma_wait3A_199 : memref<1x1x40x128xi32, #tpu.memory_space<hbm>> -> memref<40x128xi32, #tpu.memory_space<hbm>>
      tpu.wait_dma2 semaphore(%run_scoped3A_185 : memref<!tpu.dma_semaphore, #tpu.memory_space<semaphore_mem>>) src(%dma_wait3A_200 : memref<40x128xi32, #tpu.memory_space<hbm>>) dst(%arg7 : memref<40x128xi32, #tpu.memory_space<vmem>>)
      tpu.yield
    }) : () -> ()
    %dma_start3A = arith.constant 0 : i32
    %dma_start3A_10 = arith.constant 0 : i32
    %dma_start3A_11 = arith.constant 0 : i32
    %dma_start3A_12 = arith.constant 0 : i32
    %dma_start3A_13 = tpu.memref_slice %arg8[%dma_start3A_10, %dma_start3A_11, %dma_start3A_12] : memref<4x128x32xf32, #tpu.memory_space<vmem>> -> memref<1x128x32xf32, #tpu.memory_space<vmem>>
    %dma_start3A_14 = tpu.memref_squeeze %dma_start3A_13 : memref<1x128x32xf32, #tpu.memory_space<vmem>> -> memref<128x32xf32, #tpu.memory_space<vmem>>
    %dma_start3A_15 = arith.constant 0 : i32
    %dma_start3A_16 = tpu.memref_slice %arg6[%dma_start3A, %dma_start3A_15] : memref<40x128xi32, #tpu.memory_space<vmem>> -> memref<1x128xi32, #tpu.memory_space<vmem>>
    %dma_start3A_17 = tpu.memref_squeeze %dma_start3A_16 : memref<1x128xi32, #tpu.memory_space<vmem>> -> memref<128xi32, #tpu.memory_space<vmem>>
    %dma_start3A_18 = arith.constant 0 : i32
    %dma_start3A_19 = arith.constant 0 : i32
    %dma_start3A_20 = tpu.memref_slice %arg9[%dma_start3A_18, %dma_start3A_19] : memref<10240x32xf32, #tpu.memory_space<vmem_shared>> -> memref<10240x32xf32, #tpu.memory_space<vmem_shared>>
    tpu.enqueue_indirect_dma source(%dma_start3A_20 : memref<10240x32xf32, #tpu.memory_space<vmem_shared>>) target(%dma_start3A_14 : memref<128x32xf32, #tpu.memory_space<vmem>>) offsets(%dma_start3A_17 : memref<128xi32, #tpu.memory_space<vmem>>) semaphore(%arg11 : memref<!tpu.dma_semaphore, #tpu.memory_space<semaphore_mem>>)
    %dma_start3A_21 = arith.constant 1 : i32
    %dma_start3A_22 = arith.constant 1 : i32
    %dma_start3A_23 = arith.constant 0 : i32
    %dma_start3A_24 = arith.constant 0 : i32
    %dma_start3A_25 = tpu.memref_slice %arg8[%dma_start3A_22, %dma_start3A_23, %dma_start3A_24] : memref<4x128x32xf32, #tpu.memory_space<vmem>> -> memref<1x128x32xf32, #tpu.memory_space<vmem>>
    %dma_start3A_26 = tpu.memref_squeeze %dma_start3A_25 : memref<1x128x32xf32, #tpu.memory_space<vmem>> -> memref<128x32xf32, #tpu.memory_space<vmem>>
    %dma_start3A_27 = arith.constant 0 : i32
    %dma_start3A_28 = tpu.memref_slice %arg6[%dma_start3A_21, %dma_start3A_27] : memref<40x128xi32, #tpu.memory_space<vmem>> -> memref<1x128xi32, #tpu.memory_space<vmem>>
    %dma_start3A_29 = tpu.memref_squeeze %dma_start3A_28 : memref<1x128xi32, #tpu.memory_space<vmem>> -> memref<128xi32, #tpu.memory_space<vmem>>
    %dma_start3A_30 = arith.constant 0 : i32
    %dma_start3A_31 = arith.constant 0 : i32
    %dma_start3A_32 = tpu.memref_slice %arg9[%dma_start3A_30, %dma_start3A_31] : memref<10240x32xf32, #tpu.memory_space<vmem_shared>> -> memref<10240x32xf32, #tpu.memory_space<vmem_shared>>
    tpu.enqueue_indirect_dma source(%dma_start3A_32 : memref<10240x32xf32, #tpu.memory_space<vmem_shared>>) target(%dma_start3A_26 : memref<128x32xf32, #tpu.memory_space<vmem>>) offsets(%dma_start3A_29 : memref<128xi32, #tpu.memory_space<vmem>>) semaphore(%arg11 : memref<!tpu.dma_semaphore, #tpu.memory_space<semaphore_mem>>)
    %dma_start3A_33 = arith.constant 2 : i32
    %dma_start3A_34 = arith.constant 2 : i32
    %dma_start3A_35 = arith.constant 0 : i32
    %dma_start3A_36 = arith.constant 0 : i32
    %dma_start3A_37 = tpu.memref_slice %arg8[%dma_start3A_34, %dma_start3A_35, %dma_start3A_36] : memref<4x128x32xf32, #tpu.memory_space<vmem>> -> memref<1x128x32xf32, #tpu.memory_space<vmem>>
    %dma_start3A_38 = tpu.memref_squeeze %dma_start3A_37 : memref<1x128x32xf32, #tpu.memory_space<vmem>> -> memref<128x32xf32, #tpu.memory_space<vmem>>
    %dma_start3A_39 = arith.constant 0 : i32
    %dma_start3A_40 = tpu.memref_slice %arg6[%dma_start3A_33, %dma_start3A_39] : memref<40x128xi32, #tpu.memory_space<vmem>> -> memref<1x128xi32, #tpu.memory_space<vmem>>
    %dma_start3A_41 = tpu.memref_squeeze %dma_start3A_40 : memref<1x128xi32, #tpu.memory_space<vmem>> -> memref<128xi32, #tpu.memory_space<vmem>>
    %dma_start3A_42 = arith.constant 0 : i32
    %dma_start3A_43 = arith.constant 0 : i32
    %dma_start3A_44 = tpu.memref_slice %arg9[%dma_start3A_42, %dma_start3A_43] : memref<10240x32xf32, #tpu.memory_space<vmem_shared>> -> memref<10240x32xf32, #tpu.memory_space<vmem_shared>>
    tpu.enqueue_indirect_dma source(%dma_start3A_44 : memref<10240x32xf32, #tpu.memory_space<vmem_shared>>) target(%dma_start3A_38 : memref<128x32xf32, #tpu.memory_space<vmem>>) offsets(%dma_start3A_41 : memref<128xi32, #tpu.memory_space<vmem>>) semaphore(%arg11 : memref<!tpu.dma_semaphore, #tpu.memory_space<semaphore_mem>>)
    %scan3A_45 = arith.constant 0 : i32
    %scan3A_46 = arith.constant 40 : i32
    %scan3A_47 = arith.addi %scan3A_45, %scan3A_46 : i32
    %scan3A_48 = arith.constant 1 : i32
    scf.for %scan3A_185 = %scan3A_45 to %scan3A_47 step %scan3A_48  : i32 {
      %mul3A = arith.constant 1 : i32
      %mul3A_186 = arith.muli %scan3A_185, %mul3A : i32
      %add3A = arith.constant 0 : i32
      %add3A_187 = arith.addi %add3A, %mul3A_186 : i32
      %rem3A = arith.constant 4 : i32
      %rem3A_188 = arith.remsi %add3A_187, %rem3A : i32
      %dma_wait3A = arith.constant 0 : i32
      %dma_wait3A_189 = arith.constant 0 : i32
      %dma_wait3A_190 = arith.constant 0 : i32
      %dma_wait3A_191 = arith.constant 0 : i32
      %dma_wait3A_192 = tpu.memref_slice %arg8[%dma_wait3A_189, %dma_wait3A_190, %dma_wait3A_191] : memref<4x128x32xf32, #tpu.memory_space<vmem>> -> memref<1x128x32xf32, #tpu.memory_space<vmem>>
      %dma_wait3A_193 = tpu.memref_squeeze %dma_wait3A_192 : memref<1x128x32xf32, #tpu.memory_space<vmem>> -> memref<128x32xf32, #tpu.memory_space<vmem>>
      %dma_wait3A_194 = arith.constant 0 : i32
      %dma_wait3A_195 = tpu.memref_slice %arg6[%dma_wait3A, %dma_wait3A_194] : memref<40x128xi32, #tpu.memory_space<vmem>> -> memref<1x128xi32, #tpu.memory_space<vmem>>
      %dma_wait3A_196 = tpu.memref_squeeze %dma_wait3A_195 : memref<1x128xi32, #tpu.memory_space<vmem>> -> memref<128xi32, #tpu.memory_space<vmem>>
      %dma_wait3A_197 = arith.constant 0 : i32
      %dma_wait3A_198 = arith.constant 0 : i32
      %dma_wait3A_199 = tpu.memref_slice %arg9[%dma_wait3A_197, %dma_wait3A_198] : memref<10240x32xf32, #tpu.memory_space<vmem_shared>> -> memref<10240x32xf32, #tpu.memory_space<vmem_shared>>
      tpu.wait_indirect_dma semaphore(%arg11 : memref<!tpu.dma_semaphore, #tpu.memory_space<semaphore_mem>>) src(%dma_wait3A_199 : memref<10240x32xf32, #tpu.memory_space<vmem_shared>>) dst(%dma_wait3A_193 : memref<128x32xf32, #tpu.memory_space<vmem>>)
      %add3A_200 = arith.constant 4 : i32
      %add3A_201 = arith.addi %add3A_187, %add3A_200 : i32
      %sub3A = arith.constant 1 : i32
      %sub3A_202 = arith.subi %add3A_201, %sub3A : i32
      %lt3A = arith.constant 40 : i32
      %lt3A_203 = arith.cmpi slt, %sub3A_202, %lt3A : i32
      %convert_element_type3A = arith.extui %lt3A_203 : i1 to i32
      %cond3A = arith.constant 0 : i32
      %cond3A_204 = arith.cmpi ne, %convert_element_type3A, %cond3A : i32
      scf.if %cond3A_204 {
        %add3A_205 = arith.constant 4 : i32
        %add3A_206 = arith.addi %add3A_187, %add3A_205 : i32
        %sub3A_207 = arith.constant 1 : i32
        %sub3A_208 = arith.subi %add3A_206, %sub3A_207 : i32
        %rem3A_209 = arith.constant 4 : i32
        %rem3A_210 = arith.remsi %sub3A_208, %rem3A_209 : i32
        %dma_start3A_211 = arith.constant 0 : i32
        %dma_start3A_212 = arith.constant 0 : i32
        %dma_start3A_213 = tpu.memref_slice %arg8[%rem3A_210, %dma_start3A_211, %dma_start3A_212] : memref<4x128x32xf32, #tpu.memory_space<vmem>> -> memref<1x128x32xf32, #tpu.memory_space<vmem>>
        %dma_start3A_214 = tpu.memref_squeeze %dma_start3A_213 : memref<1x128x32xf32, #tpu.memory_space<vmem>> -> memref<128x32xf32, #tpu.memory_space<vmem>>
        %dma_start3A_215 = arith.constant 0 : i32
        %dma_start3A_216 = tpu.memref_slice %arg6[%sub3A_208, %dma_start3A_215] : memref<40x128xi32, #tpu.memory_space<vmem>> -> memref<1x128xi32, #tpu.memory_space<vmem>>
        %dma_start3A_217 = tpu.memref_squeeze %dma_start3A_216 : memref<1x128xi32, #tpu.memory_space<vmem>> -> memref<128xi32, #tpu.memory_space<vmem>>
        %dma_start3A_218 = arith.constant 0 : i32
        %dma_start3A_219 = arith.constant 0 : i32
        %dma_start3A_220 = tpu.memref_slice %arg9[%dma_start3A_218, %dma_start3A_219] : memref<10240x32xf32, #tpu.memory_space<vmem_shared>> -> memref<10240x32xf32, #tpu.memory_space<vmem_shared>>
        tpu.enqueue_indirect_dma source(%dma_start3A_220 : memref<10240x32xf32, #tpu.memory_space<vmem_shared>>) target(%dma_start3A_214 : memref<128x32xf32, #tpu.memory_space<vmem>>) offsets(%dma_start3A_217 : memref<128xi32, #tpu.memory_space<vmem>>) semaphore(%arg11 : memref<!tpu.dma_semaphore, #tpu.memory_space<semaphore_mem>>)
      } else {
      }
      "tpu.region"() ({
        %run_scoped3A_205 = tpu.sem_alloc : memref<!tpu.dma_semaphore, #tpu.memory_space<semaphore_mem>>
        %dma_start3A_206 = arith.constant 0 : i32
        %dma_start3A_207 = arith.constant 0 : i32
        %dma_start3A_208 = tpu.memref_slice %arg8[%rem3A_188, %dma_start3A_206, %dma_start3A_207] : memref<4x128x32xf32, #tpu.memory_space<vmem>> -> memref<1x128x32xf32, #tpu.memory_space<vmem>>
        %dma_start3A_209 = tpu.memref_squeeze %dma_start3A_208 : memref<1x128x32xf32, #tpu.memory_space<vmem>> -> memref<128x32xf32, #tpu.memory_space<vmem>>
        %dma_start3A_210 = arith.constant 0 : i32
        %dma_start3A_211 = tpu.memref_slice %arg7[%add3A_187, %dma_start3A_210] : memref<40x128xi32, #tpu.memory_space<vmem>> -> memref<1x128xi32, #tpu.memory_space<vmem>>
        %dma_start3A_212 = tpu.memref_squeeze %dma_start3A_211 : memref<1x128xi32, #tpu.memory_space<vmem>> -> memref<128xi32, #tpu.memory_space<vmem>>
        %dma_start3A_213 = arith.constant 0 : i32
        %dma_start3A_214 = arith.constant 0 : i32
        %dma_start3A_215 = tpu.memref_slice %arg10[%dma_start3A_213, %dma_start3A_214] : memref<10240x32xf32, #tpu.memory_space<vmem_shared>> -> memref<10240x32xf32, #tpu.memory_space<vmem_shared>>
        tpu.enqueue_indirect_dma source(%dma_start3A_209 : memref<128x32xf32, #tpu.memory_space<vmem>>) target(%dma_start3A_215 : memref<10240x32xf32, #tpu.memory_space<vmem_shared>>) offsets(%dma_start3A_212 : memref<128xi32, #tpu.memory_space<vmem>>) semaphore(%run_scoped3A_205 : memref<!tpu.dma_semaphore, #tpu.memory_space<semaphore_mem>>) {add = true}
        %dma_wait3A_216 = arith.constant 0 : i32
        %dma_wait3A_217 = arith.constant 0 : i32
        %dma_wait3A_218 = tpu.memref_slice %arg8[%rem3A_188, %dma_wait3A_216, %dma_wait3A_217] : memref<4x128x32xf32, #tpu.memory_space<vmem>> -> memref<1x128x32xf32, #tpu.memory_space<vmem>>
        %dma_wait3A_219 = tpu.memref_squeeze %dma_wait3A_218 : memref<1x128x32xf32, #tpu.memory_space<vmem>> -> memref<128x32xf32, #tpu.memory_space<vmem>>
        %dma_wait3A_220 = arith.constant 0 : i32
        %dma_wait3A_221 = tpu.memref_slice %arg7[%add3A_187, %dma_wait3A_220] : memref<40x128xi32, #tpu.memory_space<vmem>> -> memref<1x128xi32, #tpu.memory_space<vmem>>
        %dma_wait3A_222 = tpu.memref_squeeze %dma_wait3A_221 : memref<1x128xi32, #tpu.memory_space<vmem>> -> memref<128xi32, #tpu.memory_space<vmem>>
        %dma_wait3A_223 = arith.constant 0 : i32
        %dma_wait3A_224 = arith.constant 0 : i32
        %dma_wait3A_225 = tpu.memref_slice %arg10[%dma_wait3A_223, %dma_wait3A_224] : memref<10240x32xf32, #tpu.memory_space<vmem_shared>> -> memref<10240x32xf32, #tpu.memory_space<vmem_shared>>
        tpu.wait_indirect_dma semaphore(%run_scoped3A_205 : memref<!tpu.dma_semaphore, #tpu.memory_space<semaphore_mem>>) src(%dma_wait3A_219 : memref<128x32xf32, #tpu.memory_space<vmem>>) dst(%dma_wait3A_225 : memref<10240x32xf32, #tpu.memory_space<vmem_shared>>)
        tpu.yield
      }) : () -> ()
    }
    %scan3A_49 = arith.constant 40 : i32
    %run_scoped3A_50 = arith.constant 1 : i32
    "tpu.region"() ({
      %run_scoped3A_185 = tpu.sem_alloc : memref<!tpu.dma_semaphore, #tpu.memory_space<semaphore_mem>>
      %dma_start3A_186 = arith.constant 0 : i32
      %dma_start3A_187 = arith.constant 0 : i32
      %dma_start3A_188 = tpu.memref_slice %arg3[%arg1, %run_scoped3A_50, %dma_start3A_186, %dma_start3A_187] : memref<16x4x40x128xi32, #tpu.memory_space<hbm>> -> memref<1x1x40x128xi32, #tpu.memory_space<hbm>>
      %dma_start3A_189 = tpu.memref_squeeze %dma_start3A_188 : memref<1x1x40x128xi32, #tpu.memory_space<hbm>> -> memref<40x128xi32, #tpu.memory_space<hbm>>
      %dma_start3A_190 = arith.constant 0 : i32
      %dma_start3A_191 = arith.constant 0 : i32
      %dma_start3A_192 = tpu.memref_slice %arg3[%arg1, %run_scoped3A_50, %dma_start3A_190, %dma_start3A_191] : memref<16x4x40x128xi32, #tpu.memory_space<hbm>> -> memref<1x1x40x128xi32, #tpu.memory_space<hbm>>
      %dma_start3A_193 = tpu.memref_squeeze %dma_start3A_192 : memref<1x1x40x128xi32, #tpu.memory_space<hbm>> -> memref<40x128xi32, #tpu.memory_space<hbm>>
      tpu.enqueue_dma source(%dma_start3A_193 : memref<40x128xi32, #tpu.memory_space<hbm>>) target(%arg6 : memref<40x128xi32, #tpu.memory_space<vmem>>) target_semaphore(%run_scoped3A_185 : memref<!tpu.dma_semaphore, #tpu.memory_space<semaphore_mem>>)
      %dma_wait3A = arith.constant 0 : i32
      %dma_wait3A_194 = arith.constant 0 : i32
      %dma_wait3A_195 = tpu.memref_slice %arg3[%arg1, %run_scoped3A_50, %dma_wait3A, %dma_wait3A_194] : memref<16x4x40x128xi32, #tpu.memory_space<hbm>> -> memref<1x1x40x128xi32, #tpu.memory_space<hbm>>
      %dma_wait3A_196 = tpu.memref_squeeze %dma_wait3A_195 : memref<1x1x40x128xi32, #tpu.memory_space<hbm>> -> memref<40x128xi32, #tpu.memory_space<hbm>>
      %dma_wait3A_197 = arith.constant 0 : i32
      %dma_wait3A_198 = arith.constant 0 : i32
      %dma_wait3A_199 = tpu.memref_slice %arg3[%arg1, %run_scoped3A_50, %dma_wait3A_197, %dma_wait3A_198] : memref<16x4x40x128xi32, #tpu.memory_space<hbm>> -> memref<1x1x40x128xi32, #tpu.memory_space<hbm>>
      %dma_wait3A_200 = tpu.memref_squeeze %dma_wait3A_199 : memref<1x1x40x128xi32, #tpu.memory_space<hbm>> -> memref<40x128xi32, #tpu.memory_space<hbm>>
      tpu.wait_dma2 semaphore(%run_scoped3A_185 : memref<!tpu.dma_semaphore, #tpu.memory_space<semaphore_mem>>) src(%dma_wait3A_200 : memref<40x128xi32, #tpu.memory_space<hbm>>) dst(%arg6 : memref<40x128xi32, #tpu.memory_space<vmem>>)
      tpu.yield
    }) : () -> ()
    %run_scoped3A_51 = arith.constant 1 : i32
    "tpu.region"() ({
      %run_scoped3A_185 = tpu.sem_alloc : memref<!tpu.dma_semaphore, #tpu.memory_space<semaphore_mem>>
      %dma_start3A_186 = arith.constant 0 : i32
      %dma_start3A_187 = arith.constant 0 : i32
      %dma_start3A_188 = tpu.memref_slice %arg4[%arg1, %run_scoped3A_51, %dma_start3A_186, %dma_start3A_187] : memref<16x4x40x128xi32, #tpu.memory_space<hbm>> -> memref<1x1x40x128xi32, #tpu.memory_space<hbm>>
      %dma_start3A_189 = tpu.memref_squeeze %dma_start3A_188 : memref<1x1x40x128xi32, #tpu.memory_space<hbm>> -> memref<40x128xi32, #tpu.memory_space<hbm>>
      %dma_start3A_190 = arith.constant 0 : i32
      %dma_start3A_191 = arith.constant 0 : i32
      %dma_start3A_192 = tpu.memref_slice %arg4[%arg1, %run_scoped3A_51, %dma_start3A_190, %dma_start3A_191] : memref<16x4x40x128xi32, #tpu.memory_space<hbm>> -> memref<1x1x40x128xi32, #tpu.memory_space<hbm>>
      %dma_start3A_193 = tpu.memref_squeeze %dma_start3A_192 : memref<1x1x40x128xi32, #tpu.memory_space<hbm>> -> memref<40x128xi32, #tpu.memory_space<hbm>>
      tpu.enqueue_dma source(%dma_start3A_193 : memref<40x128xi32, #tpu.memory_space<hbm>>) target(%arg7 : memref<40x128xi32, #tpu.memory_space<vmem>>) target_semaphore(%run_scoped3A_185 : memref<!tpu.dma_semaphore, #tpu.memory_space<semaphore_mem>>)
      %dma_wait3A = arith.constant 0 : i32
      %dma_wait3A_194 = arith.constant 0 : i32
      %dma_wait3A_195 = tpu.memref_slice %arg4[%arg1, %run_scoped3A_51, %dma_wait3A, %dma_wait3A_194] : memref<16x4x40x128xi32, #tpu.memory_space<hbm>> -> memref<1x1x40x128xi32, #tpu.memory_space<hbm>>
      %dma_wait3A_196 = tpu.memref_squeeze %dma_wait3A_195 : memref<1x1x40x128xi32, #tpu.memory_space<hbm>> -> memref<40x128xi32, #tpu.memory_space<hbm>>
      %dma_wait3A_197 = arith.constant 0 : i32
      %dma_wait3A_198 = arith.constant 0 : i32
      %dma_wait3A_199 = tpu.memref_slice %arg4[%arg1, %run_scoped3A_51, %dma_wait3A_197, %dma_wait3A_198] : memref<16x4x40x128xi32, #tpu.memory_space<hbm>> -> memref<1x1x40x128xi32, #tpu.memory_space<hbm>>
      %dma_wait3A_200 = tpu.memref_squeeze %dma_wait3A_199 : memref<1x1x40x128xi32, #tpu.memory_space<hbm>> -> memref<40x128xi32, #tpu.memory_space<hbm>>
      tpu.wait_dma2 semaphore(%run_scoped3A_185 : memref<!tpu.dma_semaphore, #tpu.memory_space<semaphore_mem>>) src(%dma_wait3A_200 : memref<40x128xi32, #tpu.memory_space<hbm>>) dst(%arg7 : memref<40x128xi32, #tpu.memory_space<vmem>>)
      tpu.yield
    }) : () -> ()
    %dma_start3A_52 = arith.constant 0 : i32
    %dma_start3A_53 = arith.constant 0 : i32
    %dma_start3A_54 = arith.constant 0 : i32
    %dma_start3A_55 = arith.constant 0 : i32
    %dma_start3A_56 = tpu.memref_slice %arg8[%dma_start3A_53, %dma_start3A_54, %dma_start3A_55] : memref<4x128x32xf32, #tpu.memory_space<vmem>> -> memref<1x128x32xf32, #tpu.memory_space<vmem>>
    %dma_start3A_57 = tpu.memref_squeeze %dma_start3A_56 : memref<1x128x32xf32, #tpu.memory_space<vmem>> -> memref<128x32xf32, #tpu.memory_space<vmem>>
    %dma_start3A_58 = arith.constant 0 : i32
    %dma_start3A_59 = tpu.memref_slice %arg6[%dma_start3A_52, %dma_start3A_58] : memref<40x128xi32, #tpu.memory_space<vmem>> -> memref<1x128xi32, #tpu.memory_space<vmem>>
    %dma_start3A_60 = tpu.memref_squeeze %dma_start3A_59 : memref<1x128xi32, #tpu.memory_space<vmem>> -> memref<128xi32, #tpu.memory_space<vmem>>
    %dma_start3A_61 = arith.constant 0 : i32
    %dma_start3A_62 = arith.constant 0 : i32
    %dma_start3A_63 = tpu.memref_slice %arg9[%dma_start3A_61, %dma_start3A_62] : memref<10240x32xf32, #tpu.memory_space<vmem_shared>> -> memref<10240x32xf32, #tpu.memory_space<vmem_shared>>
    tpu.enqueue_indirect_dma source(%dma_start3A_63 : memref<10240x32xf32, #tpu.memory_space<vmem_shared>>) target(%dma_start3A_57 : memref<128x32xf32, #tpu.memory_space<vmem>>) offsets(%dma_start3A_60 : memref<128xi32, #tpu.memory_space<vmem>>) semaphore(%arg11 : memref<!tpu.dma_semaphore, #tpu.memory_space<semaphore_mem>>)
    %dma_start3A_64 = arith.constant 1 : i32
    %dma_start3A_65 = arith.constant 1 : i32
    %dma_start3A_66 = arith.constant 0 : i32
    %dma_start3A_67 = arith.constant 0 : i32
    %dma_start3A_68 = tpu.memref_slice %arg8[%dma_start3A_65, %dma_start3A_66, %dma_start3A_67] : memref<4x128x32xf32, #tpu.memory_space<vmem>> -> memref<1x128x32xf32, #tpu.memory_space<vmem>>
    %dma_start3A_69 = tpu.memref_squeeze %dma_start3A_68 : memref<1x128x32xf32, #tpu.memory_space<vmem>> -> memref<128x32xf32, #tpu.memory_space<vmem>>
    %dma_start3A_70 = arith.constant 0 : i32
    %dma_start3A_71 = tpu.memref_slice %arg6[%dma_start3A_64, %dma_start3A_70] : memref<40x128xi32, #tpu.memory_space<vmem>> -> memref<1x128xi32, #tpu.memory_space<vmem>>
    %dma_start3A_72 = tpu.memref_squeeze %dma_start3A_71 : memref<1x128xi32, #tpu.memory_space<vmem>> -> memref<128xi32, #tpu.memory_space<vmem>>
    %dma_start3A_73 = arith.constant 0 : i32
    %dma_start3A_74 = arith.constant 0 : i32
    %dma_start3A_75 = tpu.memref_slice %arg9[%dma_start3A_73, %dma_start3A_74] : memref<10240x32xf32, #tpu.memory_space<vmem_shared>> -> memref<10240x32xf32, #tpu.memory_space<vmem_shared>>
    tpu.enqueue_indirect_dma source(%dma_start3A_75 : memref<10240x32xf32, #tpu.memory_space<vmem_shared>>) target(%dma_start3A_69 : memref<128x32xf32, #tpu.memory_space<vmem>>) offsets(%dma_start3A_72 : memref<128xi32, #tpu.memory_space<vmem>>) semaphore(%arg11 : memref<!tpu.dma_semaphore, #tpu.memory_space<semaphore_mem>>)
    %dma_start3A_76 = arith.constant 2 : i32
    %dma_start3A_77 = arith.constant 2 : i32
    %dma_start3A_78 = arith.constant 0 : i32
    %dma_start3A_79 = arith.constant 0 : i32
    %dma_start3A_80 = tpu.memref_slice %arg8[%dma_start3A_77, %dma_start3A_78, %dma_start3A_79] : memref<4x128x32xf32, #tpu.memory_space<vmem>> -> memref<1x128x32xf32, #tpu.memory_space<vmem>>
    %dma_start3A_81 = tpu.memref_squeeze %dma_start3A_80 : memref<1x128x32xf32, #tpu.memory_space<vmem>> -> memref<128x32xf32, #tpu.memory_space<vmem>>
    %dma_start3A_82 = arith.constant 0 : i32
    %dma_start3A_83 = tpu.memref_slice %arg6[%dma_start3A_76, %dma_start3A_82] : memref<40x128xi32, #tpu.memory_space<vmem>> -> memref<1x128xi32, #tpu.memory_space<vmem>>
    %dma_start3A_84 = tpu.memref_squeeze %dma_start3A_83 : memref<1x128xi32, #tpu.memory_space<vmem>> -> memref<128xi32, #tpu.memory_space<vmem>>
    %dma_start3A_85 = arith.constant 0 : i32
    %dma_start3A_86 = arith.constant 0 : i32
    %dma_start3A_87 = tpu.memref_slice %arg9[%dma_start3A_85, %dma_start3A_86] : memref<10240x32xf32, #tpu.memory_space<vmem_shared>> -> memref<10240x32xf32, #tpu.memory_space<vmem_shared>>
    tpu.enqueue_indirect_dma source(%dma_start3A_87 : memref<10240x32xf32, #tpu.memory_space<vmem_shared>>) target(%dma_start3A_81 : memref<128x32xf32, #tpu.memory_space<vmem>>) offsets(%dma_start3A_84 : memref<128xi32, #tpu.memory_space<vmem>>) semaphore(%arg11 : memref<!tpu.dma_semaphore, #tpu.memory_space<semaphore_mem>>)
    %scan3A_88 = arith.constant 0 : i32
    %scan3A_89 = arith.constant 40 : i32
    %scan3A_90 = arith.addi %scan3A_88, %scan3A_89 : i32
    %scan3A_91 = arith.constant 1 : i32
    scf.for %scan3A_185 = %scan3A_88 to %scan3A_90 step %scan3A_91  : i32 {
      %mul3A = arith.constant 1 : i32
      %mul3A_186 = arith.muli %scan3A_185, %mul3A : i32
      %add3A = arith.constant 0 : i32
      %add3A_187 = arith.addi %add3A, %mul3A_186 : i32
      %rem3A = arith.constant 4 : i32
      %rem3A_188 = arith.remsi %add3A_187, %rem3A : i32
      %dma_wait3A = arith.constant 0 : i32
      %dma_wait3A_189 = arith.constant 0 : i32
      %dma_wait3A_190 = arith.constant 0 : i32
      %dma_wait3A_191 = arith.constant 0 : i32
      %dma_wait3A_192 = tpu.memref_slice %arg8[%dma_wait3A_189, %dma_wait3A_190, %dma_wait3A_191] : memref<4x128x32xf32, #tpu.memory_space<vmem>> -> memref<1x128x32xf32, #tpu.memory_space<vmem>>
      %dma_wait3A_193 = tpu.memref_squeeze %dma_wait3A_192 : memref<1x128x32xf32, #tpu.memory_space<vmem>> -> memref<128x32xf32, #tpu.memory_space<vmem>>
      %dma_wait3A_194 = arith.constant 0 : i32
      %dma_wait3A_195 = tpu.memref_slice %arg6[%dma_wait3A, %dma_wait3A_194] : memref<40x128xi32, #tpu.memory_space<vmem>> -> memref<1x128xi32, #tpu.memory_space<vmem>>
      %dma_wait3A_196 = tpu.memref_squeeze %dma_wait3A_195 : memref<1x128xi32, #tpu.memory_space<vmem>> -> memref<128xi32, #tpu.memory_space<vmem>>
      %dma_wait3A_197 = arith.constant 0 : i32
      %dma_wait3A_198 = arith.constant 0 : i32
      %dma_wait3A_199 = tpu.memref_slice %arg9[%dma_wait3A_197, %dma_wait3A_198] : memref<10240x32xf32, #tpu.memory_space<vmem_shared>> -> memref<10240x32xf32, #tpu.memory_space<vmem_shared>>
      tpu.wait_indirect_dma semaphore(%arg11 : memref<!tpu.dma_semaphore, #tpu.memory_space<semaphore_mem>>) src(%dma_wait3A_199 : memref<10240x32xf32, #tpu.memory_space<vmem_shared>>) dst(%dma_wait3A_193 : memref<128x32xf32, #tpu.memory_space<vmem>>)
      %add3A_200 = arith.constant 4 : i32
      %add3A_201 = arith.addi %add3A_187, %add3A_200 : i32
      %sub3A = arith.constant 1 : i32
      %sub3A_202 = arith.subi %add3A_201, %sub3A : i32
      %lt3A = arith.constant 40 : i32
      %lt3A_203 = arith.cmpi slt, %sub3A_202, %lt3A : i32
      %convert_element_type3A = arith.extui %lt3A_203 : i1 to i32
      %cond3A = arith.constant 0 : i32
      %cond3A_204 = arith.cmpi ne, %convert_element_type3A, %cond3A : i32
      scf.if %cond3A_204 {
        %add3A_205 = arith.constant 4 : i32
        %add3A_206 = arith.addi %add3A_187, %add3A_205 : i32
        %sub3A_207 = arith.constant 1 : i32
        %sub3A_208 = arith.subi %add3A_206, %sub3A_207 : i32
        %rem3A_209 = arith.constant 4 : i32
        %rem3A_210 = arith.remsi %sub3A_208, %rem3A_209 : i32
        %dma_start3A_211 = arith.constant 0 : i32
        %dma_start3A_212 = arith.constant 0 : i32
        %dma_start3A_213 = tpu.memref_slice %arg8[%rem3A_210, %dma_start3A_211, %dma_start3A_212] : memref<4x128x32xf32, #tpu.memory_space<vmem>> -> memref<1x128x32xf32, #tpu.memory_space<vmem>>
        %dma_start3A_214 = tpu.memref_squeeze %dma_start3A_213 : memref<1x128x32xf32, #tpu.memory_space<vmem>> -> memref<128x32xf32, #tpu.memory_space<vmem>>
        %dma_start3A_215 = arith.constant 0 : i32
        %dma_start3A_216 = tpu.memref_slice %arg6[%sub3A_208, %dma_start3A_215] : memref<40x128xi32, #tpu.memory_space<vmem>> -> memref<1x128xi32, #tpu.memory_space<vmem>>
        %dma_start3A_217 = tpu.memref_squeeze %dma_start3A_216 : memref<1x128xi32, #tpu.memory_space<vmem>> -> memref<128xi32, #tpu.memory_space<vmem>>
        %dma_start3A_218 = arith.constant 0 : i32
        %dma_start3A_219 = arith.constant 0 : i32
        %dma_start3A_220 = tpu.memref_slice %arg9[%dma_start3A_218, %dma_start3A_219] : memref<10240x32xf32, #tpu.memory_space<vmem_shared>> -> memref<10240x32xf32, #tpu.memory_space<vmem_shared>>
        tpu.enqueue_indirect_dma source(%dma_start3A_220 : memref<10240x32xf32, #tpu.memory_space<vmem_shared>>) target(%dma_start3A_214 : memref<128x32xf32, #tpu.memory_space<vmem>>) offsets(%dma_start3A_217 : memref<128xi32, #tpu.memory_space<vmem>>) semaphore(%arg11 : memref<!tpu.dma_semaphore, #tpu.memory_space<semaphore_mem>>)
      } else {
      }
      "tpu.region"() ({
        %run_scoped3A_205 = tpu.sem_alloc : memref<!tpu.dma_semaphore, #tpu.memory_space<semaphore_mem>>
        %dma_start3A_206 = arith.constant 0 : i32
        %dma_start3A_207 = arith.constant 0 : i32
        %dma_start3A_208 = tpu.memref_slice %arg8[%rem3A_188, %dma_start3A_206, %dma_start3A_207] : memref<4x128x32xf32, #tpu.memory_space<vmem>> -> memref<1x128x32xf32, #tpu.memory_space<vmem>>
        %dma_start3A_209 = tpu.memref_squeeze %dma_start3A_208 : memref<1x128x32xf32, #tpu.memory_space<vmem>> -> memref<128x32xf32, #tpu.memory_space<vmem>>
        %dma_start3A_210 = arith.constant 0 : i32
        %dma_start3A_211 = tpu.memref_slice %arg7[%add3A_187, %dma_start3A_210] : memref<40x128xi32, #tpu.memory_space<vmem>> -> memref<1x128xi32, #tpu.memory_space<vmem>>
        %dma_start3A_212 = tpu.memref_squeeze %dma_start3A_211 : memref<1x128xi32, #tpu.memory_space<vmem>> -> memref<128xi32, #tpu.memory_space<vmem>>
        %dma_start3A_213 = arith.constant 0 : i32
        %dma_start3A_214 = arith.constant 0 : i32
        %dma_start3A_215 = tpu.memref_slice %arg10[%dma_start3A_213, %dma_start3A_214] : memref<10240x32xf32, #tpu.memory_space<vmem_shared>> -> memref<10240x32xf32, #tpu.memory_space<vmem_shared>>
        tpu.enqueue_indirect_dma source(%dma_start3A_209 : memref<128x32xf32, #tpu.memory_space<vmem>>) target(%dma_start3A_215 : memref<10240x32xf32, #tpu.memory_space<vmem_shared>>) offsets(%dma_start3A_212 : memref<128xi32, #tpu.memory_space<vmem>>) semaphore(%run_scoped3A_205 : memref<!tpu.dma_semaphore, #tpu.memory_space<semaphore_mem>>) {add = true}
        %dma_wait3A_216 = arith.constant 0 : i32
        %dma_wait3A_217 = arith.constant 0 : i32
        %dma_wait3A_218 = tpu.memref_slice %arg8[%rem3A_188, %dma_wait3A_216, %dma_wait3A_217] : memref<4x128x32xf32, #tpu.memory_space<vmem>> -> memref<1x128x32xf32, #tpu.memory_space<vmem>>
        %dma_wait3A_219 = tpu.memref_squeeze %dma_wait3A_218 : memref<1x128x32xf32, #tpu.memory_space<vmem>> -> memref<128x32xf32, #tpu.memory_space<vmem>>
        %dma_wait3A_220 = arith.constant 0 : i32
        %dma_wait3A_221 = tpu.memref_slice %arg7[%add3A_187, %dma_wait3A_220] : memref<40x128xi32, #tpu.memory_space<vmem>> -> memref<1x128xi32, #tpu.memory_space<vmem>>
        %dma_wait3A_222 = tpu.memref_squeeze %dma_wait3A_221 : memref<1x128xi32, #tpu.memory_space<vmem>> -> memref<128xi32, #tpu.memory_space<vmem>>
        %dma_wait3A_223 = arith.constant 0 : i32
        %dma_wait3A_224 = arith.constant 0 : i32
        %dma_wait3A_225 = tpu.memref_slice %arg10[%dma_wait3A_223, %dma_wait3A_224] : memref<10240x32xf32, #tpu.memory_space<vmem_shared>> -> memref<10240x32xf32, #tpu.memory_space<vmem_shared>>
        tpu.wait_indirect_dma semaphore(%run_scoped3A_205 : memref<!tpu.dma_semaphore, #tpu.memory_space<semaphore_mem>>) src(%dma_wait3A_219 : memref<128x32xf32, #tpu.memory_space<vmem>>) dst(%dma_wait3A_225 : memref<10240x32xf32, #tpu.memory_space<vmem_shared>>)
        tpu.yield
      }) : () -> ()
    }
    %scan3A_92 = arith.constant 40 : i32
    %run_scoped3A_93 = arith.constant 2 : i32
    "tpu.region"() ({
      %run_scoped3A_185 = tpu.sem_alloc : memref<!tpu.dma_semaphore, #tpu.memory_space<semaphore_mem>>
      %dma_start3A_186 = arith.constant 0 : i32
      %dma_start3A_187 = arith.constant 0 : i32
      %dma_start3A_188 = tpu.memref_slice %arg3[%arg1, %run_scoped3A_93, %dma_start3A_186, %dma_start3A_187] : memref<16x4x40x128xi32, #tpu.memory_space<hbm>> -> memref<1x1x40x128xi32, #tpu.memory_space<hbm>>
      %dma_start3A_189 = tpu.memref_squeeze %dma_start3A_188 : memref<1x1x40x128xi32, #tpu.memory_space<hbm>> -> memref<40x128xi32, #tpu.memory_space<hbm>>
      %dma_start3A_190 = arith.constant 0 : i32
      %dma_start3A_191 = arith.constant 0 : i32
      %dma_start3A_192 = tpu.memref_slice %arg3[%arg1, %run_scoped3A_93, %dma_start3A_190, %dma_start3A_191] : memref<16x4x40x128xi32, #tpu.memory_space<hbm>> -> memref<1x1x40x128xi32, #tpu.memory_space<hbm>>
      %dma_start3A_193 = tpu.memref_squeeze %dma_start3A_192 : memref<1x1x40x128xi32, #tpu.memory_space<hbm>> -> memref<40x128xi32, #tpu.memory_space<hbm>>
      tpu.enqueue_dma source(%dma_start3A_193 : memref<40x128xi32, #tpu.memory_space<hbm>>) target(%arg6 : memref<40x128xi32, #tpu.memory_space<vmem>>) target_semaphore(%run_scoped3A_185 : memref<!tpu.dma_semaphore, #tpu.memory_space<semaphore_mem>>)
      %dma_wait3A = arith.constant 0 : i32
      %dma_wait3A_194 = arith.constant 0 : i32
      %dma_wait3A_195 = tpu.memref_slice %arg3[%arg1, %run_scoped3A_93, %dma_wait3A, %dma_wait3A_194] : memref<16x4x40x128xi32, #tpu.memory_space<hbm>> -> memref<1x1x40x128xi32, #tpu.memory_space<hbm>>
      %dma_wait3A_196 = tpu.memref_squeeze %dma_wait3A_195 : memref<1x1x40x128xi32, #tpu.memory_space<hbm>> -> memref<40x128xi32, #tpu.memory_space<hbm>>
      %dma_wait3A_197 = arith.constant 0 : i32
      %dma_wait3A_198 = arith.constant 0 : i32
      %dma_wait3A_199 = tpu.memref_slice %arg3[%arg1, %run_scoped3A_93, %dma_wait3A_197, %dma_wait3A_198] : memref<16x4x40x128xi32, #tpu.memory_space<hbm>> -> memref<1x1x40x128xi32, #tpu.memory_space<hbm>>
      %dma_wait3A_200 = tpu.memref_squeeze %dma_wait3A_199 : memref<1x1x40x128xi32, #tpu.memory_space<hbm>> -> memref<40x128xi32, #tpu.memory_space<hbm>>
      tpu.wait_dma2 semaphore(%run_scoped3A_185 : memref<!tpu.dma_semaphore, #tpu.memory_space<semaphore_mem>>) src(%dma_wait3A_200 : memref<40x128xi32, #tpu.memory_space<hbm>>) dst(%arg6 : memref<40x128xi32, #tpu.memory_space<vmem>>)
      tpu.yield
    }) : () -> ()
    %run_scoped3A_94 = arith.constant 2 : i32
    "tpu.region"() ({
      %run_scoped3A_185 = tpu.sem_alloc : memref<!tpu.dma_semaphore, #tpu.memory_space<semaphore_mem>>
      %dma_start3A_186 = arith.constant 0 : i32
      %dma_start3A_187 = arith.constant 0 : i32
      %dma_start3A_188 = tpu.memref_slice %arg4[%arg1, %run_scoped3A_94, %dma_start3A_186, %dma_start3A_187] : memref<16x4x40x128xi32, #tpu.memory_space<hbm>> -> memref<1x1x40x128xi32, #tpu.memory_space<hbm>>
      %dma_start3A_189 = tpu.memref_squeeze %dma_start3A_188 : memref<1x1x40x128xi32, #tpu.memory_space<hbm>> -> memref<40x128xi32, #tpu.memory_space<hbm>>
      %dma_start3A_190 = arith.constant 0 : i32
      %dma_start3A_191 = arith.constant 0 : i32
      %dma_start3A_192 = tpu.memref_slice %arg4[%arg1, %run_scoped3A_94, %dma_start3A_190, %dma_start3A_191] : memref<16x4x40x128xi32, #tpu.memory_space<hbm>> -> memref<1x1x40x128xi32, #tpu.memory_space<hbm>>
      %dma_start3A_193 = tpu.memref_squeeze %dma_start3A_192 : memref<1x1x40x128xi32, #tpu.memory_space<hbm>> -> memref<40x128xi32, #tpu.memory_space<hbm>>
      tpu.enqueue_dma source(%dma_start3A_193 : memref<40x128xi32, #tpu.memory_space<hbm>>) target(%arg7 : memref<40x128xi32, #tpu.memory_space<vmem>>) target_semaphore(%run_scoped3A_185 : memref<!tpu.dma_semaphore, #tpu.memory_space<semaphore_mem>>)
      %dma_wait3A = arith.constant 0 : i32
      %dma_wait3A_194 = arith.constant 0 : i32
      %dma_wait3A_195 = tpu.memref_slice %arg4[%arg1, %run_scoped3A_94, %dma_wait3A, %dma_wait3A_194] : memref<16x4x40x128xi32, #tpu.memory_space<hbm>> -> memref<1x1x40x128xi32, #tpu.memory_space<hbm>>
      %dma_wait3A_196 = tpu.memref_squeeze %dma_wait3A_195 : memref<1x1x40x128xi32, #tpu.memory_space<hbm>> -> memref<40x128xi32, #tpu.memory_space<hbm>>
      %dma_wait3A_197 = arith.constant 0 : i32
      %dma_wait3A_198 = arith.constant 0 : i32
      %dma_wait3A_199 = tpu.memref_slice %arg4[%arg1, %run_scoped3A_94, %dma_wait3A_197, %dma_wait3A_198] : memref<16x4x40x128xi32, #tpu.memory_space<hbm>> -> memref<1x1x40x128xi32, #tpu.memory_space<hbm>>
      %dma_wait3A_200 = tpu.memref_squeeze %dma_wait3A_199 : memref<1x1x40x128xi32, #tpu.memory_space<hbm>> -> memref<40x128xi32, #tpu.memory_space<hbm>>
      tpu.wait_dma2 semaphore(%run_scoped3A_185 : memref<!tpu.dma_semaphore, #tpu.memory_space<semaphore_mem>>) src(%dma_wait3A_200 : memref<40x128xi32, #tpu.memory_space<hbm>>) dst(%arg7 : memref<40x128xi32, #tpu.memory_space<vmem>>)
      tpu.yield
    }) : () -> ()
    %dma_start3A_95 = arith.constant 0 : i32
    %dma_start3A_96 = arith.constant 0 : i32
    %dma_start3A_97 = arith.constant 0 : i32
    %dma_start3A_98 = arith.constant 0 : i32
    %dma_start3A_99 = tpu.memref_slice %arg8[%dma_start3A_96, %dma_start3A_97, %dma_start3A_98] : memref<4x128x32xf32, #tpu.memory_space<vmem>> -> memref<1x128x32xf32, #tpu.memory_space<vmem>>
    %dma_start3A_100 = tpu.memref_squeeze %dma_start3A_99 : memref<1x128x32xf32, #tpu.memory_space<vmem>> -> memref<128x32xf32, #tpu.memory_space<vmem>>
    %dma_start3A_101 = arith.constant 0 : i32
    %dma_start3A_102 = tpu.memref_slice %arg6[%dma_start3A_95, %dma_start3A_101] : memref<40x128xi32, #tpu.memory_space<vmem>> -> memref<1x128xi32, #tpu.memory_space<vmem>>
    %dma_start3A_103 = tpu.memref_squeeze %dma_start3A_102 : memref<1x128xi32, #tpu.memory_space<vmem>> -> memref<128xi32, #tpu.memory_space<vmem>>
    %dma_start3A_104 = arith.constant 0 : i32
    %dma_start3A_105 = arith.constant 0 : i32
    %dma_start3A_106 = tpu.memref_slice %arg9[%dma_start3A_104, %dma_start3A_105] : memref<10240x32xf32, #tpu.memory_space<vmem_shared>> -> memref<10240x32xf32, #tpu.memory_space<vmem_shared>>
    tpu.enqueue_indirect_dma source(%dma_start3A_106 : memref<10240x32xf32, #tpu.memory_space<vmem_shared>>) target(%dma_start3A_100 : memref<128x32xf32, #tpu.memory_space<vmem>>) offsets(%dma_start3A_103 : memref<128xi32, #tpu.memory_space<vmem>>) semaphore(%arg11 : memref<!tpu.dma_semaphore, #tpu.memory_space<semaphore_mem>>)
    %dma_start3A_107 = arith.constant 1 : i32
    %dma_start3A_108 = arith.constant 1 : i32
    %dma_start3A_109 = arith.constant 0 : i32
    %dma_start3A_110 = arith.constant 0 : i32
    %dma_start3A_111 = tpu.memref_slice %arg8[%dma_start3A_108, %dma_start3A_109, %dma_start3A_110] : memref<4x128x32xf32, #tpu.memory_space<vmem>> -> memref<1x128x32xf32, #tpu.memory_space<vmem>>
    %dma_start3A_112 = tpu.memref_squeeze %dma_start3A_111 : memref<1x128x32xf32, #tpu.memory_space<vmem>> -> memref<128x32xf32, #tpu.memory_space<vmem>>
    %dma_start3A_113 = arith.constant 0 : i32
    %dma_start3A_114 = tpu.memref_slice %arg6[%dma_start3A_107, %dma_start3A_113] : memref<40x128xi32, #tpu.memory_space<vmem>> -> memref<1x128xi32, #tpu.memory_space<vmem>>
    %dma_start3A_115 = tpu.memref_squeeze %dma_start3A_114 : memref<1x128xi32, #tpu.memory_space<vmem>> -> memref<128xi32, #tpu.memory_space<vmem>>
    %dma_start3A_116 = arith.constant 0 : i32
    %dma_start3A_117 = arith.constant 0 : i32
    %dma_start3A_118 = tpu.memref_slice %arg9[%dma_start3A_116, %dma_start3A_117] : memref<10240x32xf32, #tpu.memory_space<vmem_shared>> -> memref<10240x32xf32, #tpu.memory_space<vmem_shared>>
    tpu.enqueue_indirect_dma source(%dma_start3A_118 : memref<10240x32xf32, #tpu.memory_space<vmem_shared>>) target(%dma_start3A_112 : memref<128x32xf32, #tpu.memory_space<vmem>>) offsets(%dma_start3A_115 : memref<128xi32, #tpu.memory_space<vmem>>) semaphore(%arg11 : memref<!tpu.dma_semaphore, #tpu.memory_space<semaphore_mem>>)
    %dma_start3A_119 = arith.constant 2 : i32
    %dma_start3A_120 = arith.constant 2 : i32
    %dma_start3A_121 = arith.constant 0 : i32
    %dma_start3A_122 = arith.constant 0 : i32
    %dma_start3A_123 = tpu.memref_slice %arg8[%dma_start3A_120, %dma_start3A_121, %dma_start3A_122] : memref<4x128x32xf32, #tpu.memory_space<vmem>> -> memref<1x128x32xf32, #tpu.memory_space<vmem>>
    %dma_start3A_124 = tpu.memref_squeeze %dma_start3A_123 : memref<1x128x32xf32, #tpu.memory_space<vmem>> -> memref<128x32xf32, #tpu.memory_space<vmem>>
    %dma_start3A_125 = arith.constant 0 : i32
    %dma_start3A_126 = tpu.memref_slice %arg6[%dma_start3A_119, %dma_start3A_125] : memref<40x128xi32, #tpu.memory_space<vmem>> -> memref<1x128xi32, #tpu.memory_space<vmem>>
    %dma_start3A_127 = tpu.memref_squeeze %dma_start3A_126 : memref<1x128xi32, #tpu.memory_space<vmem>> -> memref<128xi32, #tpu.memory_space<vmem>>
    %dma_start3A_128 = arith.constant 0 : i32
    %dma_start3A_129 = arith.constant 0 : i32
    %dma_start3A_130 = tpu.memref_slice %arg9[%dma_start3A_128, %dma_start3A_129] : memref<10240x32xf32, #tpu.memory_space<vmem_shared>> -> memref<10240x32xf32, #tpu.memory_space<vmem_shared>>
    tpu.enqueue_indirect_dma source(%dma_start3A_130 : memref<10240x32xf32, #tpu.memory_space<vmem_shared>>) target(%dma_start3A_124 : memref<128x32xf32, #tpu.memory_space<vmem>>) offsets(%dma_start3A_127 : memref<128xi32, #tpu.memory_space<vmem>>) semaphore(%arg11 : memref<!tpu.dma_semaphore, #tpu.memory_space<semaphore_mem>>)
    %scan3A_131 = arith.constant 0 : i32
    %scan3A_132 = arith.constant 40 : i32
    %scan3A_133 = arith.addi %scan3A_131, %scan3A_132 : i32
    %scan3A_134 = arith.constant 1 : i32
    scf.for %scan3A_185 = %scan3A_131 to %scan3A_133 step %scan3A_134  : i32 {
      %mul3A = arith.constant 1 : i32
      %mul3A_186 = arith.muli %scan3A_185, %mul3A : i32
      %add3A = arith.constant 0 : i32
      %add3A_187 = arith.addi %add3A, %mul3A_186 : i32
      %rem3A = arith.constant 4 : i32
      %rem3A_188 = arith.remsi %add3A_187, %rem3A : i32
      %dma_wait3A = arith.constant 0 : i32
      %dma_wait3A_189 = arith.constant 0 : i32
      %dma_wait3A_190 = arith.constant 0 : i32
      %dma_wait3A_191 = arith.constant 0 : i32
      %dma_wait3A_192 = tpu.memref_slice %arg8[%dma_wait3A_189, %dma_wait3A_190, %dma_wait3A_191] : memref<4x128x32xf32, #tpu.memory_space<vmem>> -> memref<1x128x32xf32, #tpu.memory_space<vmem>>
      %dma_wait3A_193 = tpu.memref_squeeze %dma_wait3A_192 : memref<1x128x32xf32, #tpu.memory_space<vmem>> -> memref<128x32xf32, #tpu.memory_space<vmem>>
      %dma_wait3A_194 = arith.constant 0 : i32
      %dma_wait3A_195 = tpu.memref_slice %arg6[%dma_wait3A, %dma_wait3A_194] : memref<40x128xi32, #tpu.memory_space<vmem>> -> memref<1x128xi32, #tpu.memory_space<vmem>>
      %dma_wait3A_196 = tpu.memref_squeeze %dma_wait3A_195 : memref<1x128xi32, #tpu.memory_space<vmem>> -> memref<128xi32, #tpu.memory_space<vmem>>
      %dma_wait3A_197 = arith.constant 0 : i32
      %dma_wait3A_198 = arith.constant 0 : i32
      %dma_wait3A_199 = tpu.memref_slice %arg9[%dma_wait3A_197, %dma_wait3A_198] : memref<10240x32xf32, #tpu.memory_space<vmem_shared>> -> memref<10240x32xf32, #tpu.memory_space<vmem_shared>>
      tpu.wait_indirect_dma semaphore(%arg11 : memref<!tpu.dma_semaphore, #tpu.memory_space<semaphore_mem>>) src(%dma_wait3A_199 : memref<10240x32xf32, #tpu.memory_space<vmem_shared>>) dst(%dma_wait3A_193 : memref<128x32xf32, #tpu.memory_space<vmem>>)
      %add3A_200 = arith.constant 4 : i32
      %add3A_201 = arith.addi %add3A_187, %add3A_200 : i32
      %sub3A = arith.constant 1 : i32
      %sub3A_202 = arith.subi %add3A_201, %sub3A : i32
      %lt3A = arith.constant 40 : i32
      %lt3A_203 = arith.cmpi slt, %sub3A_202, %lt3A : i32
      %convert_element_type3A = arith.extui %lt3A_203 : i1 to i32
      %cond3A = arith.constant 0 : i32
      %cond3A_204 = arith.cmpi ne, %convert_element_type3A, %cond3A : i32
      scf.if %cond3A_204 {
        %add3A_205 = arith.constant 4 : i32
        %add3A_206 = arith.addi %add3A_187, %add3A_205 : i32
        %sub3A_207 = arith.constant 1 : i32
        %sub3A_208 = arith.subi %add3A_206, %sub3A_207 : i32
        %rem3A_209 = arith.constant 4 : i32
        %rem3A_210 = arith.remsi %sub3A_208, %rem3A_209 : i32
        %dma_start3A_211 = arith.constant 0 : i32
        %dma_start3A_212 = arith.constant 0 : i32
        %dma_start3A_213 = tpu.memref_slice %arg8[%rem3A_210, %dma_start3A_211, %dma_start3A_212] : memref<4x128x32xf32, #tpu.memory_space<vmem>> -> memref<1x128x32xf32, #tpu.memory_space<vmem>>
        %dma_start3A_214 = tpu.memref_squeeze %dma_start3A_213 : memref<1x128x32xf32, #tpu.memory_space<vmem>> -> memref<128x32xf32, #tpu.memory_space<vmem>>
        %dma_start3A_215 = arith.constant 0 : i32
        %dma_start3A_216 = tpu.memref_slice %arg6[%sub3A_208, %dma_start3A_215] : memref<40x128xi32, #tpu.memory_space<vmem>> -> memref<1x128xi32, #tpu.memory_space<vmem>>
        %dma_start3A_217 = tpu.memref_squeeze %dma_start3A_216 : memref<1x128xi32, #tpu.memory_space<vmem>> -> memref<128xi32, #tpu.memory_space<vmem>>
        %dma_start3A_218 = arith.constant 0 : i32
        %dma_start3A_219 = arith.constant 0 : i32
        %dma_start3A_220 = tpu.memref_slice %arg9[%dma_start3A_218, %dma_start3A_219] : memref<10240x32xf32, #tpu.memory_space<vmem_shared>> -> memref<10240x32xf32, #tpu.memory_space<vmem_shared>>
        tpu.enqueue_indirect_dma source(%dma_start3A_220 : memref<10240x32xf32, #tpu.memory_space<vmem_shared>>) target(%dma_start3A_214 : memref<128x32xf32, #tpu.memory_space<vmem>>) offsets(%dma_start3A_217 : memref<128xi32, #tpu.memory_space<vmem>>) semaphore(%arg11 : memref<!tpu.dma_semaphore, #tpu.memory_space<semaphore_mem>>)
      } else {
      }
      "tpu.region"() ({
        %run_scoped3A_205 = tpu.sem_alloc : memref<!tpu.dma_semaphore, #tpu.memory_space<semaphore_mem>>
        %dma_start3A_206 = arith.constant 0 : i32
        %dma_start3A_207 = arith.constant 0 : i32
        %dma_start3A_208 = tpu.memref_slice %arg8[%rem3A_188, %dma_start3A_206, %dma_start3A_207] : memref<4x128x32xf32, #tpu.memory_space<vmem>> -> memref<1x128x32xf32, #tpu.memory_space<vmem>>
        %dma_start3A_209 = tpu.memref_squeeze %dma_start3A_208 : memref<1x128x32xf32, #tpu.memory_space<vmem>> -> memref<128x32xf32, #tpu.memory_space<vmem>>
        %dma_start3A_210 = arith.constant 0 : i32
        %dma_start3A_211 = tpu.memref_slice %arg7[%add3A_187, %dma_start3A_210] : memref<40x128xi32, #tpu.memory_space<vmem>> -> memref<1x128xi32, #tpu.memory_space<vmem>>
        %dma_start3A_212 = tpu.memref_squeeze %dma_start3A_211 : memref<1x128xi32, #tpu.memory_space<vmem>> -> memref<128xi32, #tpu.memory_space<vmem>>
        %dma_start3A_213 = arith.constant 0 : i32
        %dma_start3A_214 = arith.constant 0 : i32
        %dma_start3A_215 = tpu.memref_slice %arg10[%dma_start3A_213, %dma_start3A_214] : memref<10240x32xf32, #tpu.memory_space<vmem_shared>> -> memref<10240x32xf32, #tpu.memory_space<vmem_shared>>
        tpu.enqueue_indirect_dma source(%dma_start3A_209 : memref<128x32xf32, #tpu.memory_space<vmem>>) target(%dma_start3A_215 : memref<10240x32xf32, #tpu.memory_space<vmem_shared>>) offsets(%dma_start3A_212 : memref<128xi32, #tpu.memory_space<vmem>>) semaphore(%run_scoped3A_205 : memref<!tpu.dma_semaphore, #tpu.memory_space<semaphore_mem>>) {add = true}
        %dma_wait3A_216 = arith.constant 0 : i32
        %dma_wait3A_217 = arith.constant 0 : i32
        %dma_wait3A_218 = tpu.memref_slice %arg8[%rem3A_188, %dma_wait3A_216, %dma_wait3A_217] : memref<4x128x32xf32, #tpu.memory_space<vmem>> -> memref<1x128x32xf32, #tpu.memory_space<vmem>>
        %dma_wait3A_219 = tpu.memref_squeeze %dma_wait3A_218 : memref<1x128x32xf32, #tpu.memory_space<vmem>> -> memref<128x32xf32, #tpu.memory_space<vmem>>
        %dma_wait3A_220 = arith.constant 0 : i32
        %dma_wait3A_221 = tpu.memref_slice %arg7[%add3A_187, %dma_wait3A_220] : memref<40x128xi32, #tpu.memory_space<vmem>> -> memref<1x128xi32, #tpu.memory_space<vmem>>
        %dma_wait3A_222 = tpu.memref_squeeze %dma_wait3A_221 : memref<1x128xi32, #tpu.memory_space<vmem>> -> memref<128xi32, #tpu.memory_space<vmem>>
        %dma_wait3A_223 = arith.constant 0 : i32
        %dma_wait3A_224 = arith.constant 0 : i32
        %dma_wait3A_225 = tpu.memref_slice %arg10[%dma_wait3A_223, %dma_wait3A_224] : memref<10240x32xf32, #tpu.memory_space<vmem_shared>> -> memref<10240x32xf32, #tpu.memory_space<vmem_shared>>
        tpu.wait_indirect_dma semaphore(%run_scoped3A_205 : memref<!tpu.dma_semaphore, #tpu.memory_space<semaphore_mem>>) src(%dma_wait3A_219 : memref<128x32xf32, #tpu.memory_space<vmem>>) dst(%dma_wait3A_225 : memref<10240x32xf32, #tpu.memory_space<vmem_shared>>)
        tpu.yield
      }) : () -> ()
    }
    %scan3A_135 = arith.constant 40 : i32
    %run_scoped3A_136 = arith.constant 3 : i32
    "tpu.region"() ({
      %run_scoped3A_185 = tpu.sem_alloc : memref<!tpu.dma_semaphore, #tpu.memory_space<semaphore_mem>>
      %dma_start3A_186 = arith.constant 0 : i32
      %dma_start3A_187 = arith.constant 0 : i32
      %dma_start3A_188 = tpu.memref_slice %arg3[%arg1, %run_scoped3A_136, %dma_start3A_186, %dma_start3A_187] : memref<16x4x40x128xi32, #tpu.memory_space<hbm>> -> memref<1x1x40x128xi32, #tpu.memory_space<hbm>>
      %dma_start3A_189 = tpu.memref_squeeze %dma_start3A_188 : memref<1x1x40x128xi32, #tpu.memory_space<hbm>> -> memref<40x128xi32, #tpu.memory_space<hbm>>
      %dma_start3A_190 = arith.constant 0 : i32
      %dma_start3A_191 = arith.constant 0 : i32
      %dma_start3A_192 = tpu.memref_slice %arg3[%arg1, %run_scoped3A_136, %dma_start3A_190, %dma_start3A_191] : memref<16x4x40x128xi32, #tpu.memory_space<hbm>> -> memref<1x1x40x128xi32, #tpu.memory_space<hbm>>
      %dma_start3A_193 = tpu.memref_squeeze %dma_start3A_192 : memref<1x1x40x128xi32, #tpu.memory_space<hbm>> -> memref<40x128xi32, #tpu.memory_space<hbm>>
      tpu.enqueue_dma source(%dma_start3A_193 : memref<40x128xi32, #tpu.memory_space<hbm>>) target(%arg6 : memref<40x128xi32, #tpu.memory_space<vmem>>) target_semaphore(%run_scoped3A_185 : memref<!tpu.dma_semaphore, #tpu.memory_space<semaphore_mem>>)
      %dma_wait3A = arith.constant 0 : i32
      %dma_wait3A_194 = arith.constant 0 : i32
      %dma_wait3A_195 = tpu.memref_slice %arg3[%arg1, %run_scoped3A_136, %dma_wait3A, %dma_wait3A_194] : memref<16x4x40x128xi32, #tpu.memory_space<hbm>> -> memref<1x1x40x128xi32, #tpu.memory_space<hbm>>
      %dma_wait3A_196 = tpu.memref_squeeze %dma_wait3A_195 : memref<1x1x40x128xi32, #tpu.memory_space<hbm>> -> memref<40x128xi32, #tpu.memory_space<hbm>>
      %dma_wait3A_197 = arith.constant 0 : i32
      %dma_wait3A_198 = arith.constant 0 : i32
      %dma_wait3A_199 = tpu.memref_slice %arg3[%arg1, %run_scoped3A_136, %dma_wait3A_197, %dma_wait3A_198] : memref<16x4x40x128xi32, #tpu.memory_space<hbm>> -> memref<1x1x40x128xi32, #tpu.memory_space<hbm>>
      %dma_wait3A_200 = tpu.memref_squeeze %dma_wait3A_199 : memref<1x1x40x128xi32, #tpu.memory_space<hbm>> -> memref<40x128xi32, #tpu.memory_space<hbm>>
      tpu.wait_dma2 semaphore(%run_scoped3A_185 : memref<!tpu.dma_semaphore, #tpu.memory_space<semaphore_mem>>) src(%dma_wait3A_200 : memref<40x128xi32, #tpu.memory_space<hbm>>) dst(%arg6 : memref<40x128xi32, #tpu.memory_space<vmem>>)
      tpu.yield
    }) : () -> ()
    %run_scoped3A_137 = arith.constant 3 : i32
    "tpu.region"() ({
      %run_scoped3A_185 = tpu.sem_alloc : memref<!tpu.dma_semaphore, #tpu.memory_space<semaphore_mem>>
      %dma_start3A_186 = arith.constant 0 : i32
      %dma_start3A_187 = arith.constant 0 : i32
      %dma_start3A_188 = tpu.memref_slice %arg4[%arg1, %run_scoped3A_137, %dma_start3A_186, %dma_start3A_187] : memref<16x4x40x128xi32, #tpu.memory_space<hbm>> -> memref<1x1x40x128xi32, #tpu.memory_space<hbm>>
      %dma_start3A_189 = tpu.memref_squeeze %dma_start3A_188 : memref<1x1x40x128xi32, #tpu.memory_space<hbm>> -> memref<40x128xi32, #tpu.memory_space<hbm>>
      %dma_start3A_190 = arith.constant 0 : i32
      %dma_start3A_191 = arith.constant 0 : i32
      %dma_start3A_192 = tpu.memref_slice %arg4[%arg1, %run_scoped3A_137, %dma_start3A_190, %dma_start3A_191] : memref<16x4x40x128xi32, #tpu.memory_space<hbm>> -> memref<1x1x40x128xi32, #tpu.memory_space<hbm>>
      %dma_start3A_193 = tpu.memref_squeeze %dma_start3A_192 : memref<1x1x40x128xi32, #tpu.memory_space<hbm>> -> memref<40x128xi32, #tpu.memory_space<hbm>>
      tpu.enqueue_dma source(%dma_start3A_193 : memref<40x128xi32, #tpu.memory_space<hbm>>) target(%arg7 : memref<40x128xi32, #tpu.memory_space<vmem>>) target_semaphore(%run_scoped3A_185 : memref<!tpu.dma_semaphore, #tpu.memory_space<semaphore_mem>>)
      %dma_wait3A = arith.constant 0 : i32
      %dma_wait3A_194 = arith.constant 0 : i32
      %dma_wait3A_195 = tpu.memref_slice %arg4[%arg1, %run_scoped3A_137, %dma_wait3A, %dma_wait3A_194] : memref<16x4x40x128xi32, #tpu.memory_space<hbm>> -> memref<1x1x40x128xi32, #tpu.memory_space<hbm>>
      %dma_wait3A_196 = tpu.memref_squeeze %dma_wait3A_195 : memref<1x1x40x128xi32, #tpu.memory_space<hbm>> -> memref<40x128xi32, #tpu.memory_space<hbm>>
      %dma_wait3A_197 = arith.constant 0 : i32
      %dma_wait3A_198 = arith.constant 0 : i32
      %dma_wait3A_199 = tpu.memref_slice %arg4[%arg1, %run_scoped3A_137, %dma_wait3A_197, %dma_wait3A_198] : memref<16x4x40x128xi32, #tpu.memory_space<hbm>> -> memref<1x1x40x128xi32, #tpu.memory_space<hbm>>
      %dma_wait3A_200 = tpu.memref_squeeze %dma_wait3A_199 : memref<1x1x40x128xi32, #tpu.memory_space<hbm>> -> memref<40x128xi32, #tpu.memory_space<hbm>>
      tpu.wait_dma2 semaphore(%run_scoped3A_185 : memref<!tpu.dma_semaphore, #tpu.memory_space<semaphore_mem>>) src(%dma_wait3A_200 : memref<40x128xi32, #tpu.memory_space<hbm>>) dst(%arg7 : memref<40x128xi32, #tpu.memory_space<vmem>>)
      tpu.yield
    }) : () -> ()
    %dma_start3A_138 = arith.constant 0 : i32
    %dma_start3A_139 = arith.constant 0 : i32
    %dma_start3A_140 = arith.constant 0 : i32
    %dma_start3A_141 = arith.constant 0 : i32
    %dma_start3A_142 = tpu.memref_slice %arg8[%dma_start3A_139, %dma_start3A_140, %dma_start3A_141] : memref<4x128x32xf32, #tpu.memory_space<vmem>> -> memref<1x128x32xf32, #tpu.memory_space<vmem>>
    %dma_start3A_143 = tpu.memref_squeeze %dma_start3A_142 : memref<1x128x32xf32, #tpu.memory_space<vmem>> -> memref<128x32xf32, #tpu.memory_space<vmem>>
    %dma_start3A_144 = arith.constant 0 : i32
    %dma_start3A_145 = tpu.memref_slice %arg6[%dma_start3A_138, %dma_start3A_144] : memref<40x128xi32, #tpu.memory_space<vmem>> -> memref<1x128xi32, #tpu.memory_space<vmem>>
    %dma_start3A_146 = tpu.memref_squeeze %dma_start3A_145 : memref<1x128xi32, #tpu.memory_space<vmem>> -> memref<128xi32, #tpu.memory_space<vmem>>
    %dma_start3A_147 = arith.constant 0 : i32
    %dma_start3A_148 = arith.constant 0 : i32
    %dma_start3A_149 = tpu.memref_slice %arg9[%dma_start3A_147, %dma_start3A_148] : memref<10240x32xf32, #tpu.memory_space<vmem_shared>> -> memref<10240x32xf32, #tpu.memory_space<vmem_shared>>
    tpu.enqueue_indirect_dma source(%dma_start3A_149 : memref<10240x32xf32, #tpu.memory_space<vmem_shared>>) target(%dma_start3A_143 : memref<128x32xf32, #tpu.memory_space<vmem>>) offsets(%dma_start3A_146 : memref<128xi32, #tpu.memory_space<vmem>>) semaphore(%arg11 : memref<!tpu.dma_semaphore, #tpu.memory_space<semaphore_mem>>)
    %dma_start3A_150 = arith.constant 1 : i32
    %dma_start3A_151 = arith.constant 1 : i32
    %dma_start3A_152 = arith.constant 0 : i32
    %dma_start3A_153 = arith.constant 0 : i32
    %dma_start3A_154 = tpu.memref_slice %arg8[%dma_start3A_151, %dma_start3A_152, %dma_start3A_153] : memref<4x128x32xf32, #tpu.memory_space<vmem>> -> memref<1x128x32xf32, #tpu.memory_space<vmem>>
    %dma_start3A_155 = tpu.memref_squeeze %dma_start3A_154 : memref<1x128x32xf32, #tpu.memory_space<vmem>> -> memref<128x32xf32, #tpu.memory_space<vmem>>
    %dma_start3A_156 = arith.constant 0 : i32
    %dma_start3A_157 = tpu.memref_slice %arg6[%dma_start3A_150, %dma_start3A_156] : memref<40x128xi32, #tpu.memory_space<vmem>> -> memref<1x128xi32, #tpu.memory_space<vmem>>
    %dma_start3A_158 = tpu.memref_squeeze %dma_start3A_157 : memref<1x128xi32, #tpu.memory_space<vmem>> -> memref<128xi32, #tpu.memory_space<vmem>>
    %dma_start3A_159 = arith.constant 0 : i32
    %dma_start3A_160 = arith.constant 0 : i32
    %dma_start3A_161 = tpu.memref_slice %arg9[%dma_start3A_159, %dma_start3A_160] : memref<10240x32xf32, #tpu.memory_space<vmem_shared>> -> memref<10240x32xf32, #tpu.memory_space<vmem_shared>>
    tpu.enqueue_indirect_dma source(%dma_start3A_161 : memref<10240x32xf32, #tpu.memory_space<vmem_shared>>) target(%dma_start3A_155 : memref<128x32xf32, #tpu.memory_space<vmem>>) offsets(%dma_start3A_158 : memref<128xi32, #tpu.memory_space<vmem>>) semaphore(%arg11 : memref<!tpu.dma_semaphore, #tpu.memory_space<semaphore_mem>>)
    %dma_start3A_162 = arith.constant 2 : i32
    %dma_start3A_163 = arith.constant 2 : i32
    %dma_start3A_164 = arith.constant 0 : i32
    %dma_start3A_165 = arith.constant 0 : i32
    %dma_start3A_166 = tpu.memref_slice %arg8[%dma_start3A_163, %dma_start3A_164, %dma_start3A_165] : memref<4x128x32xf32, #tpu.memory_space<vmem>> -> memref<1x128x32xf32, #tpu.memory_space<vmem>>
    %dma_start3A_167 = tpu.memref_squeeze %dma_start3A_166 : memref<1x128x32xf32, #tpu.memory_space<vmem>> -> memref<128x32xf32, #tpu.memory_space<vmem>>
    %dma_start3A_168 = arith.constant 0 : i32
    %dma_start3A_169 = tpu.memref_slice %arg6[%dma_start3A_162, %dma_start3A_168] : memref<40x128xi32, #tpu.memory_space<vmem>> -> memref<1x128xi32, #tpu.memory_space<vmem>>
    %dma_start3A_170 = tpu.memref_squeeze %dma_start3A_169 : memref<1x128xi32, #tpu.memory_space<vmem>> -> memref<128xi32, #tpu.memory_space<vmem>>
    %dma_start3A_171 = arith.constant 0 : i32
    %dma_start3A_172 = arith.constant 0 : i32
    %dma_start3A_173 = tpu.memref_slice %arg9[%dma_start3A_171, %dma_start3A_172] : memref<10240x32xf32, #tpu.memory_space<vmem_shared>> -> memref<10240x32xf32, #tpu.memory_space<vmem_shared>>
    tpu.enqueue_indirect_dma source(%dma_start3A_173 : memref<10240x32xf32, #tpu.memory_space<vmem_shared>>) target(%dma_start3A_167 : memref<128x32xf32, #tpu.memory_space<vmem>>) offsets(%dma_start3A_170 : memref<128xi32, #tpu.memory_space<vmem>>) semaphore(%arg11 : memref<!tpu.dma_semaphore, #tpu.memory_space<semaphore_mem>>)
    %scan3A_174 = arith.constant 0 : i32
    %scan3A_175 = arith.constant 40 : i32
    %scan3A_176 = arith.addi %scan3A_174, %scan3A_175 : i32
    %scan3A_177 = arith.constant 1 : i32
    scf.for %scan3A_185 = %scan3A_174 to %scan3A_176 step %scan3A_177  : i32 {
      %mul3A = arith.constant 1 : i32
      %mul3A_186 = arith.muli %scan3A_185, %mul3A : i32
      %add3A = arith.constant 0 : i32
      %add3A_187 = arith.addi %add3A, %mul3A_186 : i32
      %rem3A = arith.constant 4 : i32
      %rem3A_188 = arith.remsi %add3A_187, %rem3A : i32
      %dma_wait3A = arith.constant 0 : i32
      %dma_wait3A_189 = arith.constant 0 : i32
      %dma_wait3A_190 = arith.constant 0 : i32
      %dma_wait3A_191 = arith.constant 0 : i32
      %dma_wait3A_192 = tpu.memref_slice %arg8[%dma_wait3A_189, %dma_wait3A_190, %dma_wait3A_191] : memref<4x128x32xf32, #tpu.memory_space<vmem>> -> memref<1x128x32xf32, #tpu.memory_space<vmem>>
      %dma_wait3A_193 = tpu.memref_squeeze %dma_wait3A_192 : memref<1x128x32xf32, #tpu.memory_space<vmem>> -> memref<128x32xf32, #tpu.memory_space<vmem>>
      %dma_wait3A_194 = arith.constant 0 : i32
      %dma_wait3A_195 = tpu.memref_slice %arg6[%dma_wait3A, %dma_wait3A_194] : memref<40x128xi32, #tpu.memory_space<vmem>> -> memref<1x128xi32, #tpu.memory_space<vmem>>
      %dma_wait3A_196 = tpu.memref_squeeze %dma_wait3A_195 : memref<1x128xi32, #tpu.memory_space<vmem>> -> memref<128xi32, #tpu.memory_space<vmem>>
      %dma_wait3A_197 = arith.constant 0 : i32
      %dma_wait3A_198 = arith.constant 0 : i32
      %dma_wait3A_199 = tpu.memref_slice %arg9[%dma_wait3A_197, %dma_wait3A_198] : memref<10240x32xf32, #tpu.memory_space<vmem_shared>> -> memref<10240x32xf32, #tpu.memory_space<vmem_shared>>
      tpu.wait_indirect_dma semaphore(%arg11 : memref<!tpu.dma_semaphore, #tpu.memory_space<semaphore_mem>>) src(%dma_wait3A_199 : memref<10240x32xf32, #tpu.memory_space<vmem_shared>>) dst(%dma_wait3A_193 : memref<128x32xf32, #tpu.memory_space<vmem>>)
      %add3A_200 = arith.constant 4 : i32
      %add3A_201 = arith.addi %add3A_187, %add3A_200 : i32
      %sub3A = arith.constant 1 : i32
      %sub3A_202 = arith.subi %add3A_201, %sub3A : i32
      %lt3A = arith.constant 40 : i32
      %lt3A_203 = arith.cmpi slt, %sub3A_202, %lt3A : i32
      %convert_element_type3A = arith.extui %lt3A_203 : i1 to i32
      %cond3A = arith.constant 0 : i32
      %cond3A_204 = arith.cmpi ne, %convert_element_type3A, %cond3A : i32
      scf.if %cond3A_204 {
        %add3A_205 = arith.constant 4 : i32
        %add3A_206 = arith.addi %add3A_187, %add3A_205 : i32
        %sub3A_207 = arith.constant 1 : i32
        %sub3A_208 = arith.subi %add3A_206, %sub3A_207 : i32
        %rem3A_209 = arith.constant 4 : i32
        %rem3A_210 = arith.remsi %sub3A_208, %rem3A_209 : i32
        %dma_start3A_211 = arith.constant 0 : i32
        %dma_start3A_212 = arith.constant 0 : i32
        %dma_start3A_213 = tpu.memref_slice %arg8[%rem3A_210, %dma_start3A_211, %dma_start3A_212] : memref<4x128x32xf32, #tpu.memory_space<vmem>> -> memref<1x128x32xf32, #tpu.memory_space<vmem>>
        %dma_start3A_214 = tpu.memref_squeeze %dma_start3A_213 : memref<1x128x32xf32, #tpu.memory_space<vmem>> -> memref<128x32xf32, #tpu.memory_space<vmem>>
        %dma_start3A_215 = arith.constant 0 : i32
        %dma_start3A_216 = tpu.memref_slice %arg6[%sub3A_208, %dma_start3A_215] : memref<40x128xi32, #tpu.memory_space<vmem>> -> memref<1x128xi32, #tpu.memory_space<vmem>>
        %dma_start3A_217 = tpu.memref_squeeze %dma_start3A_216 : memref<1x128xi32, #tpu.memory_space<vmem>> -> memref<128xi32, #tpu.memory_space<vmem>>
        %dma_start3A_218 = arith.constant 0 : i32
        %dma_start3A_219 = arith.constant 0 : i32
        %dma_start3A_220 = tpu.memref_slice %arg9[%dma_start3A_218, %dma_start3A_219] : memref<10240x32xf32, #tpu.memory_space<vmem_shared>> -> memref<10240x32xf32, #tpu.memory_space<vmem_shared>>
        tpu.enqueue_indirect_dma source(%dma_start3A_220 : memref<10240x32xf32, #tpu.memory_space<vmem_shared>>) target(%dma_start3A_214 : memref<128x32xf32, #tpu.memory_space<vmem>>) offsets(%dma_start3A_217 : memref<128xi32, #tpu.memory_space<vmem>>) semaphore(%arg11 : memref<!tpu.dma_semaphore, #tpu.memory_space<semaphore_mem>>)
      } else {
      }
      "tpu.region"() ({
        %run_scoped3A_205 = tpu.sem_alloc : memref<!tpu.dma_semaphore, #tpu.memory_space<semaphore_mem>>
        %dma_start3A_206 = arith.constant 0 : i32
        %dma_start3A_207 = arith.constant 0 : i32
        %dma_start3A_208 = tpu.memref_slice %arg8[%rem3A_188, %dma_start3A_206, %dma_start3A_207] : memref<4x128x32xf32, #tpu.memory_space<vmem>> -> memref<1x128x32xf32, #tpu.memory_space<vmem>>
        %dma_start3A_209 = tpu.memref_squeeze %dma_start3A_208 : memref<1x128x32xf32, #tpu.memory_space<vmem>> -> memref<128x32xf32, #tpu.memory_space<vmem>>
        %dma_start3A_210 = arith.constant 0 : i32
        %dma_start3A_211 = tpu.memref_slice %arg7[%add3A_187, %dma_start3A_210] : memref<40x128xi32, #tpu.memory_space<vmem>> -> memref<1x128xi32, #tpu.memory_space<vmem>>
        %dma_start3A_212 = tpu.memref_squeeze %dma_start3A_211 : memref<1x128xi32, #tpu.memory_space<vmem>> -> memref<128xi32, #tpu.memory_space<vmem>>
        %dma_start3A_213 = arith.constant 0 : i32
        %dma_start3A_214 = arith.constant 0 : i32
        %dma_start3A_215 = tpu.memref_slice %arg10[%dma_start3A_213, %dma_start3A_214] : memref<10240x32xf32, #tpu.memory_space<vmem_shared>> -> memref<10240x32xf32, #tpu.memory_space<vmem_shared>>
        tpu.enqueue_indirect_dma source(%dma_start3A_209 : memref<128x32xf32, #tpu.memory_space<vmem>>) target(%dma_start3A_215 : memref<10240x32xf32, #tpu.memory_space<vmem_shared>>) offsets(%dma_start3A_212 : memref<128xi32, #tpu.memory_space<vmem>>) semaphore(%run_scoped3A_205 : memref<!tpu.dma_semaphore, #tpu.memory_space<semaphore_mem>>) {add = true}
        %dma_wait3A_216 = arith.constant 0 : i32
        %dma_wait3A_217 = arith.constant 0 : i32
        %dma_wait3A_218 = tpu.memref_slice %arg8[%rem3A_188, %dma_wait3A_216, %dma_wait3A_217] : memref<4x128x32xf32, #tpu.memory_space<vmem>> -> memref<1x128x32xf32, #tpu.memory_space<vmem>>
        %dma_wait3A_219 = tpu.memref_squeeze %dma_wait3A_218 : memref<1x128x32xf32, #tpu.memory_space<vmem>> -> memref<128x32xf32, #tpu.memory_space<vmem>>
        %dma_wait3A_220 = arith.constant 0 : i32
        %dma_wait3A_221 = tpu.memref_slice %arg7[%add3A_187, %dma_wait3A_220] : memref<40x128xi32, #tpu.memory_space<vmem>> -> memref<1x128xi32, #tpu.memory_space<vmem>>
        %dma_wait3A_222 = tpu.memref_squeeze %dma_wait3A_221 : memref<1x128xi32, #tpu.memory_space<vmem>> -> memref<128xi32, #tpu.memory_space<vmem>>
        %dma_wait3A_223 = arith.constant 0 : i32
        %dma_wait3A_224 = arith.constant 0 : i32
        %dma_wait3A_225 = tpu.memref_slice %arg10[%dma_wait3A_223, %dma_wait3A_224] : memref<10240x32xf32, #tpu.memory_space<vmem_shared>> -> memref<10240x32xf32, #tpu.memory_space<vmem_shared>>
        tpu.wait_indirect_dma semaphore(%run_scoped3A_205 : memref<!tpu.dma_semaphore, #tpu.memory_space<semaphore_mem>>) src(%dma_wait3A_219 : memref<128x32xf32, #tpu.memory_space<vmem>>) dst(%dma_wait3A_225 : memref<10240x32xf32, #tpu.memory_space<vmem_shared>>)
        tpu.yield
      }) : () -> ()
    }
    %scan3A_178 = arith.constant 40 : i32
    %barrier3A_179 = arith.constant 0 : index
    tpu.barrier barrier_id(%barrier3A_179)
    %scan3A_180 = arith.constant 0 : i32
    %scan3A_181 = arith.constant 5 : i32
    %scan3A_182 = arith.addi %scan3A_180, %scan3A_181 : i32
    %scan3A_183 = arith.constant 1 : i32
    scf.for %scan3A_185 = %scan3A_180 to %scan3A_182 step %scan3A_183  : i32 {
      %mul3A = arith.constant 1 : i32
      %mul3A_186 = arith.muli %scan3A_185, %mul3A : i32
      %add3A = arith.constant 0 : i32
      %add3A_187 = arith.addi %add3A, %mul3A_186 : i32
      %mul3A_188 = arith.constant 640 : i32
      %mul3A_189 = arith.muli %arg1, %mul3A_188 : i32
      %mul3A_190 = arith.constant 128 : i32
      %mul3A_191 = arith.muli %add3A_187, %mul3A_190 : i32
      %add3A_192 = arith.addi %mul3A_189, %mul3A_191 : i32
      "tpu.region"() ({
        %run_scoped3A_193 = tpu.sem_alloc : memref<!tpu.dma_semaphore, #tpu.memory_space<semaphore_mem>>
        %dma_start3A_194 = arith.constant 0 : i32
        %dma_start3A_195 = tpu.memref_slice %arg5[%arg0, %add3A_192, %dma_start3A_194] : memref<2x10240x32xf32, #tpu.memory_space<hbm>> -> memref<1x128x32xf32, #tpu.memory_space<hbm>>
        %dma_start3A_196 = tpu.memref_squeeze %dma_start3A_195 : memref<1x128x32xf32, #tpu.memory_space<hbm>> -> memref<128x32xf32, #tpu.memory_space<hbm>>
        %dma_start3A_197 = arith.constant 0 : i32
        %dma_start3A_198 = tpu.memref_slice %arg10[%add3A_192, %dma_start3A_197] : memref<10240x32xf32, #tpu.memory_space<vmem_shared>> -> memref<128x32xf32, #tpu.memory_space<vmem_shared>>
        tpu.enqueue_dma source(%dma_start3A_198 : memref<128x32xf32, #tpu.memory_space<vmem_shared>>) target(%dma_start3A_196 : memref<128x32xf32, #tpu.memory_space<hbm>>) target_semaphore(%run_scoped3A_193 : memref<!tpu.dma_semaphore, #tpu.memory_space<semaphore_mem>>)
        %dma_wait3A = arith.constant 0 : i32
        %dma_wait3A_199 = tpu.memref_slice %arg5[%arg0, %add3A_192, %dma_wait3A] : memref<2x10240x32xf32, #tpu.memory_space<hbm>> -> memref<1x128x32xf32, #tpu.memory_space<hbm>>
        %dma_wait3A_200 = tpu.memref_squeeze %dma_wait3A_199 : memref<1x128x32xf32, #tpu.memory_space<hbm>> -> memref<128x32xf32, #tpu.memory_space<hbm>>
        %dma_wait3A_201 = arith.constant 0 : i32
        %dma_wait3A_202 = tpu.memref_slice %arg10[%add3A_192, %dma_wait3A_201] : memref<10240x32xf32, #tpu.memory_space<vmem_shared>> -> memref<128x32xf32, #tpu.memory_space<vmem_shared>>
        tpu.wait_dma2 semaphore(%run_scoped3A_193 : memref<!tpu.dma_semaphore, #tpu.memory_space<semaphore_mem>>) src(%dma_wait3A_202 : memref<128x32xf32, #tpu.memory_space<vmem_shared>>) dst(%dma_wait3A_200 : memref<128x32xf32, #tpu.memory_space<hbm>>)
        tpu.yield
      }) : () -> ()
    }
    %scan3A_184 = arith.constant 5 : i32
    return
  }
}

module attributes {stable_mosaic.version = 14 : i64} {
  func.func @_tc1_body(%arg0: i32, %arg1: memref<1024x128xf32, #tpu.memory_space<vmem>>, %arg2: memref<1024x32xf32, #tpu.memory_space<vmem>>, %arg3: memref<2x1024x64xf32, #tpu.memory_space<vmem>>) attributes {dimension_semantics = [#tpu.dimension_semantics<arbitrary>], iteration_bounds = array<i64: 10>, scalar_prefetch = 0 : i64, scratch_operands = 0 : i64, tpu.core_type = #tpu.core_type<tc>, window_params = [{transform_indices = @transform_0, window_bounds = array<i64: 1024, 128>}, {transform_indices = @transform_1, window_bounds = array<i64: 1024, 32>}, {transform_indices = @transform_2, window_bounds = array<i64: 2, 1024, 64>}]} {
    %get3A = arith.constant 0 : index
    %get3A_0 = arith.constant 0 : index
    %get3A_1 = vector.load %arg1[%get3A, %get3A_0] : memref<1024x128xf32, #tpu.memory_space<vmem>>, vector<1024x128xf32>
    %get3A_2 = arith.constant 0 : index
    %get3A_3 = arith.constant 0 : index
    %get3A_4 = vector.load %arg2[%get3A_2, %get3A_3] : memref<1024x32xf32, #tpu.memory_space<vmem>>, vector<1024x32xf32>
    %reduce_sum3A = arith.constant dense<0.000000e+00> : vector<1024xf32>
    %reduce_sum3A_5 = vector.multi_reduction <add>, %get3A_4, %reduce_sum3A [1] : vector<1024x32xf32> to vector<1024xf32>
    %broadcast_in_dim3A = vector.shape_cast %reduce_sum3A_5 : vector<1024xf32> to vector<1024x1xf32>
    %max3A = arith.constant 1.000000e+00 : f32
    %max3A_6 = vector.broadcast %max3A : f32 to vector<1024x1xf32>
    %max3A_7 = arith.maximumf %broadcast_in_dim3A, %max3A_6 : vector<1024x1xf32>
    %rsqrt3A = math.rsqrt %max3A_7 : vector<1024x1xf32>
    %mul3A = vector.broadcast %rsqrt3A : vector<1024x1xf32> to vector<1024x128xf32>
    %mul3A_8 = arith.mulf %get3A_1, %mul3A : vector<1024x128xf32>
    %slice3A = vector.extract_strided_slice %mul3A_8 {offsets = [0, 0], sizes = [1024, 64], strides = [1, 1]} : vector<1024x128xf32> to vector<1024x64xf32>
    %swap3A = arith.constant 0 : index
    %swap3A_9 = arith.constant 0 : index
    %swap3A_10 = arith.constant 0 : index
    %swap3A_11 = vector.load %arg3[%swap3A, %swap3A_9, %swap3A_10] : memref<2x1024x64xf32, #tpu.memory_space<vmem>>, vector<1x1024x64xf32>
    %swap3A_12 = vector.shape_cast %swap3A_11 : vector<1x1024x64xf32> to vector<1024x64xf32>
    %swap3A_13 = vector.shape_cast %slice3A : vector<1024x64xf32> to vector<1x1024x64xf32>
    tpu.vector_store %arg3[%swap3A, %swap3A_9, %swap3A_10], %swap3A_13 {strides = array<i32>} : memref<2x1024x64xf32, #tpu.memory_space<vmem>>, vector<1x1024x64xf32>,
    %slice3A_14 = vector.extract_strided_slice %mul3A_8 {offsets = [0, 64], sizes = [1024, 64], strides = [1, 1]} : vector<1024x128xf32> to vector<1024x64xf32>
    %swap3A_15 = arith.constant 1 : index
    %swap3A_16 = arith.constant 0 : index
    %swap3A_17 = arith.constant 0 : index
    %swap3A_18 = vector.load %arg3[%swap3A_15, %swap3A_16, %swap3A_17] : memref<2x1024x64xf32, #tpu.memory_space<vmem>>, vector<1x1024x64xf32>
    %swap3A_19 = vector.shape_cast %swap3A_18 : vector<1x1024x64xf32> to vector<1024x64xf32>
    %swap3A_20 = vector.shape_cast %slice3A_14 : vector<1024x64xf32> to vector<1x1024x64xf32>
    tpu.vector_store %arg3[%swap3A_15, %swap3A_16, %swap3A_17], %swap3A_20 {strides = array<i32>} : memref<2x1024x64xf32, #tpu.memory_space<vmem>>, vector<1x1024x64xf32>,
    return
  }
  func.func @transform_0(%arg0: i32) -> (i32, i32) {
    %c0_i32 = arith.constant 0 : i32
    %c0_i32_0 = arith.constant 0 : i32
    return %arg0, %c0_i32 : i32, i32
  }
  func.func @transform_1(%arg0: i32) -> (i32, i32) {
    %c0_i32 = arith.constant 0 : i32
    %c0_i32_0 = arith.constant 0 : i32
    return %arg0, %c0_i32 : i32, i32
  }
  func.func @transform_2(%arg0: i32) -> (i32, i32, i32) {
    %c0_i32 = arith.constant 0 : i32
    %c0_i32_0 = arith.constant 0 : i32
    %c0_i32_1 = arith.constant 0 : i32
    return %c0_i32, %arg0, %c0_i32_0 : i32, i32, i32
  }
}

module attributes {stable_mosaic.version = 14 : i64} {
  func.func @_tc2_body(%arg0: i32, %arg1: memref<2x1024x64xf32, #tpu.memory_space<vmem>>, %arg2: memref<1024x32xf32, #tpu.memory_space<vmem>>, %arg3: memref<1024x32xf32, #tpu.memory_space<vmem>>, %arg4: memref<128x128xf32, #tpu.memory_space<vmem>>, %arg5: memref<1x128xf32, #tpu.memory_space<vmem>>, %arg6: memref<128x64xf32, #tpu.memory_space<vmem>>, %arg7: memref<2x1024x32xf32, #tpu.memory_space<vmem>>) attributes {dimension_semantics = [#tpu.dimension_semantics<arbitrary>], iteration_bounds = array<i64: 10>, scalar_prefetch = 0 : i64, scratch_operands = 0 : i64, tpu.core_type = #tpu.core_type<tc>, window_params = [{transform_indices = @transform_0, window_bounds = array<i64: 2, 1024, 64>}, {transform_indices = @transform_1, window_bounds = array<i64: 1024, 32>}, {transform_indices = @transform_2, window_bounds = array<i64: 1024, 32>}, {pipeline_mode = #tpu.pipeline_mode<synchronous>, transform_indices = @transform_3, window_bounds = array<i64: 128, 128>}, {pipeline_mode = #tpu.pipeline_mode<synchronous>, transform_indices = @transform_4, window_bounds = array<i64: 1, 128>}, {pipeline_mode = #tpu.pipeline_mode<synchronous>, transform_indices = @transform_5, window_bounds = array<i64: 128, 64>}, {transform_indices = @transform_6, window_bounds = array<i64: 2, 1024, 32>}]} {
    %get3A = arith.constant 0 : index
    %get3A_0 = arith.constant 0 : index
    %get3A_1 = arith.constant 0 : index
    %get3A_2 = vector.load %arg1[%get3A, %get3A_0, %get3A_1] : memref<2x1024x64xf32, #tpu.memory_space<vmem>>, vector<1x1024x64xf32>
    %get3A_3 = vector.shape_cast %get3A_2 : vector<1x1024x64xf32> to vector<1024x64xf32>
    %get3A_4 = arith.constant 1 : index
    %get3A_5 = arith.constant 0 : index
    %get3A_6 = arith.constant 0 : index
    %get3A_7 = vector.load %arg1[%get3A_4, %get3A_5, %get3A_6] : memref<2x1024x64xf32, #tpu.memory_space<vmem>>, vector<1x1024x64xf32>
    %get3A_8 = vector.shape_cast %get3A_7 : vector<1x1024x64xf32> to vector<1024x64xf32>
    %concatenate3A = tpu.concatenate %get3A_3, %get3A_8 in 1 : vector<1024x64xf32>, vector<1024x64xf32> -> vector<1024x128xf32>
    %get3A_9 = arith.constant 0 : index
    %get3A_10 = arith.constant 0 : index
    %get3A_11 = vector.load %arg2[%get3A_9, %get3A_10] : memref<1024x32xf32, #tpu.memory_space<vmem>>, vector<1024x32xf32>
    %reduce_sum3A = arith.constant dense<0.000000e+00> : vector<1024xf32>
    %reduce_sum3A_12 = vector.multi_reduction <add>, %get3A_11, %reduce_sum3A [1] : vector<1024x32xf32> to vector<1024xf32>
    %broadcast_in_dim3A = vector.shape_cast %reduce_sum3A_12 : vector<1024xf32> to vector<1024x1xf32>
    %max3A = arith.constant 1.000000e+00 : f32
    %max3A_13 = vector.broadcast %max3A : f32 to vector<1024x1xf32>
    %max3A_14 = arith.maximumf %broadcast_in_dim3A, %max3A_13 : vector<1024x1xf32>
    %rsqrt3A = math.rsqrt %max3A_14 : vector<1024x1xf32>
    %get3A_15 = arith.constant 0 : index
    %get3A_16 = arith.constant 0 : index
    %get3A_17 = vector.load %arg3[%get3A_15, %get3A_16] : memref<1024x32xf32, #tpu.memory_space<vmem>>, vector<1024x32xf32>
    %reduce_sum3A_18 = arith.constant dense<0.000000e+00> : vector<1024xf32>
    %reduce_sum3A_19 = vector.multi_reduction <add>, %get3A_17, %reduce_sum3A_18 [1] : vector<1024x32xf32> to vector<1024xf32>
    %broadcast_in_dim3A_20 = vector.shape_cast %reduce_sum3A_19 : vector<1024xf32> to vector<1024x1xf32>
    %max3A_21 = arith.constant 1.000000e+00 : f32
    %max3A_22 = vector.broadcast %max3A_21 : f32 to vector<1024x1xf32>
    %max3A_23 = arith.maximumf %broadcast_in_dim3A_20, %max3A_22 : vector<1024x1xf32>
    %rsqrt3A_24 = math.rsqrt %max3A_23 : vector<1024x1xf32>
    %get3A_25 = arith.constant 0 : index
    %get3A_26 = arith.constant 0 : index
    %get3A_27 = vector.load %arg4[%get3A_25, %get3A_26] : memref<128x128xf32, #tpu.memory_space<vmem>>, vector<128x128xf32>
    %dot_general3A = arith.constant dense<0.000000e+00> : vector<1024x128xf32>
    %dot_general3A_28 = tpu.matmul %concatenate3A, %get3A_27, %dot_general3A {dimension_numbers = #tpu.dot_dimension_numbers<[1], [0], [0], [1], [0, 0, 1, 1], [], []>, transpose_lhs_hint = false} : vector<1024x128xf32>, vector<128x128xf32>, vector<1024x128xf32> -> vector<1024x128xf32>
    %mul3A = vector.broadcast %rsqrt3A_24 : vector<1024x1xf32> to vector<1024x128xf32>
    %mul3A_29 = arith.mulf %dot_general3A_28, %mul3A : vector<1024x128xf32>
    %get3A_30 = arith.constant 0 : index
    %get3A_31 = arith.constant 0 : index
    %get3A_32 = vector.load %arg5[%get3A_30, %get3A_31] : memref<1x128xf32, #tpu.memory_space<vmem>>, vector<1x128xf32>
    %add3A = vector.broadcast %get3A_32 : vector<1x128xf32> to vector<1024x128xf32>
    %add3A_33 = arith.addf %mul3A_29, %add3A : vector<1024x128xf32>
    %max3A_34 = arith.constant 0.000000e+00 : f32
    %max3A_35 = vector.broadcast %max3A_34 : f32 to vector<1024x128xf32>
    %max3A_36 = arith.maximumf %add3A_33, %max3A_35 : vector<1024x128xf32>
    %mul3A_37 = vector.broadcast %rsqrt3A : vector<1024x1xf32> to vector<1024x128xf32>
    %mul3A_38 = arith.mulf %max3A_36, %mul3A_37 : vector<1024x128xf32>
    %get3A_39 = arith.constant 0 : index
    %get3A_40 = arith.constant 0 : index
    %get3A_41 = vector.load %arg6[%get3A_39, %get3A_40] : memref<128x64xf32, #tpu.memory_space<vmem>>, vector<128x64xf32>
    %dot_general3A_42 = arith.constant dense<0.000000e+00> : vector<1024x64xf32>
    %dot_general3A_43 = tpu.matmul %mul3A_38, %get3A_41, %dot_general3A_42 {dimension_numbers = #tpu.dot_dimension_numbers<[1], [0], [0], [1], [0, 0, 1, 1], [], []>, transpose_lhs_hint = false} : vector<1024x128xf32>, vector<128x64xf32>, vector<1024x64xf32> -> vector<1024x64xf32>
    %slice3A = vector.extract_strided_slice %dot_general3A_43 {offsets = [0, 0], sizes = [1024, 32], strides = [1, 1]} : vector<1024x64xf32> to vector<1024x32xf32>
    %swap3A = arith.constant 0 : index
    %swap3A_44 = arith.constant 0 : index
    %swap3A_45 = arith.constant 0 : index
    %swap3A_46 = vector.load %arg7[%swap3A, %swap3A_44, %swap3A_45] : memref<2x1024x32xf32, #tpu.memory_space<vmem>>, vector<1x1024x32xf32>
    %swap3A_47 = vector.shape_cast %swap3A_46 : vector<1x1024x32xf32> to vector<1024x32xf32>
    %swap3A_48 = vector.shape_cast %slice3A : vector<1024x32xf32> to vector<1x1024x32xf32>
    tpu.vector_store %arg7[%swap3A, %swap3A_44, %swap3A_45], %swap3A_48 {strides = array<i32>} : memref<2x1024x32xf32, #tpu.memory_space<vmem>>, vector<1x1024x32xf32>,
    %slice3A_49 = vector.extract_strided_slice %dot_general3A_43 {offsets = [0, 32], sizes = [1024, 32], strides = [1, 1]} : vector<1024x64xf32> to vector<1024x32xf32>
    %swap3A_50 = arith.constant 1 : index
    %swap3A_51 = arith.constant 0 : index
    %swap3A_52 = arith.constant 0 : index
    %swap3A_53 = vector.load %arg7[%swap3A_50, %swap3A_51, %swap3A_52] : memref<2x1024x32xf32, #tpu.memory_space<vmem>>, vector<1x1024x32xf32>
    %swap3A_54 = vector.shape_cast %swap3A_53 : vector<1x1024x32xf32> to vector<1024x32xf32>
    %swap3A_55 = vector.shape_cast %slice3A_49 : vector<1024x32xf32> to vector<1x1024x32xf32>
    tpu.vector_store %arg7[%swap3A_50, %swap3A_51, %swap3A_52], %swap3A_55 {strides = array<i32>} : memref<2x1024x32xf32, #tpu.memory_space<vmem>>, vector<1x1024x32xf32>,
    return
  }
  func.func @transform_0(%arg0: i32) -> (i32, i32, i32) {
    %c0_i32 = arith.constant 0 : i32
    %c0_i32_0 = arith.constant 0 : i32
    %c0_i32_1 = arith.constant 0 : i32
    return %c0_i32, %arg0, %c0_i32_0 : i32, i32, i32
  }
  func.func @transform_1(%arg0: i32) -> (i32, i32) {
    %c0_i32 = arith.constant 0 : i32
    %c0_i32_0 = arith.constant 0 : i32
    return %arg0, %c0_i32 : i32, i32
  }
  func.func @transform_2(%arg0: i32) -> (i32, i32) {
    %c0_i32 = arith.constant 0 : i32
    %c0_i32_0 = arith.constant 0 : i32
    return %arg0, %c0_i32 : i32, i32
  }
  func.func @transform_3(%arg0: i32) -> (i32, i32) {
    %c0_i32 = arith.constant 0 : i32
    %c0_i32_0 = arith.constant 0 : i32
    %c0_i32_1 = arith.constant 0 : i32
    return %c0_i32, %c0_i32_0 : i32, i32
  }
  func.func @transform_4(%arg0: i32) -> (i32, i32) {
    %c0_i32 = arith.constant 0 : i32
    %c0_i32_0 = arith.constant 0 : i32
    %c0_i32_1 = arith.constant 0 : i32
    return %c0_i32, %c0_i32_0 : i32, i32
  }
  func.func @transform_5(%arg0: i32) -> (i32, i32) {
    %c0_i32 = arith.constant 0 : i32
    %c0_i32_0 = arith.constant 0 : i32
    %c0_i32_1 = arith.constant 0 : i32
    return %c0_i32, %c0_i32_0 : i32, i32
  }
  func.func @transform_6(%arg0: i32) -> (i32, i32, i32) {
    %c0_i32 = arith.constant 0 : i32
    %c0_i32_0 = arith.constant 0 : i32
    %c0_i32_1 = arith.constant 0 : i32
    return %c0_i32, %arg0, %c0_i32_0 : i32, i32, i32
  }
}

module attributes {stable_mosaic.version = 14 : i64} {
  func.func @_tc3_body(%arg0: i32, %arg1: memref<2x1000x32xf32, #tpu.memory_space<vmem>>, %arg2: memref<1000x32xf32, #tpu.memory_space<vmem>>, %arg3: memref<1x64xf32, #tpu.memory_space<vmem>>, %arg4: memref<1000x64xf32, #tpu.memory_space<vmem>>) attributes {dimension_semantics = [#tpu.dimension_semantics<arbitrary>], iteration_bounds = array<i64: 10>, scalar_prefetch = 0 : i64, scratch_operands = 0 : i64, tpu.core_type = #tpu.core_type<tc>, window_params = [{transform_indices = @transform_0, window_bounds = array<i64: 2, 1000, 32>}, {transform_indices = @transform_1, window_bounds = array<i64: 1000, 32>}, {pipeline_mode = #tpu.pipeline_mode<synchronous>, transform_indices = @transform_2, window_bounds = array<i64: 1, 64>}, {transform_indices = @transform_3, window_bounds = array<i64: 1000, 64>}]} {
    %get3A = arith.constant 0 : index
    %get3A_0 = arith.constant 0 : index
    %get3A_1 = arith.constant 0 : index
    %get3A_2 = vector.load %arg1[%get3A, %get3A_0, %get3A_1] : memref<2x1000x32xf32, #tpu.memory_space<vmem>>, vector<1x1000x32xf32>
    %get3A_3 = vector.shape_cast %get3A_2 : vector<1x1000x32xf32> to vector<1000x32xf32>
    %get3A_4 = arith.constant 1 : index
    %get3A_5 = arith.constant 0 : index
    %get3A_6 = arith.constant 0 : index
    %get3A_7 = vector.load %arg1[%get3A_4, %get3A_5, %get3A_6] : memref<2x1000x32xf32, #tpu.memory_space<vmem>>, vector<1x1000x32xf32>
    %get3A_8 = vector.shape_cast %get3A_7 : vector<1x1000x32xf32> to vector<1000x32xf32>
    %concatenate3A = tpu.concatenate %get3A_3, %get3A_8 in 1 : vector<1000x32xf32>, vector<1000x32xf32> -> vector<1000x64xf32>
    %get3A_9 = arith.constant 0 : index
    %get3A_10 = arith.constant 0 : index
    %get3A_11 = vector.load %arg2[%get3A_9, %get3A_10] : memref<1000x32xf32, #tpu.memory_space<vmem>>, vector<1000x32xf32>
    %reduce_sum3A = arith.constant dense<0.000000e+00> : vector<1000xf32>
    %reduce_sum3A_12 = vector.multi_reduction <add>, %get3A_11, %reduce_sum3A [1] : vector<1000x32xf32> to vector<1000xf32>
    %broadcast_in_dim3A = vector.shape_cast %reduce_sum3A_12 : vector<1000xf32> to vector<1000x1xf32>
    %max3A = arith.constant 1.000000e+00 : f32
    %max3A_13 = vector.broadcast %max3A : f32 to vector<1000x1xf32>
    %max3A_14 = arith.maximumf %broadcast_in_dim3A, %max3A_13 : vector<1000x1xf32>
    %rsqrt3A = math.rsqrt %max3A_14 : vector<1000x1xf32>
    %mul3A = vector.broadcast %rsqrt3A : vector<1000x1xf32> to vector<1000x64xf32>
    %mul3A_15 = arith.mulf %concatenate3A, %mul3A : vector<1000x64xf32>
    %get3A_16 = arith.constant 0 : index
    %get3A_17 = arith.constant 0 : index
    %get3A_18 = vector.load %arg3[%get3A_16, %get3A_17] : memref<1x64xf32, #tpu.memory_space<vmem>>, vector<1x64xf32>
    %add3A = vector.broadcast %get3A_18 : vector<1x64xf32> to vector<1000x64xf32>
    %add3A_19 = arith.addf %mul3A_15, %add3A : vector<1000x64xf32>
    %swap3A = arith.constant 0 : index
    %swap3A_20 = arith.constant 0 : index
    %swap3A_21 = vector.load %arg4[%swap3A, %swap3A_20] : memref<1000x64xf32, #tpu.memory_space<vmem>>, vector<1000x64xf32>
    tpu.vector_store %arg4[%swap3A, %swap3A_20], %add3A_19 {strides = array<i32>} : memref<1000x64xf32, #tpu.memory_space<vmem>>, vector<1000x64xf32>,
    return
  }
  func.func @transform_0(%arg0: i32) -> (i32, i32, i32) {
    %c0_i32 = arith.constant 0 : i32
    %c0_i32_0 = arith.constant 0 : i32
    %c0_i32_1 = arith.constant 0 : i32
    return %c0_i32, %arg0, %c0_i32_0 : i32, i32, i32
  }
  func.func @transform_1(%arg0: i32) -> (i32, i32) {
    %c0_i32 = arith.constant 0 : i32
    %c0_i32_0 = arith.constant 0 : i32
    return %arg0, %c0_i32 : i32, i32
  }
  func.func @transform_2(%arg0: i32) -> (i32, i32) {
    %c0_i32 = arith.constant 0 : i32
    %c0_i32_0 = arith.constant 0 : i32
    %c0_i32_1 = arith.constant 0 : i32
    return %c0_i32, %c0_i32_0 : i32, i32
  }
  func.func @transform_3(%arg0: i32) -> (i32, i32) {
    %c0_i32 = arith.constant 0 : i32
    %c0_i32_0 = arith.constant 0 : i32
    return %arg0, %c0_i32 : i32, i32
  }
}

</mosaic_0001>

<sc_bundles>
// kernel: kernel.11.cloned.1.call-start
scs
__scs_entry_jumppad:
0x0: {  	(pc) =	sbr.rel $0x88, $3  }
0x1: {  	(tag) =	ssettag $0x0;
	lr =	simm.s32 $0x1  }
0x2: {  	[smem:$0x3F9B] =	sst lr;
	_ =	strace $0xD0000000  }
0x3: {  	_ = 	snop  }
0x4: {  	_ = 	snop  }
0x5: {  	_ = 	snop  }
0x6: {  	_ = 	snop  }
0x7: {  	_ = 	snop  }
__scs_overlays_trampoline_lowered:
0x8: {  	[smem:$0x3FAA] =	sst s0  }
0x9: {  	[smem:$0x3FAB] =	sst s1  }
0xa: {  	[smem:$0x3FAC] =	sst s2  }
0xb: {  	[smem:$0x3FAD] =	sst s3  }
0xc: {  	[smem:$0x3FAE] =	sst s4  }
0xd: {  	[smem:$0x3FAF] =	sst s5  }
0xe: {  	[smem:$0x3FB0] =	sst s6  }
0xf: {  	[smem:$0x3FB1] =	sst s7  }
0x10: {  	[smem:$0x3FB2] =	sst s8  }
0x11: {  	[smem:$0x3FB3] =	sst s9;
	s0 =	simm.s32 @!p0 $0x0  }
0x12: {  	s1 =	sld [smem:$0x3F99];
	s0 =	simm.s32 @p0 $0x1  }
0x13: {  	[smem:$0x3FB4] =	sst s0;
	s0 =	simm.s32 @!p1 $0x0  }
0x14: {  	s2 =	sld [smem:$0x3F98];
	s0 =	simm.s32 @p1 $0x1  }
0x15: {  	[smem:$0x3FB5] =	sst s0;
	s0 =	simm.s32 @!p2 $0x0  }
0x16: {  	s3 =	sld [smem:$0x3FDB];
	s0 =	simm.s32 @p2 $0x1  }
0x17: {  	s4 =	simm.s32 $0x1BF5;
	[smem:$0x3FB7] =	sst s0  }
0x18: {  	s0 =	sld [smem:$0x3F9A];
	_ =	swait.ge [sflag:s4], $0x0  }
0x19: {  	s7 =	sld [smem:$0x3F9B]  }
0x1a: {  	s8 =	sadd.s32 $0xFFFFE003, lr  }
0x1b: {  	s9 =	sadd.s32 $0xFFFFFEF7, lr;
	s5 =	simm.s32 $0xFFFFFFFF;
	p2 =	slt.u32 s8, $0xFFFFF086  }
0x1c: {  	p1 =	slt.u32 s9, $0xF7A;
	s5 =	simm.s32 @!p2 $0x0  }
0x1d: {  	s5 =	simm.s32 @p1 $0x1;
	p0 =	seq.s32 s7, s2  }
0x1e: {  	s7 =	smul.u32 @!p0 $0xF7A, s2;
	p2 =	seq.s32 @!p0 s5, $0x0  }
0x1f: {  	s9 =	smul.u32 $0xF7A, s1;
	s8 =	simm.s32 @!p0 $0x1BF5;
	p2 =	por !p2, p0  }
0x20: {  	[sflag:s8] =	ssyncset.s32 @!p0 $0xFFFFF086;
	s6 =	sadd.s32 @!p0 s3, s7;
	s7 =	simm.s32 @!p0 $0x108  }
0x21: {  	s3 =	sadd.s32 s3, s9;
	s6 =	sadd.s32 @!p0 $0x88, s6;
	s7 =	simm.s32 @p2 $0x1082  }
0x22: {  	[simem:s7], [sflag:s8] =	dma.local @!p0 [hbm:s6], $0xF7A  }
0x23: {  	s9 =	sor.u32 $0xD0000000, s2;
	s6 =	simm.s32 $0x108;
	_ =	swait.ge @!p0 [sflag:s8], $0x0  }
0x24: {  	s3 =	sadd.s32 $0x88, s3;
	s6 =	simm.s32 @!p1 $0x1082;
	[sflag:s4] =	ssyncset.s32 $0xFFFFF086  }
0x25: {  	[simem:s6], [sflag:s4] =	dma.local [hbm:s3], $0xF7A  }
0x26: {  	[smem:$0x3F9B] =	sst s1;
	(tag) =	ssettag s2;
	_ =	strace s9  }
0x27: {  	s1 =	sld [smem:$0x3FAB]  }
0x28: {  	s2 =	sld [smem:$0x3FAC]  }
0x29: {  	s4 =	sld [smem:$0x3FAE]  }
0x2a: {  	p0 =	seq.s32 s5, $0x0;
	s5 =	sld [smem:$0x3FAF]  }
0x2b: {  	s6 =	sld [smem:$0x3FB0]  }
0x2c: {  	s7 =	sld [smem:$0x3FB1]  }
0x2d: {  	s3 =	simm.s32 $0x108;
	s8 =	sld [smem:$0x3FB2]  }
0x2e: {  	s3 =	simm.s32 @!p0 $0x1082;
	s9 =	sld [smem:$0x3FB3]  }
0x2f: {  	lr =	sadd.s32 s0, s3;
	s0 =	sld [smem:$0x3FAA]  }
0x30: {  	s3 =	sld [smem:$0x3FAD]  }
0x31: {  	[smem:$0x3FB6] =	sst s10  }
0x32: {  	s10 =	sld [smem:$0x3FB4];
	_ =	sdelay $0x3  }
0x33: {  	p0 =	seq.s32 s10, $0x1;
	s10 =	sld [smem:$0x3FB6];
	_ =	sdelay $0x3  }
0x34: {  	[smem:$0x3FB6] =	sst s10  }
0x35: {  	s10 =	sld [smem:$0x3FB5];
	_ =	sdelay $0x3  }
0x36: {  	p1 =	seq.s32 s10, $0x1;
	s10 =	sld [smem:$0x3FB6];
	_ =	sdelay $0x3  }
0x37: {  	[smem:$0x3FB6] =	sst s10  }
0x38: {  	s10 =	sld [smem:$0x3FB7]  }
0x39: {  	_ = 	snop;
	(pc) =	sbr.ind lr, $3  }
0x3a: {  	_ = 	snop  }
0x3b: {  	_ = 	snop  }
0x3c: {  	p2 =	seq.s32 s10, $0x1;
	s10 =	sld [smem:$0x3FB6]  }
0x3d: {  	_ =	shalt  }
0x3e: {  	_ =	shalt  }
0x3f: {  	_ =	shalt  }
0x40: {  	_ =	shalt  }
0x41: {  	_ =	shalt  }
0x42: {  	_ =	shalt  }
0x43: {  	_ =	shalt  }
0x44: {  	_ =	shalt  }
0x45: {  	_ =	shalt  }
0x46: {  	_ =	shalt  }
0x47: {  	_ =	shalt  }
0x48: {  	_ =	shalt  }
0x49: {  	_ =	shalt  }
0x4a: {  	_ =	shalt  }
0x4b: {  	_ =	shalt  }
0x4c: {  	_ =	shalt  }
0x4d: {  	_ =	shalt  }
0x4e: {  	_ =	shalt  }
0x4f: {  	_ =	shalt  }
0x50: {  	_ =	shalt  }
0x51: {  	_ =	shalt  }
0x52: {  	_ =	shalt  }
0x53: {  	_ =	shalt  }
0x54: {  	_ =	shalt  }
0x55: {  	_ =	shalt  }
0x56: {  	_ =	shalt  }
0x57: {  	_ =	shalt  }
0x58: {  	_ =	shalt  }
0x59: {  	_ =	shalt  }
0x5a: {  	_ =	shalt  }
0x5b: {  	_ =	shalt  }
0x5c: {  	_ =	shalt  }
0x5d: {  	_ =	shalt  }
0x5e: {  	_ =	shalt  }
0x5f: {  	_ =	shalt  }
0x60: {  	_ =	shalt  }
0x61: {  	_ =	shalt  }
0x62: {  	_ =	shalt  }
0x63: {  	_ =	shalt  }
0x64: {  	_ =	shalt  }
0x65: {  	_ =	shalt  }
0x66: {  	_ =	shalt  }
0x67: {  	_ =	shalt  }
0x68: {  	_ =	shalt  }
0x69: {  	_ =	shalt  }
0x6a: {  	_ =	shalt  }
0x6b: {  	_ =	shalt  }
0x6c: {  	_ =	shalt  }
0x6d: {  	_ =	shalt  }
0x6e: {  	_ =	shalt  }
0x6f: {  	_ =	shalt  }
0x70: {  	_ =	shalt  }
0x71: {  	_ =	shalt  }
0x72: {  	_ =	shalt  }
0x73: {  	_ =	shalt  }
0x74: {  	_ =	shalt  }
0x75: {  	_ =	shalt  }
0x76: {  	_ =	shalt  }
0x77: {  	_ =	shalt  }
0x78: {  	_ =	shalt  }
0x79: {  	_ =	shalt  }
0x7a: {  	_ =	shalt  }
0x7b: {  	_ =	shalt  }
0x7c: {  	_ =	shalt  }
0x7d: {  	_ =	shalt  }
0x7e: {  	_ =	shalt  }
0x7f: {  	_ =	shalt  }
0x80: {  	_ =	shalt  }
0x81: {  	_ =	shalt  }
0x82: {  	_ =	shalt  }
0x83: {  	_ =	shalt  }
0x84: {  	_ =	shalt  }
0x85: {  	_ =	shalt  }
0x86: {  	_ =	shalt  }
0x87: {  	_ =	shalt  }
.Lfunc_end0:
.L_simem_size_0:
called_computation.1_lowered:
.L_overlay_start_0:
0x88: {  	s2 =	sld [smem:$0x3FD9]  }
0x89: {  	s3 =	sld [smem:$0x3FFE];
	_ =	sdelay $0x1  }
0x8a: {  	s1 =	srdreg.scid  }
0x8b: {  	s0 =	sand.u32 $0x1, s1  }
0x8c: {  	s17 =	sshll.u32 s0, $0xA;
	s2 =	sadd.s32 s3, s2  }
0x8d: {  	s2 =	sadd.s32 s2, s17  }
0x8e: {  	[smem:$0x3FC2] =	sst s2  }
0x8f: {  	_ = 	snop  }
0x90: {  	s2 =	sld [smem:$0x3FD0];
	(tm) =	ssettm $0x1  }
0x91: {  	s18 =	sld [smem:$0x3FFB];
	_ =	sdelay $0x3  }
0x92: {  	_ =	strace s18  }
0x93: {  	s3 =	sld [smem:$0x3FFC];
	_ =	sdelay $0x3  }
0x94: {  	_ =	strace s3  }
0x95: {  	s3 =	sld [smem:$0x3FFD];
	_ =	sdelay $0x3  }
0x96: {  	_ =	strace s3  }
0x97: {  	_ =	strace $0x8FFFFFFF  }
0x98: {  	s19 =	sld [smem:$0x3FDB];
	_ =	sdelay $0x1  }
0x99: {  	s4 =	simm.s32 $_scs_section_size  }
0x9a: {  	s5 =	simm.s32 $_size__tile_overlayer_lowered;
	s6 =	simm.s32 $_tile_overlayer_lowered  }
0x9b: {  	s22 =	simm.s32 $0x1BFF;
	s21 =	sshll.u32 s6, $0x1;
	s3 =	sadd.s32 s4, s19  }
0x9c: {  	s7 =	simm.s32 $0x0;
	s20 =	sshll.u32 s5, $0x1;
	s5 =	sadd.s32 s21, s3  }
0x9d: {  	[timem:s7], [sflag:s22] =	dma.local [hbm:s5], s20  }
0x9e: {  	_ =	swait.ge [sflag:s22], s20  }
0x9f: {  	s4 =	ssub.s32 $0x0, s20;
	[sflag:s22] =	ssyncset.done $0x0  }
0xa0: {  	[sflag:s22] =	ssyncadd.s32 s4;
	_ =	sdelay $0x1  }
0xa1: {  	s23 =	simm.s32 $0x1B8B  }
0xa2: {  	_ =	swait.ge [sflag:s23], $0x1  }
0xa3: {  	[sflag:s23] =	ssyncset.done $0x0  }
0xa4: {  	s25 =	simm.s32 $0x1B8E;
	s24 =	sld [smem:$0x3FFE];
	[sflag:s23] =	ssyncadd.s32 $0xFFFFFFFF  }
0xa5: {  	s26 =	simm.s32 $execute0_lowered;
	[smem:$0x3FD2] =	sst s25  }
0xa6: {  	s5 =	sshll.u32 s26, $0x1;
	_ =	strace $0x80000049;
	[dreg:$0x1] =	wrdreg $0xFFFFFFFF  }
0xa7: {  	s28 =	simm.s32 $_size_execute0_lowered;
	s3 =	sadd.s32 s3, s5;
	[dreg:$0x0] =	wrdreg $0x0  }
0xa8: {  	s5 =	sshll.u32 s28, $0x1;
	[dreg:$0x2] =	wrdreg s3  }
0xa9: {  	[dreg:$0x3] =	wrdreg s5  }
0xaa: {  	[dreg:$0x4] =	wrdreg $0xC0  }
0xab: {  	_ =	task [dreg:s7], $0x5FFFF  }
0xac: {  	[dreg:$0x1] =	wrdreg $0xFFFFFFFF  }
0xad: {  	[dreg:$0x0] =	wrdreg $0x60  }
0xae: {  	[dreg:$0x2] =	wrdreg s24  }
0xaf: {  	[dreg:$0x3] =	wrdreg s2  }
0xb0: {  	[dreg:$0x4] =	wrdreg $0x148000  }
0xb1: {  	[dreg:$0x5] =	wrdreg $0xA8000  }
0xb2: {  	[dreg:$0x6] =	wrdreg $0x9  }
0xb3: {  	_ =	task.clear_ibuf [dreg:s7], $0x7FFFF;
	_ =	strace $0x90000049  }
0xb4: {  	s29 =	simm.s32 $0x9;
	_ =	strace $0x8000004B  }
0xb5: {  	_ =	swait.ge [sflag:s29], $0x1  }
0xb6: {  	[sflag:s29] =	ssyncadd.s32 $0xFFFFFFFF  }
0xb7: {  	_ =	strace $0x9000004B  }
0xb8: {  	_ =	sfence  }
0xb9: {  	s30 =	sld [smem:$0x0];
	_ =	sdelay $0x2  }
0xba: {  	s31 =	sshll.u32 s1, $0xD;
	s1 =	sshrl.u32 s1, $0x2  }
0xbb: {  	s3 =	sand.u32 $0x4000, s31;
	s1 =	sadd.s32 s1, s30  }
0xbc: {  	s0 =	sor.u32 s3, s0;
	s1 =	sshll.u32 s1, $0x11  }
0xbd: {  	s0 =	sor.u32 s1, s0  }
0xbe: {  	s0 =	sadd.s32 $0x8F2B, s0  }
0xbf: {  	[sflag:s0] =	ssyncadd.remote.s32 $0x1  }
0xc0: {  	_ =	sfence.sel $0xFFFF  }
0xc1: {  	[dreg:$0x0] =	wrdreg $0xFFFFFFFF;
	(pc) =	sbr.abs _section_cstart, $3  }
0xc2: {  	[dreg:$0x1] =	wrdreg $0xFFFFFFFF  }
0xc3: {  	_ =	task.clear_ibuf [dreg:s7], $0x2FFFF;
	_ =	strace $0x9FFFFFFF  }
0xc4: {  	(tm) =	ssettm $0x7FFFFFFF  }
0xc5: {  	_ =	shalt  }
tec
execute0_lowered:
.L_overlay_start_1:
0x0: {  	(tag) =	ssettag $0x1  }
0x1: {  	s0 =	rddreg [dreg:$0x0]  }
0x2: {  	s2 =	rddreg [dreg:$0x1]  }
0x3: {  	s3 =	srdreg.scid;
	s9 =	stileid.u32  }
0x4: {  	s17 =	rddreg [dreg:$0x2];
	s3 =	sand.u32 $0x1, s3;
	s6 =	smul.u32 $0x5000, s9  }
0x5: {  	s1 =	simm.s32 $0x0;
	s20 =	rddreg [dreg:$0x3];
	s5 =	ssub.s32 $0x2, s3  }
0x6: {  	[smem:$0x7FF] =	sst s1;
	s8 =	sshrl.u32 s5, $0x1;
	s6 =	sshrl.u32 s6, $0x3  }
0x7: {  	s7 =	sadd.s32 $0x1A00, s0;
	s5 =	ssub.s32 s5, s8;
	s25 =	sadd.s32 s2, s6  }
0x8: {  	s26 =	sadd.s32 $0x280, s6;
	s10 =	sadd.s32 s7, s6;
	[dreg:$0x5] =	wrdreg s25  }
0x9: {  	s8 =	smul.u32 $0xA000, s9;
	[dreg:$0x6] =	wrdreg s10;
	s11 =	sadd.s32 s2, s26  }
0xa: {  	s12 =	sadd.s32 $0x500, s6;
	s9 =	sadd.s32 s7, s26;
	[dreg:$0x7] =	wrdreg s11  }
0xb: {  	s4 =	sadd.s32 $0x1FA00, s0;
	s13 =	sadd.s32 s2, s12;
	[dreg:$0x8] =	wrdreg s9  }
0xc: {  	s6 =	sadd.s32 $0x780, s6;
	s14 =	sadd.s32 s7, s12;
	[dreg:$0x9] =	wrdreg s13  }
0xd: {  	s3 =	smul.u32 $0xA0000, s3;
	s2 =	sadd.s32 s2, s6;
	[dreg:$0xa] =	wrdreg s14  }
0xe: {  	s0 =	sadd.s32 $0x47A00, s0;
	s6 =	sadd.s32 s7, s6;
	[dreg:$0xb] =	wrdreg s2  }
0xf: {  	s15 =	sadd.s32 s3, s8;
	s16 =	sadd.s32 $0x2000, s8;
	[dreg:$0xc] =	wrdreg s6  }
0x10: {  	s9 =	sadd.s32 $0x4000, s8;
	s19 =	sadd.s32 $0x6000, s8;
	s11 =	sadd.s32 $0x8000, s8  }
0x11: {  	s6 =	simm.s32 $0x4800;
	s22 =	sshrl.u32 s15, $0x3;
	s23 =	sadd.s32 s3, s16  }
0x12: {  	s18 =	sadd.s32 s3, s9;
	s12 =	sadd.s32 s3, s19;
	s3 =	sadd.s32 s3, s11  }
0x13: {  	s15 =	sadd.s32 s8, s20;
	s28 =	sadd.s32 s19, s17;
	s29 =	sadd.s32 s11, s17  }
0x14: {  	s24 =	sadd.s32 s0, s22;
	s25 =	sshrl.u32 s23, $0x3;
	s2 =	sadd.s32 s4, s22  }
0x15: {  	s12 =	sshrl.u32 s12, $0x3;
	s3 =	sshrl.u32 s3, $0x3;
	s23 =	smax.u32 s5, $0x1  }
0x16: {  	s30 =	sshrl.u32 s15, $0x3;
	s5 =	simm.s32 $0x80;
	[dreg:$0xd] =	wrdreg s24  }
0x17: {  	[dreg:$0xe] =	wrdreg s2;
	s7 =	sadd.s32 s4, s25;
	s26 =	sadd.s32 s4, s12  }
0x18: {  	s21 =	sadd.s32 s0, s12;
	s22 =	sadd.s32 s0, s3;
	s24 =	sadd.s32 s8, s17  }
0x19: {  	s2 =	sadd.s32 s9, s20;
	s8 =	simm.s32 $0x6800;
	[dreg:$0xf] =	wrdreg s7  }
0x1a: {  	s7 =	sshrl.u32 s18, $0x3;
	[dreg:$0x11] =	wrdreg s26;
	s26 =	sadd.s32 s9, s17  }
0x1b: {  	s18 =	sadd.s32 s19, s20;
	s19 =	sadd.s32 s11, s20;
	s13 =	sadd.s32 s4, s7  }
0x1c: {  	s9 =	simm.s32 $0x1;
	s4 =	sadd.s32 s4, s3;
	[dreg:$0x10] =	wrdreg s13  }
0x1d: {  	s14 =	sadd.s32 s0, s7;
	s3 =	simm.s32 $0x2800;
	[dreg:$0x12] =	wrdreg s4  }
0x1e: {  	s7 =	simm.s32 $0x100;
	s13 =	sadd.s32 s0, s25;
	[dreg:$0x14] =	wrdreg s14  }
0x1f: {  	s25 =	sadd.s32 s16, s17;
	s16 =	sadd.s32 s16, s20;
	s0 =	sshrl.u32 s18, $0x3  }
0x20: {  	s4 =	simm.s32 $0x2;
	[dreg:$0x13] =	wrdreg s13;
	s31 =	sshrl.u32 s16, $0x3  }
0x21: {  	v0 =	vimm.f32 $0.0e+00;
	s16 =	sshrl.u32 s2, $0x3;
	s2 =	sshrl.u32 s19, $0x3;
	_ =	strace $0x8000004A  }
.LBB2_1:
0x22: {  	s11 =	simm.s32 $0x100;
	s10 =	simm.s32 $0x0  }
.LBB2_2:
0x23: {  	p0 =	sne.s32 s11, $0x7F00;
	[tilespmem:s10+$0x2830] =	vst v0;
	s12 =	smov.u32 s11;
	s11 =	sadd.s32 $0x100, s11  }
.Ltmp0:
0x24: {  	[tilespmem:s10+$0x2820] =	vst v0;
	(pc) =	sbr.rel @p0 .LBB2_2-.Ltmp0, $3  }
0x25: {  	[tilespmem:s10+$0x2800] =	vst v0  }
0x26: {  	[tilespmem:s10+$0x2810] =	vst v0;
	_ =	sdelay $0x1  }
0x27: {  	s10 =	sshra.s32 s12, $0x2  }
0x28: {  	[tilespmem:s10+$0x2830] =	vst v0  }
0x29: {  	[tilespmem:s10+$0x2820] =	vst v0  }
0x2a: {  	[tilespmem:s10+$0x2800] =	vst v0  }
0x2b: {  	[tilespmem:s10+$0x2810] =	vst v0  }
0x2c: {  	[spmem:s24] =	stream.linear.scatter [tilespmem:s3], [sflag:$0x2], $0x2000, $0x38;
	[tilespmem:$0x1E800] =	vst v63  }
0x2d: {  	s11 =	stileid.u32;
	_ =	swait.ge [sflag:s4], $0x2000  }
0x2e: {  	s10 =	sshll.u32 s11, $0x6;
	[sflag:s4] =	ssyncset.done $0x0  }
0x2f: {  	s10 =	sor.u32 $0x1C02, s10;
	s11 =	rddreg [dreg:$0xe];
	[sflag:s4] =	ssyncadd.s32 $0xFFFFE000  }
0x30: {  	[spmem:s30], [sflag:s10] =	dma.local [hbm:s11], $0x400  }
0x31: {  	_ =	swait.ge [sflag:s4], $0x400  }
0x32: {  	[sflag:s4] =	ssyncset.done $0x0  }
0x33: {  	[sflag:s4] =	ssyncadd.s32 $0xFFFFFC00  }
0x34: {  	[spmem:s25] =	stream.linear.scatter [tilespmem:s3], [sflag:$0x2], $0x2000, $0x38;
	[tilespmem:$0x1E800] =	vst v63  }
0x35: {  	_ =	swait.ge [sflag:s4], $0x2000  }
0x36: {  	[sflag:s4] =	ssyncset.done $0x0  }
0x37: {  	s12 =	rddreg [dreg:$0xf];
	[sflag:s4] =	ssyncadd.s32 $0xFFFFE000  }
0x38: {  	[spmem:s31], [sflag:s10] =	dma.local [hbm:s12], $0x400  }
0x39: {  	_ =	swait.ge [sflag:s4], $0x400  }
0x3a: {  	[sflag:s4] =	ssyncset.done $0x0  }
0x3b: {  	[sflag:s4] =	ssyncadd.s32 $0xFFFFFC00  }
0x3c: {  	[spmem:s26] =	stream.linear.scatter [tilespmem:s3], [sflag:$0x2], $0x2000, $0x38;
	[tilespmem:$0x1E800] =	vst v63  }
0x3d: {  	_ =	swait.ge [sflag:s4], $0x2000  }
0x3e: {  	[sflag:s4] =	ssyncset.done $0x0  }
0x3f: {  	s13 =	rddreg [dreg:$0x10];
	[sflag:s4] =	ssyncadd.s32 $0xFFFFE000  }
0x40: {  	[spmem:s16], [sflag:s10] =	dma.local [hbm:s13], $0x400  }
0x41: {  	_ =	swait.ge [sflag:s4], $0x400  }
0x42: {  	[sflag:s4] =	ssyncset.done $0x0  }
0x43: {  	[sflag:s4] =	ssyncadd.s32 $0xFFFFFC00  }
0x44: {  	[spmem:s28] =	stream.linear.scatter [tilespmem:s3], [sflag:$0x2], $0x2000, $0x38;
	[tilespmem:$0x1E800] =	vst v63  }
0x45: {  	_ =	swait.ge [sflag:s4], $0x2000  }
0x46: {  	[sflag:s4] =	ssyncset.done $0x0  }
0x47: {  	s14 =	rddreg [dreg:$0x11];
	[sflag:s4] =	ssyncadd.s32 $0xFFFFE000  }
0x48: {  	[spmem:s0], [sflag:s10] =	dma.local [hbm:s14], $0x400  }
0x49: {  	_ =	swait.ge [sflag:s4], $0x400  }
0x4a: {  	[sflag:s4] =	ssyncset.done $0x0  }
0x4b: {  	[sflag:s4] =	ssyncadd.s32 $0xFFFFFC00  }
0x4c: {  	[spmem:s29] =	stream.linear.scatter [tilespmem:s3], [sflag:$0x2], $0x2000, $0x38;
	[tilespmem:$0x1E800] =	vst v63  }
0x4d: {  	_ =	swait.ge [sflag:s4], $0x2000  }
0x4e: {  	[sflag:s4] =	ssyncset.done $0x0  }
0x4f: {  	s15 =	rddreg [dreg:$0x12];
	[sflag:s4] =	ssyncadd.s32 $0xFFFFE000  }
0x50: {  	[spmem:s2], [sflag:s10] =	dma.local [hbm:s15], $0x400  }
0x51: {  	_ =	swait.ge [sflag:s4], $0x400  }
0x52: {  	[sflag:s4] =	ssyncset.done $0x0  }
0x53: {  	[sflag:s4] =	ssyncadd.s32 $0xFFFFFC00  }
0x54: {  	[bflag:$0x0] =	sbarrier.arrive $0xFFFF  }
0x55: {  	s11 =	simm.s32 $0x0;
	s12 =	rddreg [dreg:$0x5]  }
0x56: {  	[tilespmem:s11], [sflag:$0x2] =	stream.linear.gather [hbm4b:s12+s11], $0x1400, $0x38;
	[tilespmem:$0x1E800] =	vst v63  }
0x57: {  	_ =	swait.ge [sflag:s4], $0x1400  }
0x58: {  	[sflag:s4] =	ssyncset.done $0x0  }
0x59: {  	s18 =	simm.s32 $0x1400;
	s13 =	rddreg [dreg:$0x6];
	[sflag:s4] =	ssyncadd.s32 $0xFFFFEC00  }
0x5a: {  	[tilespmem:s18], [sflag:$0x2] =	stream.linear.gather [hbm4b:s13+s11], $0x1400, $0x38;
	[tilespmem:$0x1E800] =	vst v63  }
0x5b: {  	_ =	swait.ge [sflag:s4], $0x1400  }
0x5c: {  	[sflag:s4] =	ssyncset.done $0x0  }
0x5d: {  	[sflag:s4] =	ssyncadd.s32 $0xFFFFEC00  }
0x5e: {  	[tilespmem:s3], [sflag:$0x1] =	stream.indirect.gather [spmem:s20], $0x40, s11, s5, $0xb8;
	[tilespmem:$0x1E800] =	vst v63  }
0x5f: {  	_ = 	snop  }
0x60: {  	[tilespmem:s6], [sflag:$0x1] =	stream.indirect.gather [spmem:s20], $0x40, s5, s5, $0xb8;
	[tilespmem:$0x1E800] =	vst v63  }
0x61: {  	p0 =	por $0x0, $0x0;
	s13 =	simm.s32 $0x18000  }
0x62: {  	[tilespmem:s8], [sflag:$0x1] =	stream.indirect.gather [spmem:s20], $0x40, s7, s5, $0xb8;
	[tilespmem:$0x1E800] =	vst v63  }
0x63: {  	s19 =	simm.s32 $0x0;
	s13 =	sand.u32 @!p0 $0x18000, s13;
	_ =	swait.ge [sflag:s9], $0x2000  }
0x64: {  	s14 =	simm.s32 $0x180;
	s13 =	sshrl.u32 @!p0 s13, $0x2;
	[sflag:s9] =	ssyncset.done $0x0  }
0x65: {  	s15 =	simm.s32 @!p0 $0x80;
	s13 =	sadd.s32 @!p0 $0x2800, s13;
	[sflag:s9] =	ssyncadd.s32 $0xFFFFE000  }
0x66: {  	[tilespmem:s13], [sflag:$0x1] =	stream.indirect.gather @!p0 [spmem:s20], $0x40, s14, s15, $0xb8;
	[tilespmem:$0x1E800] =	vst v63  }
0x67: {  	s13 =	sand.u32 $0x18000, s19  }
0x68: {  	s13 =	sshrl.u32 s13, $0x2  }
0x69: {  	s12 =	simm.s32 $0x20000;
	s13 =	sadd.s32 $0x2800, s13  }
0x6a: {  	[spmem:s17] =	stream.indirect.scatter.add.f32 [tilespmem:s13], [sflag:$0x2], $0x40, s18, s5, $0xb8;
	[tilespmem:$0x1E800] =	vst v63  }
0x6b: {  	s14 =	simm.s32 $0x1480;
	s13 =	simm.s32 $0x200;
	_ =	swait.ge [sflag:s4], $0x2000  }
.LBB2_4:
0x6c: {  	[sflag:s4] =	ssyncset.done $0x0  }
0x6d: {  	s11 =	sadd.s32 $0x1, s11;
	s15 =	smov.u32 s12;
	s12 =	sadd.s32 $0x8000, s12  }
0x6e: {  	p1 =	sgt.u32 s11, $0x24;
	p0 =	sne.s32 s12, $0x158000;
	[sflag:s4] =	ssyncadd.s32 $0xFFFFE000  }
0x6f: {  	_ =	swait.ge [sflag:s9], $0x2000;
	s18 =	sand.u32 @!p1 $0x18000, s15;
	s19 =	simm.s32 @!p1 $0x80  }
0x70: {  	s15 =	sadd.s32 $0xFFFE8000, s15;
	[sflag:s9] =	ssyncset.done $0x0;
	s18 =	sshrl.u32 @!p1 s18, $0x2  }
0x71: {  	s15 =	sand.u32 $0x18000, s15;
	[sflag:s9] =	ssyncadd.s32 $0xFFFFE000;
	s18 =	sadd.s32 @!p1 $0x2800, s18  }
0x72: {  	[tilespmem:s18], [sflag:$0x1] =	stream.indirect.gather @!p1 [spmem:s20], $0x40, s13, s19, $0xb8;
	[tilespmem:$0x1E800] =	vst v63  }
.Ltmp1:
0x73: {  	_ = 	snop;
	(pc) =	sbr.rel @p0 .LBB2_4-.Ltmp1, $4  }
0x74: {  	s15 =	sshrl.u32 s15, $0x2  }
0x75: {  	s15 =	sadd.s32 $0x2800, s15  }
0x76: {  	[spmem:s17] =	stream.indirect.scatter.add.f32 [tilespmem:s15], [sflag:$0x2], $0x40, s14, s5, $0xb8;
	[tilespmem:$0x1E800] =	vst v63  }
0x77: {  	s13 =	sadd.s32 $0x80, s13;
	s14 =	sadd.s32 $0x80, s14;
	_ =	swait.ge [sflag:s4], $0x2000  }
0x78: {  	[sflag:s4] =	ssyncset.done $0x0  }
0x79: {  	s11 =	simm.s32 $0x0;
	s12 =	rddreg [dreg:$0x7];
	[sflag:s4] =	ssyncadd.s32 $0xFFFFE000  }
0x7a: {  	[tilespmem:s11], [sflag:$0x2] =	stream.linear.gather [hbm4b:s12+s11], $0x1400, $0x38;
	[tilespmem:$0x1E800] =	vst v63  }
0x7b: {  	_ =	swait.ge [sflag:s4], $0x1400  }
0x7c: {  	[sflag:s4] =	ssyncset.done $0x0  }
0x7d: {  	s12 =	simm.s32 $0x1400;
	s13 =	rddreg [dreg:$0x8];
	[sflag:s4] =	ssyncadd.s32 $0xFFFFEC00  }
0x7e: {  	[tilespmem:s12], [sflag:$0x2] =	stream.linear.gather [hbm4b:s13+s11], $0x1400, $0x38;
	[tilespmem:$0x1E800] =	vst v63  }
0x7f: {  	_ =	swait.ge [sflag:s4], $0x1400  }
0x80: {  	[sflag:s4] =	ssyncset.done $0x0  }
0x81: {  	[sflag:s4] =	ssyncadd.s32 $0xFFFFEC00  }
0x82: {  	[tilespmem:s3], [sflag:$0x1] =	stream.indirect.gather [spmem:s20], $0x40, s11, s5, $0xb8;
	[tilespmem:$0x1E800] =	vst v63  }
0x83: {  	s14 =	simm.s32 $0x180  }
0x84: {  	[tilespmem:s6], [sflag:$0x1] =	stream.indirect.gather [spmem:s20], $0x40, s5, s5, $0xb8;
	[tilespmem:$0x1E800] =	vst v63  }
0x85: {  	p0 =	por $0x0, $0x0;
	s18 =	simm.s32 $0x0;
	s13 =	simm.s32 $0x18000  }
0x86: {  	[tilespmem:s8], [sflag:$0x1] =	stream.indirect.gather [spmem:s20], $0x40, s7, s5, $0xb8;
	[tilespmem:$0x1E800] =	vst v63  }
0x87: {  	s15 =	simm.s32 @!p0 $0x80;
	s13 =	sand.u32 @!p0 $0x18000, s13;
	_ =	swait.ge [sflag:s9], $0x2000  }
0x88: {  	s18 =	sand.u32 $0x18000, s18;
	s13 =	sshrl.u32 @!p0 s13, $0x2;
	[sflag:s9] =	ssyncset.done $0x0  }
0x89: {  	s19 =	sshrl.u32 s18, $0x2;
	s13 =	sadd.s32 @!p0 $0x2800, s13;
	[sflag:s9] =	ssyncadd.s32 $0xFFFFE000  }
0x8a: {  	[tilespmem:s13], [sflag:$0x1] =	stream.indirect.gather @!p0 [spmem:s20], $0x40, s14, s15, $0xb8;
	[tilespmem:$0x1E800] =	vst v63  }
0x8b: {  	s13 =	sadd.s32 $0x2800, s19;
	s14 =	simm.s32 $0x1480  }
0x8c: {  	[spmem:s17] =	stream.indirect.scatter.add.f32 [tilespmem:s13], [sflag:$0x2], $0x40, s12, s5, $0xb8;
	[tilespmem:$0x1E800] =	vst v63  }
0x8d: {  	s12 =	simm.s32 $0x20000;
	s13 =	simm.s32 $0x200;
	_ =	swait.ge [sflag:s4], $0x2000  }
.LBB2_6:
0x8e: {  	[sflag:s4] =	ssyncset.done $0x0  }
0x8f: {  	s11 =	sadd.s32 $0x1, s11;
	s15 =	smov.u32 s12;
	s12 =	sadd.s32 $0x8000, s12  }
0x90: {  	p1 =	sgt.u32 s11, $0x24;
	p0 =	sne.s32 s12, $0x158000;
	[sflag:s4] =	ssyncadd.s32 $0xFFFFE000  }
0x91: {  	_ =	swait.ge [sflag:s9], $0x2000;
	s18 =	sand.u32 @!p1 $0x18000, s15;
	s19 =	simm.s32 @!p1 $0x80  }
0x92: {  	s15 =	sadd.s32 $0xFFFE8000, s15;
	[sflag:s9] =	ssyncset.done $0x0;
	s18 =	sshrl.u32 @!p1 s18, $0x2  }
0x93: {  	s15 =	sand.u32 $0x18000, s15;
	[sflag:s9] =	ssyncadd.s32 $0xFFFFE000;
	s18 =	sadd.s32 @!p1 $0x2800, s18  }
0x94: {  	[tilespmem:s18], [sflag:$0x1] =	stream.indirect.gather @!p1 [spmem:s20], $0x40, s13, s19, $0xb8;
	[tilespmem:$0x1E800] =	vst v63  }
.Ltmp2:
0x95: {  	_ = 	snop;
	(pc) =	sbr.rel @p0 .LBB2_6-.Ltmp2, $4  }
0x96: {  	s15 =	sshrl.u32 s15, $0x2  }
0x97: {  	s15 =	sadd.s32 $0x2800, s15  }
0x98: {  	[spmem:s17] =	stream.indirect.scatter.add.f32 [tilespmem:s15], [sflag:$0x2], $0x40, s14, s5, $0xb8;
	[tilespmem:$0x1E800] =	vst v63  }
0x99: {  	s13 =	sadd.s32 $0x80, s13;
	s14 =	sadd.s32 $0x80, s14;
	_ =	swait.ge [sflag:s4], $0x2000  }
0x9a: {  	[sflag:s4] =	ssyncset.done $0x0  }
0x9b: {  	s11 =	simm.s32 $0x0;
	s12 =	rddreg [dreg:$0x9];
	[sflag:s4] =	ssyncadd.s32 $0xFFFFE000  }
0x9c: {  	[tilespmem:s11], [sflag:$0x2] =	stream.linear.gather [hbm4b:s12+s11], $0x1400, $0x38;
	[tilespmem:$0x1E800] =	vst v63  }
0x9d: {  	_ =	swait.ge [sflag:s4], $0x1400  }
0x9e: {  	[sflag:s4] =	ssyncset.done $0x0  }
0x9f: {  	s12 =	simm.s32 $0x1400;
	s13 =	rddreg [dreg:$0xa];
	[sflag:s4] =	ssyncadd.s32 $0xFFFFEC00  }
0xa0: {  	[tilespmem:s12], [sflag:$0x2] =	stream.linear.gather [hbm4b:s13+s11], $0x1400, $0x38;
	[tilespmem:$0x1E800] =	vst v63  }
0xa1: {  	_ =	swait.ge [sflag:s4], $0x1400  }
0xa2: {  	[sflag:s4] =	ssyncset.done $0x0  }
0xa3: {  	[sflag:s4] =	ssyncadd.s32 $0xFFFFEC00  }
0xa4: {  	[tilespmem:s3], [sflag:$0x1] =	stream.indirect.gather [spmem:s20], $0x40, s11, s5, $0xb8;
	[tilespmem:$0x1E800] =	vst v63  }
0xa5: {  	s14 =	simm.s32 $0x180  }
0xa6: {  	[tilespmem:s6], [sflag:$0x1] =	stream.indirect.gather [spmem:s20], $0x40, s5, s5, $0xb8;
	[tilespmem:$0x1E800] =	vst v63  }
0xa7: {  	p0 =	por $0x0, $0x0;
	s18 =	simm.s32 $0x0;
	s13 =	simm.s32 $0x18000  }
0xa8: {  	[tilespmem:s8], [sflag:$0x1] =	stream.indirect.gather [spmem:s20], $0x40, s7, s5, $0xb8;
	[tilespmem:$0x1E800] =	vst v63  }
0xa9: {  	s15 =	simm.s32 @!p0 $0x80;
	s13 =	sand.u32 @!p0 $0x18000, s13;
	_ =	swait.ge [sflag:s9], $0x2000  }
0xaa: {  	s18 =	sand.u32 $0x18000, s18;
	s13 =	sshrl.u32 @!p0 s13, $0x2;
	[sflag:s9] =	ssyncset.done $0x0  }
0xab: {  	s19 =	sshrl.u32 s18, $0x2;
	s13 =	sadd.s32 @!p0 $0x2800, s13;
	[sflag:s9] =	ssyncadd.s32 $0xFFFFE000  }
0xac: {  	[tilespmem:s13], [sflag:$0x1] =	stream.indirect.gather @!p0 [spmem:s20], $0x40, s14, s15, $0xb8;
	[tilespmem:$0x1E800] =	vst v63  }
0xad: {  	s13 =	sadd.s32 $0x2800, s19;
	s14 =	simm.s32 $0x1480  }
0xae: {  	[spmem:s17] =	stream.indirect.scatter.add.f32 [tilespmem:s13], [sflag:$0x2], $0x40, s12, s5, $0xb8;
	[tilespmem:$0x1E800] =	vst v63  }
0xaf: {  	s12 =	simm.s32 $0x20000;
	s13 =	simm.s32 $0x200;
	_ =	swait.ge [sflag:s4], $0x2000  }
.LBB2_8:
0xb0: {  	[sflag:s4] =	ssyncset.done $0x0  }
0xb1: {  	s11 =	sadd.s32 $0x1, s11;
	s15 =	smov.u32 s12;
	s12 =	sadd.s32 $0x8000, s12  }
0xb2: {  	p1 =	sgt.u32 s11, $0x24;
	p0 =	sne.s32 s12, $0x158000;
	[sflag:s4] =	ssyncadd.s32 $0xFFFFE000  }
0xb3: {  	_ =	swait.ge [sflag:s9], $0x2000;
	s18 =	sand.u32 @!p1 $0x18000, s15;
	s19 =	simm.s32 @!p1 $0x80  }
0xb4: {  	s15 =	sadd.s32 $0xFFFE8000, s15;
	[sflag:s9] =	ssyncset.done $0x0;
	s18 =	sshrl.u32 @!p1 s18, $0x2  }
0xb5: {  	s15 =	sand.u32 $0x18000, s15;
	[sflag:s9] =	ssyncadd.s32 $0xFFFFE000;
	s18 =	sadd.s32 @!p1 $0x2800, s18  }
0xb6: {  	[tilespmem:s18], [sflag:$0x1] =	stream.indirect.gather @!p1 [spmem:s20], $0x40, s13, s19, $0xb8;
	[tilespmem:$0x1E800] =	vst v63  }
.Ltmp3:
0xb7: {  	_ = 	snop;
	(pc) =	sbr.rel @p0 .LBB2_8-.Ltmp3, $4  }
0xb8: {  	s15 =	sshrl.u32 s15, $0x2  }
0xb9: {  	s15 =	sadd.s32 $0x2800, s15  }
0xba: {  	[spmem:s17] =	stream.indirect.scatter.add.f32 [tilespmem:s15], [sflag:$0x2], $0x40, s14, s5, $0xb8;
	[tilespmem:$0x1E800] =	vst v63  }
0xbb: {  	s13 =	sadd.s32 $0x80, s13;
	s14 =	sadd.s32 $0x80, s14;
	_ =	swait.ge [sflag:s4], $0x2000  }
0xbc: {  	[sflag:s4] =	ssyncset.done $0x0  }
0xbd: {  	s11 =	simm.s32 $0x0;
	s12 =	rddreg [dreg:$0xb];
	[sflag:s4] =	ssyncadd.s32 $0xFFFFE000  }
0xbe: {  	[tilespmem:s11], [sflag:$0x2] =	stream.linear.gather [hbm4b:s12+s11], $0x1400, $0x38;
	[tilespmem:$0x1E800] =	vst v63  }
0xbf: {  	_ =	swait.ge [sflag:s4], $0x1400  }
0xc0: {  	[sflag:s4] =	ssyncset.done $0x0  }
0xc1: {  	s12 =	simm.s32 $0x1400;
	s13 =	rddreg [dreg:$0xc];
	[sflag:s4] =	ssyncadd.s32 $0xFFFFEC00  }
0xc2: {  	[tilespmem:s12], [sflag:$0x2] =	stream.linear.gather [hbm4b:s13+s11], $0x1400, $0x38;
	[tilespmem:$0x1E800] =	vst v63  }
0xc3: {  	_ =	swait.ge [sflag:s4], $0x1400  }
0xc4: {  	[sflag:s4] =	ssyncset.done $0x0  }
0xc5: {  	[sflag:s4] =	ssyncadd.s32 $0xFFFFEC00  }
0xc6: {  	[tilespmem:s3], [sflag:$0x1] =	stream.indirect.gather [spmem:s20], $0x40, s11, s5, $0xb8;
	[tilespmem:$0x1E800] =	vst v63  }
0xc7: {  	s14 =	simm.s32 $0x180  }
0xc8: {  	[tilespmem:s6], [sflag:$0x1] =	stream.indirect.gather [spmem:s20], $0x40, s5, s5, $0xb8;
	[tilespmem:$0x1E800] =	vst v63  }
0xc9: {  	p0 =	por $0x0, $0x0;
	s18 =	simm.s32 $0x0;
	s13 =	simm.s32 $0x18000  }
0xca: {  	[tilespmem:s8], [sflag:$0x1] =	stream.indirect.gather [spmem:s20], $0x40, s7, s5, $0xb8;
	[tilespmem:$0x1E800] =	vst v63  }
0xcb: {  	s15 =	simm.s32 @!p0 $0x80;
	s13 =	sand.u32 @!p0 $0x18000, s13;
	_ =	swait.ge [sflag:s9], $0x2000  }
0xcc: {  	s18 =	sand.u32 $0x18000, s18;
	s13 =	sshrl.u32 @!p0 s13, $0x2;
	[sflag:s9] =	ssyncset.done $0x0  }
0xcd: {  	s19 =	sshrl.u32 s18, $0x2;
	s13 =	sadd.s32 @!p0 $0x2800, s13;
	[sflag:s9] =	ssyncadd.s32 $0xFFFFE000  }
0xce: {  	[tilespmem:s13], [sflag:$0x1] =	stream.indirect.gather @!p0 [spmem:s20], $0x40, s14, s15, $0xb8;
	[tilespmem:$0x1E800] =	vst v63  }
0xcf: {  	s13 =	sadd.s32 $0x2800, s19;
	s14 =	simm.s32 $0x1480  }
0xd0: {  	[spmem:s17] =	stream.indirect.scatter.add.f32 [tilespmem:s13], [sflag:$0x2], $0x40, s12, s5, $0xb8;
	[tilespmem:$0x1E800] =	vst v63  }
0xd1: {  	s12 =	simm.s32 $0x20000;
	s13 =	simm.s32 $0x200;
	_ =	swait.ge [sflag:s4], $0x2000  }
.LBB2_10:
0xd2: {  	[sflag:s4] =	ssyncset.done $0x0  }
0xd3: {  	s11 =	sadd.s32 $0x1, s11;
	s15 =	smov.u32 s12;
	s12 =	sadd.s32 $0x8000, s12  }
0xd4: {  	p1 =	sgt.u32 s11, $0x24;
	p0 =	sne.s32 s12, $0x158000;
	[sflag:s4] =	ssyncadd.s32 $0xFFFFE000  }
0xd5: {  	_ =	swait.ge [sflag:s9], $0x2000;
	s18 =	sand.u32 @!p1 $0x18000, s15;
	s19 =	simm.s32 @!p1 $0x80  }
0xd6: {  	s15 =	sadd.s32 $0xFFFE8000, s15;
	[sflag:s9] =	ssyncset.done $0x0;
	s18 =	sshrl.u32 @!p1 s18, $0x2  }
0xd7: {  	s15 =	sand.u32 $0x18000, s15;
	[sflag:s9] =	ssyncadd.s32 $0xFFFFE000;
	s18 =	sadd.s32 @!p1 $0x2800, s18  }
0xd8: {  	[tilespmem:s18], [sflag:$0x1] =	stream.indirect.gather @!p1 [spmem:s20], $0x40, s13, s19, $0xb8;
	[tilespmem:$0x1E800] =	vst v63  }
.Ltmp4:
0xd9: {  	_ = 	snop;
	(pc) =	sbr.rel @p0 .LBB2_10-.Ltmp4, $4  }
0xda: {  	s15 =	sshrl.u32 s15, $0x2  }
0xdb: {  	s15 =	sadd.s32 $0x2800, s15  }
0xdc: {  	[spmem:s17] =	stream.indirect.scatter.add.f32 [tilespmem:s15], [sflag:$0x2], $0x40, s14, s5, $0xb8;
	[tilespmem:$0x1E800] =	vst v63  }
0xdd: {  	s13 =	sadd.s32 $0x80, s13;
	s14 =	sadd.s32 $0x80, s14;
	_ =	swait.ge [sflag:s4], $0x2000  }
0xde: {  	[sflag:s4] =	ssyncset.done $0x0  }
0xdf: {  	[sflag:s4] =	ssyncadd.s32 $0xFFFFE000  }
0xe0: {  	[bflag:$0x0] =	sbarrier.arrive $0xFFFF  }
0xe1: {  	s11 =	sshrl.u32 s24, $0x3;
	s12 =	rddreg [dreg:$0xd]  }
0xe2: {  	[hbm:s12], [sflag:s10] =	dma.local [spmem:s11], $0x400  }
0xe3: {  	_ =	swait.ge [sflag:s4], $0x400  }
0xe4: {  	[sflag:s4] =	ssyncset.done $0x0  }
0xe5: {  	s12 =	sshrl.u32 s25, $0x3;
	s13 =	rddreg [dreg:$0x13];
	[sflag:s4] =	ssyncadd.s32 $0xFFFFFC00  }
0xe6: {  	[hbm:s13], [sflag:s10] =	dma.local [spmem:s12], $0x400  }
0xe7: {  	_ =	swait.ge [sflag:s4], $0x400  }
0xe8: {  	[sflag:s4] =	ssyncset.done $0x0  }
0xe9: {  	s14 =	sshrl.u32 s26, $0x3;
	s15 =	rddreg [dreg:$0x14];
	[sflag:s4] =	ssyncadd.s32 $0xFFFFFC00  }
0xea: {  	[hbm:s15], [sflag:s10] =	dma.local [spmem:s14], $0x400  }
0xeb: {  	_ =	swait.ge [sflag:s4], $0x400  }
0xec: {  	[sflag:s4] =	ssyncset.done $0x0  }
0xed: {  	s18 =	sshrl.u32 s28, $0x3;
	[sflag:s4] =	ssyncadd.s32 $0xFFFFFC00  }
0xee: {  	[hbm:s21], [sflag:s10] =	dma.local [spmem:s18], $0x400  }
0xef: {  	s1 =	sadd.s32 $0x1, s1;
	_ =	swait.ge [sflag:s4], $0x400  }
0xf0: {  	p0 =	sne.s32 s1, s23;
	[sflag:s4] =	ssyncset.done $0x0  }
.Ltmp5:
0xf1: {  	s19 =	sshrl.u32 s29, $0x3;
	[sflag:s4] =	ssyncadd.s32 $0xFFFFFC00;
	(pc) =	sbr.rel @p0 .LBB2_1-.Ltmp5, $4  }
0xf2: {  	[hbm:s22], [sflag:s10] =	dma.local [spmem:s19], $0x400  }
0xf3: {  	_ =	swait.ge [sflag:s4], $0x400  }
0xf4: {  	[sflag:s4] =	ssyncset.done $0x0  }
0xf5: {  	[sflag:s4] =	ssyncadd.s32 $0xFFFFFC00  }
0xf6: {  	_ =	sfence.sel $0x180000  }
0xf7: {  	[bflag:$0x0] =	sbarrier.arrive $0xFFFF  }
0xf8: {  	_ =	strace $0x9000004A  }
0xf9: {  	s0 =	stileid.u32;
	[bflag:$0x2] =	sbarrier.arrive $0xFFFF  }
0xfa: {  	p0 =	sne.s32 s0, $0x0;
	s0 =	rddreg [dreg:$0x4]  }
0xfb: {  	s0 =	sadd.s32 @!p0 $0x100000, s0  }
0xfc: {  	[sflag:s0] =	ssyncadd.tile.s32 @!p0 $0x1;
	_ =	shalt  }
.Lfunc_end2:
_tile_overlayer_lowered:
.L_overlay_start_2:
0xfd: {  	(tag) =	ssettag $0x2  }
0xfe: {  	s0 =	rddreg [dreg:$0x0];
	s2 =	stileid.u32  }
0xff: {  	s1 =	rddreg [dreg:$0x1];
	p0 =	sne.s32 s2, $0x0  }
0x100: {  	s3 =	rddreg [dreg:$0x2];
	[bflag:$0x3] =	sbarrier.arrive $0xFFFF;
	s2 =	simm.s32 @!p0 $0x1C02  }
0x101: {  	[timem:s3], [sflag:s2] =	dma.local @!p0 [hbm:s0], s1  }
0x102: {  	s0 =	simm.s32 @!p0 $0x2  }
0x103: {  	_ =	swait.ge @!p0 [sflag:s0], s1  }
0x104: {  	s1 =	ssub.s32 @!p0 $0x0, s1;
	[sflag:s0] =	ssyncset.done @!p0 $0x0  }
0x105: {  	[sflag:s0] =	ssyncadd.s32 @!p0 s1  }
0x106: {  	[bflag:$0x3] =	sbarrier.arrive $0xFFFF  }
0x107: {  	_ =	shalt  }

// kernel: kernel.14.cloned.1.call-start
scs
__scs_entry_jumppad:
0x0: {  	(pc) =	sbr.rel $0x88, $3  }
0x1: {  	(tag) =	ssettag $0x0;
	lr =	simm.s32 $0x1  }
0x2: {  	[smem:$0x3F9B] =	sst lr;
	_ =	strace $0xD0000000  }
0x3: {  	_ = 	snop  }
0x4: {  	_ = 	snop  }
0x5: {  	_ = 	snop  }
0x6: {  	_ = 	snop  }
0x7: {  	_ = 	snop  }
__scs_overlays_trampoline_lowered:
0x8: {  	[smem:$0x3FAA] =	sst s0  }
0x9: {  	[smem:$0x3FAB] =	sst s1  }
0xa: {  	[smem:$0x3FAC] =	sst s2  }
0xb: {  	[smem:$0x3FAD] =	sst s3  }
0xc: {  	[smem:$0x3FAE] =	sst s4  }
0xd: {  	[smem:$0x3FAF] =	sst s5  }
0xe: {  	[smem:$0x3FB0] =	sst s6  }
0xf: {  	[smem:$0x3FB1] =	sst s7  }
0x10: {  	[smem:$0x3FB2] =	sst s8  }
0x11: {  	[smem:$0x3FB3] =	sst s9;
	s0 =	simm.s32 @!p0 $0x0  }
0x12: {  	s1 =	sld [smem:$0x3F99];
	s0 =	simm.s32 @p0 $0x1  }
0x13: {  	[smem:$0x3FB4] =	sst s0;
	s0 =	simm.s32 @!p1 $0x0  }
0x14: {  	s2 =	sld [smem:$0x3F98];
	s0 =	simm.s32 @p1 $0x1  }
0x15: {  	[smem:$0x3FB5] =	sst s0;
	s0 =	simm.s32 @!p2 $0x0  }
0x16: {  	s3 =	sld [smem:$0x3FDB];
	s0 =	simm.s32 @p2 $0x1  }
0x17: {  	s4 =	simm.s32 $0x1BF5;
	[smem:$0x3FB7] =	sst s0  }
0x18: {  	s0 =	sld [smem:$0x3F9A];
	_ =	swait.ge [sflag:s4], $0x0  }
0x19: {  	s7 =	sld [smem:$0x3F9B]  }
0x1a: {  	s8 =	sadd.s32 $0xFFFFE003, lr  }
0x1b: {  	s9 =	sadd.s32 $0xFFFFFEF7, lr;
	s5 =	simm.s32 $0xFFFFFFFF;
	p2 =	slt.u32 s8, $0xFFFFF086  }
0x1c: {  	p1 =	slt.u32 s9, $0xF7A;
	s5 =	simm.s32 @!p2 $0x0  }
0x1d: {  	s5 =	simm.s32 @p1 $0x1;
	p0 =	seq.s32 s7, s2  }
0x1e: {  	s7 =	smul.u32 @!p0 $0xF7A, s2;
	p2 =	seq.s32 @!p0 s5, $0x0  }
0x1f: {  	s9 =	smul.u32 $0xF7A, s1;
	s8 =	simm.s32 @!p0 $0x1BF5;
	p2 =	por !p2, p0  }
0x20: {  	[sflag:s8] =	ssyncset.s32 @!p0 $0xFFFFF086;
	s6 =	sadd.s32 @!p0 s3, s7;
	s7 =	simm.s32 @!p0 $0x108  }
0x21: {  	s3 =	sadd.s32 s3, s9;
	s6 =	sadd.s32 @!p0 $0x88, s6;
	s7 =	simm.s32 @p2 $0x1082  }
0x22: {  	[simem:s7], [sflag:s8] =	dma.local @!p0 [hbm:s6], $0xF7A  }
0x23: {  	s9 =	sor.u32 $0xD0000000, s2;
	s6 =	simm.s32 $0x108;
	_ =	swait.ge @!p0 [sflag:s8], $0x0  }
0x24: {  	s3 =	sadd.s32 $0x88, s3;
	s6 =	simm.s32 @!p1 $0x1082;
	[sflag:s4] =	ssyncset.s32 $0xFFFFF086  }
0x25: {  	[simem:s6], [sflag:s4] =	dma.local [hbm:s3], $0xF7A  }
0x26: {  	[smem:$0x3F9B] =	sst s1;
	(tag) =	ssettag s2;
	_ =	strace s9  }
0x27: {  	s1 =	sld [smem:$0x3FAB]  }
0x28: {  	s2 =	sld [smem:$0x3FAC]  }
0x29: {  	s4 =	sld [smem:$0x3FAE]  }
0x2a: {  	p0 =	seq.s32 s5, $0x0;
	s5 =	sld [smem:$0x3FAF]  }
0x2b: {  	s6 =	sld [smem:$0x3FB0]  }
0x2c: {  	s7 =	sld [smem:$0x3FB1]  }
0x2d: {  	s3 =	simm.s32 $0x108;
	s8 =	sld [smem:$0x3FB2]  }
0x2e: {  	s3 =	simm.s32 @!p0 $0x1082;
	s9 =	sld [smem:$0x3FB3]  }
0x2f: {  	lr =	sadd.s32 s0, s3;
	s0 =	sld [smem:$0x3FAA]  }
0x30: {  	s3 =	sld [smem:$0x3FAD]  }
0x31: {  	[smem:$0x3FB6] =	sst s10  }
0x32: {  	s10 =	sld [smem:$0x3FB4];
	_ =	sdelay $0x3  }
0x33: {  	p0 =	seq.s32 s10, $0x1;
	s10 =	sld [smem:$0x3FB6];
	_ =	sdelay $0x3  }
0x34: {  	[smem:$0x3FB6] =	sst s10  }
0x35: {  	s10 =	sld [smem:$0x3FB5];
	_ =	sdelay $0x3  }
0x36: {  	p1 =	seq.s32 s10, $0x1;
	s10 =	sld [smem:$0x3FB6];
	_ =	sdelay $0x3  }
0x37: {  	[smem:$0x3FB6] =	sst s10  }
0x38: {  	s10 =	sld [smem:$0x3FB7]  }
0x39: {  	_ = 	snop;
	(pc) =	sbr.ind lr, $3  }
0x3a: {  	_ = 	snop  }
0x3b: {  	_ = 	snop  }
0x3c: {  	p2 =	seq.s32 s10, $0x1;
	s10 =	sld [smem:$0x3FB6]  }
0x3d: {  	_ =	shalt  }
0x3e: {  	_ =	shalt  }
0x3f: {  	_ =	shalt  }
0x40: {  	_ =	shalt  }
0x41: {  	_ =	shalt  }
0x42: {  	_ =	shalt  }
0x43: {  	_ =	shalt  }
0x44: {  	_ =	shalt  }
0x45: {  	_ =	shalt  }
0x46: {  	_ =	shalt  }
0x47: {  	_ =	shalt  }
0x48: {  	_ =	shalt  }
0x49: {  	_ =	shalt  }
0x4a: {  	_ =	shalt  }
0x4b: {  	_ =	shalt  }
0x4c: {  	_ =	shalt  }
0x4d: {  	_ =	shalt  }
0x4e: {  	_ =	shalt  }
0x4f: {  	_ =	shalt  }
0x50: {  	_ =	shalt  }
0x51: {  	_ =	shalt  }
0x52: {  	_ =	shalt  }
0x53: {  	_ =	shalt  }
0x54: {  	_ =	shalt  }
0x55: {  	_ =	shalt  }
0x56: {  	_ =	shalt  }
0x57: {  	_ =	shalt  }
0x58: {  	_ =	shalt  }
0x59: {  	_ =	shalt  }
0x5a: {  	_ =	shalt  }
0x5b: {  	_ =	shalt  }
0x5c: {  	_ =	shalt  }
0x5d: {  	_ =	shalt  }
0x5e: {  	_ =	shalt  }
0x5f: {  	_ =	shalt  }
0x60: {  	_ =	shalt  }
0x61: {  	_ =	shalt  }
0x62: {  	_ =	shalt  }
0x63: {  	_ =	shalt  }
0x64: {  	_ =	shalt  }
0x65: {  	_ =	shalt  }
0x66: {  	_ =	shalt  }
0x67: {  	_ =	shalt  }
0x68: {  	_ =	shalt  }
0x69: {  	_ =	shalt  }
0x6a: {  	_ =	shalt  }
0x6b: {  	_ =	shalt  }
0x6c: {  	_ =	shalt  }
0x6d: {  	_ =	shalt  }
0x6e: {  	_ =	shalt  }
0x6f: {  	_ =	shalt  }
0x70: {  	_ =	shalt  }
0x71: {  	_ =	shalt  }
0x72: {  	_ =	shalt  }
0x73: {  	_ =	shalt  }
0x74: {  	_ =	shalt  }
0x75: {  	_ =	shalt  }
0x76: {  	_ =	shalt  }
0x77: {  	_ =	shalt  }
0x78: {  	_ =	shalt  }
0x79: {  	_ =	shalt  }
0x7a: {  	_ =	shalt  }
0x7b: {  	_ =	shalt  }
0x7c: {  	_ =	shalt  }
0x7d: {  	_ =	shalt  }
0x7e: {  	_ =	shalt  }
0x7f: {  	_ =	shalt  }
0x80: {  	_ =	shalt  }
0x81: {  	_ =	shalt  }
0x82: {  	_ =	shalt  }
0x83: {  	_ =	shalt  }
0x84: {  	_ =	shalt  }
0x85: {  	_ =	shalt  }
0x86: {  	_ =	shalt  }
0x87: {  	_ =	shalt  }
.Lfunc_end0:
.L_simem_size_0:
called_computation.2_lowered:
.L_overlay_start_0:
0x88: {  	s2 =	sld [smem:$0x3FD9]  }
0x89: {  	s3 =	sld [smem:$0x3FFE];
	_ =	sdelay $0x1  }
0x8a: {  	s1 =	srdreg.scid  }
0x8b: {  	s0 =	sand.u32 $0x1, s1  }
0x8c: {  	s17 =	sshll.u32 s0, $0xA;
	s2 =	sadd.s32 s3, s2  }
0x8d: {  	s2 =	sadd.s32 s2, s17  }
0x8e: {  	[smem:$0x3FC2] =	sst s2  }
0x8f: {  	_ = 	snop  }
0x90: {  	s2 =	sld [smem:$0x3FD0];
	(tm) =	ssettm $0x1  }
0x91: {  	s18 =	sld [smem:$0x3FFB];
	_ =	sdelay $0x3  }
0x92: {  	_ =	strace s18  }
0x93: {  	s3 =	sld [smem:$0x3FFC];
	_ =	sdelay $0x3  }
0x94: {  	_ =	strace s3  }
0x95: {  	s3 =	sld [smem:$0x3FFD];
	_ =	sdelay $0x3  }
0x96: {  	_ =	strace s3  }
0x97: {  	_ =	strace $0x8FFFFFFF  }
0x98: {  	s19 =	sld [smem:$0x3FDB];
	_ =	sdelay $0x1  }
0x99: {  	s4 =	simm.s32 $_scs_section_size  }
0x9a: {  	s5 =	simm.s32 $_size__tile_overlayer_lowered;
	s6 =	simm.s32 $_tile_overlayer_lowered  }
0x9b: {  	s22 =	simm.s32 $0x1BFF;
	s21 =	sshll.u32 s6, $0x1;
	s3 =	sadd.s32 s4, s19  }
0x9c: {  	s7 =	simm.s32 $0x0;
	s20 =	sshll.u32 s5, $0x1;
	s5 =	sadd.s32 s21, s3  }
0x9d: {  	[timem:s7], [sflag:s22] =	dma.local [hbm:s5], s20  }
0x9e: {  	_ =	swait.ge [sflag:s22], s20  }
0x9f: {  	s4 =	ssub.s32 $0x0, s20;
	[sflag:s22] =	ssyncset.done $0x0  }
0xa0: {  	[sflag:s22] =	ssyncadd.s32 s4;
	_ =	sdelay $0x1  }
0xa1: {  	s23 =	simm.s32 $0x1B8B  }
0xa2: {  	_ =	swait.ge [sflag:s23], $0x1  }
0xa3: {  	[sflag:s23] =	ssyncset.done $0x0  }
0xa4: {  	s25 =	simm.s32 $0x1B8E;
	s24 =	sld [smem:$0x3FFE];
	[sflag:s23] =	ssyncadd.s32 $0xFFFFFFFF  }
0xa5: {  	s26 =	simm.s32 $execute0_lowered;
	[smem:$0x3FD2] =	sst s25  }
0xa6: {  	s5 =	sshll.u32 s26, $0x1;
	_ =	strace $0x8000004C;
	[dreg:$0x1] =	wrdreg $0xFFFFFFFF  }
0xa7: {  	s28 =	simm.s32 $_size_execute0_lowered;
	s3 =	sadd.s32 s3, s5;
	[dreg:$0x0] =	wrdreg $0x0  }
0xa8: {  	s5 =	sshll.u32 s28, $0x1;
	[dreg:$0x2] =	wrdreg s3  }
0xa9: {  	[dreg:$0x3] =	wrdreg s5  }
0xaa: {  	[dreg:$0x4] =	wrdreg $0xC0  }
0xab: {  	_ =	task [dreg:s7], $0x5FFFF  }
0xac: {  	[dreg:$0x1] =	wrdreg $0xFFFFFFFF  }
0xad: {  	[dreg:$0x0] =	wrdreg $0x60  }
0xae: {  	[dreg:$0x2] =	wrdreg s24  }
0xaf: {  	[dreg:$0x3] =	wrdreg s2  }
0xb0: {  	[dreg:$0x4] =	wrdreg $0xB8000  }
0xb1: {  	[dreg:$0x5] =	wrdreg $0x68000  }
0xb2: {  	[dreg:$0x6] =	wrdreg $0x9  }
0xb3: {  	_ =	task.clear_ibuf [dreg:s7], $0x7FFFF;
	_ =	strace $0x9000004C  }
0xb4: {  	s29 =	simm.s32 $0x9;
	_ =	strace $0x8000004E  }
0xb5: {  	_ =	swait.ge [sflag:s29], $0x1  }
0xb6: {  	[sflag:s29] =	ssyncadd.s32 $0xFFFFFFFF  }
0xb7: {  	_ =	strace $0x9000004E  }
0xb8: {  	_ =	sfence  }
0xb9: {  	s30 =	sld [smem:$0x0];
	_ =	sdelay $0x2  }
0xba: {  	s31 =	sshll.u32 s1, $0xD;
	s1 =	sshrl.u32 s1, $0x2  }
0xbb: {  	s3 =	sand.u32 $0x4000, s31;
	s1 =	sadd.s32 s1, s30  }
0xbc: {  	s0 =	sor.u32 s3, s0;
	s1 =	sshll.u32 s1, $0x11  }
0xbd: {  	s0 =	sor.u32 s1, s0  }
0xbe: {  	s0 =	sadd.s32 $0x8F2B, s0  }
0xbf: {  	[sflag:s0] =	ssyncadd.remote.s32 $0x1  }
0xc0: {  	_ =	sfence.sel $0xFFFF  }
0xc1: {  	[dreg:$0x0] =	wrdreg $0xFFFFFFFF;
	(pc) =	sbr.abs _section_cstart, $3  }
0xc2: {  	[dreg:$0x1] =	wrdreg $0xFFFFFFFF  }
0xc3: {  	_ =	task.clear_ibuf [dreg:s7], $0x2FFFF;
	_ =	strace $0x9FFFFFFF  }
0xc4: {  	(tm) =	ssettm $0x7FFFFFFF  }
0xc5: {  	_ =	shalt  }
tec
execute0_lowered:
.L_overlay_start_1:
0x0: {  	(tag) =	ssettag $0x1  }
0x1: {  	s0 =	rddreg [dreg:$0x0]  }
0x2: {  	s2 =	rddreg [dreg:$0x1]  }
0x3: {  	s17 =	rddreg [dreg:$0x2]  }
0x4: {  	s3 =	srdreg.scid;
	s1 =	simm.s32 $0x0;
	s20 =	rddreg [dreg:$0x3]  }
0x5: {  	s5 =	stileid.u32;
	s3 =	sand.u32 $0x1, s3;
	[smem:$0x7FF] =	sst s1  }
0x6: {  	s5 =	smul.u32 $0x5000, s5;
	s6 =	sadd.s32 $0xBA00, s0;
	s7 =	sadd.s32 $0x1A00, s0  }
0x7: {  	s0 =	sadd.s32 $0x1FA00, s0;
	s4 =	ssub.s32 $0x2, s3;
	s3 =	smul.u32 $0x50000, s3  }
0x8: {  	s8 =	sshrl.u32 s4, $0x1;
	s25 =	sshrl.u32 s5, $0x3;
	s16 =	sadd.s32 $0x1000, s5  }
0x9: {  	s19 =	sadd.s32 $0x3000, s5;
	s4 =	ssub.s32 s4, s8;
	s9 =	sadd.s32 s2, s25  }
0xa: {  	s26 =	sadd.s32 $0x280, s25;
	s10 =	sadd.s32 s7, s25;
	s12 =	sadd.s32 $0x500, s25  }
0xb: {  	s8 =	sadd.s32 $0x780, s25;
	s15 =	sadd.s32 s3, s5;
	[dreg:$0x5] =	wrdreg s9  }
0xc: {  	s23 =	sadd.s32 s3, s16;
	[dreg:$0x6] =	wrdreg s10;
	s11 =	sadd.s32 s2, s26  }
0xd: {  	s28 =	sadd.s32 s19, s17;
	s9 =	sadd.s32 s7, s26;
	[dreg:$0x7] =	wrdreg s11  }
0xe: {  	s13 =	sadd.s32 s2, s12;
	s14 =	sadd.s32 s7, s12;
	[dreg:$0x8] =	wrdreg s9  }
0xf: {  	s2 =	sadd.s32 s2, s8;
	s22 =	sshrl.u32 s15, $0x3;
	[dreg:$0x9] =	wrdreg s13  }
0x10: {  	s7 =	sadd.s32 s7, s8;
	s25 =	sshrl.u32 s23, $0x3;
	[dreg:$0xa] =	wrdreg s14  }
0x11: {  	s12 =	sadd.s32 s3, s19;
	s23 =	smax.u32 s4, $0x1;
	[dreg:$0xb] =	wrdreg s2  }
0x12: {  	s15 =	sadd.s32 s5, s20;
	s4 =	simm.s32 $0x2;
	[dreg:$0xc] =	wrdreg s7  }
0x13: {  	s24 =	sadd.s32 s0, s22;
	s2 =	sadd.s32 s6, s22;
	s8 =	sadd.s32 s6, s25  }
0x14: {  	s9 =	sadd.s32 $0x2000, s5;
	s11 =	sadd.s32 $0x4000, s5;
	[dreg:$0xd] =	wrdreg s24  }
0x15: {  	s12 =	sshrl.u32 s12, $0x3;
	s30 =	sshrl.u32 s15, $0x3;
	[dreg:$0xe] =	wrdreg s2  }
0x16: {  	s7 =	simm.s32 $0x100;
	[dreg:$0xf] =	wrdreg s8;
	s18 =	sadd.s32 s3, s9  }
0x17: {  	s3 =	sadd.s32 s3, s11;
	s26 =	sadd.s32 s6, s12;
	s21 =	sadd.s32 s0, s12  }
0x18: {  	s24 =	sadd.s32 s5, s17;
	s2 =	sadd.s32 s9, s20;
	s29 =	sadd.s32 s11, s17  }
0x19: {  	s5 =	simm.s32 $0x80;
	s8 =	sshrl.u32 s18, $0x3;
	s3 =	sshrl.u32 s3, $0x3  }
0x1a: {  	[dreg:$0x11] =	wrdreg s26;
	s26 =	sadd.s32 s9, s17;
	s18 =	sadd.s32 s19, s20  }
0x1b: {  	s19 =	sadd.s32 s11, s20;
	s9 =	simm.s32 $0x1;
	s13 =	sadd.s32 s6, s8  }
0x1c: {  	s6 =	sadd.s32 s6, s3;
	s14 =	sadd.s32 s0, s8;
	[dreg:$0x10] =	wrdreg s13  }
0x1d: {  	s22 =	sadd.s32 s0, s3;
	s3 =	simm.s32 $0x2800;
	[dreg:$0x12] =	wrdreg s6  }
0x1e: {  	s8 =	simm.s32 $0x4800;
	s13 =	sadd.s32 s0, s25;
	[dreg:$0x14] =	wrdreg s14  }
0x1f: {  	s25 =	sadd.s32 s16, s17;
	s16 =	sadd.s32 s16, s20;
	s0 =	sshrl.u32 s18, $0x3  }
0x20: {  	s6 =	simm.s32 $0x3800;
	[dreg:$0x13] =	wrdreg s13;
	s31 =	sshrl.u32 s16, $0x3  }
0x21: {  	v0 =	vimm.f32 $0.0e+00;
	s16 =	sshrl.u32 s2, $0x3;
	s2 =	sshrl.u32 s19, $0x3;
	_ =	strace $0x8000004D  }
.LBB2_1:
0x22: {  	s10 =	simm.s32 $0x80;
	s11 =	simm.s32 $0x0  }
.LBB2_2:
0x23: {  	p0 =	sne.s32 s10, $0x3F80;
	[tilespmem:s11+$0x2800] =	vst v0;
	s12 =	smov.u32 s10;
	s10 =	sadd.s32 $0x80, s10  }
.Ltmp0:
0x24: {  	[tilespmem:s11+$0x2810] =	vst v0;
	(pc) =	sbr.rel @p0 .LBB2_2-.Ltmp0, $2  }
0x25: {  	_ =	sdelay $0x2  }
0x26: {  	s11 =	sshra.s32 s12, $0x2  }
0x27: {  	[tilespmem:s11+$0x2800] =	vst v0  }
0x28: {  	[tilespmem:s11+$0x2810] =	vst v0  }
0x29: {  	[spmem:s24] =	stream.linear.scatter [tilespmem:s3], [sflag:$0x2], $0x1000, $0x38;
	[tilespmem:$0x10800] =	vst v63  }
0x2a: {  	s10 =	stileid.u32;
	_ =	swait.ge [sflag:s4], $0x1000  }
0x2b: {  	s10 =	sshll.u32 s10, $0x6;
	[sflag:s4] =	ssyncset.done $0x0  }
0x2c: {  	s10 =	sor.u32 $0x1C02, s10;
	s19 =	rddreg [dreg:$0xe];
	[sflag:s4] =	ssyncadd.s32 $0xFFFFF000  }
0x2d: {  	[spmem:s30], [sflag:s10] =	dma.local [hbm:s19], $0x200  }
0x2e: {  	_ =	swait.ge [sflag:s4], $0x200  }
0x2f: {  	[sflag:s4] =	ssyncset.done $0x0  }
0x30: {  	[sflag:s4] =	ssyncadd.s32 $0xFFFFFE00  }
0x31: {  	[spmem:s25] =	stream.linear.scatter [tilespmem:s3], [sflag:$0x2], $0x1000, $0x38;
	[tilespmem:$0x10800] =	vst v63  }
0x32: {  	_ =	swait.ge [sflag:s4], $0x1000  }
0x33: {  	[sflag:s4] =	ssyncset.done $0x0  }
0x34: {  	s12 =	rddreg [dreg:$0xf];
	[sflag:s4] =	ssyncadd.s32 $0xFFFFF000  }
0x35: {  	[spmem:s31], [sflag:s10] =	dma.local [hbm:s12], $0x200  }
0x36: {  	_ =	swait.ge [sflag:s4], $0x200  }
0x37: {  	[sflag:s4] =	ssyncset.done $0x0  }
0x38: {  	[sflag:s4] =	ssyncadd.s32 $0xFFFFFE00  }
0x39: {  	[spmem:s26] =	stream.linear.scatter [tilespmem:s3], [sflag:$0x2], $0x1000, $0x38;
	[tilespmem:$0x10800] =	vst v63  }
0x3a: {  	_ =	swait.ge [sflag:s4], $0x1000  }
0x3b: {  	[sflag:s4] =	ssyncset.done $0x0  }
0x3c: {  	s13 =	rddreg [dreg:$0x10];
	[sflag:s4] =	ssyncadd.s32 $0xFFFFF000  }
0x3d: {  	[spmem:s16], [sflag:s10] =	dma.local [hbm:s13], $0x200  }
0x3e: {  	_ =	swait.ge [sflag:s4], $0x200  }
0x3f: {  	[sflag:s4] =	ssyncset.done $0x0  }
0x40: {  	[sflag:s4] =	ssyncadd.s32 $0xFFFFFE00  }
0x41: {  	[spmem:s28] =	stream.linear.scatter [tilespmem:s3], [sflag:$0x2], $0x1000, $0x38;
	[tilespmem:$0x10800] =	vst v63  }
0x42: {  	_ =	swait.ge [sflag:s4], $0x1000  }
0x43: {  	[sflag:s4] =	ssyncset.done $0x0  }
0x44: {  	s14 =	rddreg [dreg:$0x11];
	[sflag:s4] =	ssyncadd.s32 $0xFFFFF000  }
0x45: {  	[spmem:s0], [sflag:s10] =	dma.local [hbm:s14], $0x200  }
0x46: {  	_ =	swait.ge [sflag:s4], $0x200  }
0x47: {  	[sflag:s4] =	ssyncset.done $0x0  }
0x48: {  	[sflag:s4] =	ssyncadd.s32 $0xFFFFFE00  }
0x49: {  	[spmem:s29] =	stream.linear.scatter [tilespmem:s3], [sflag:$0x2], $0x1000, $0x38;
	[tilespmem:$0x10800] =	vst v63  }
0x4a: {  	_ =	swait.ge [sflag:s4], $0x1000  }
0x4b: {  	[sflag:s4] =	ssyncset.done $0x0  }
0x4c: {  	s15 =	rddreg [dreg:$0x12];
	[sflag:s4] =	ssyncadd.s32 $0xFFFFF000  }
0x4d: {  	[spmem:s2], [sflag:s10] =	dma.local [hbm:s15], $0x200  }
0x4e: {  	_ =	swait.ge [sflag:s4], $0x200  }
0x4f: {  	[sflag:s4] =	ssyncset.done $0x0  }
0x50: {  	[sflag:s4] =	ssyncadd.s32 $0xFFFFFE00  }
0x51: {  	[bflag:$0x0] =	sbarrier.arrive $0xFFFF  }
0x52: {  	s11 =	simm.s32 $0x0;
	s12 =	rddreg [dreg:$0x5]  }
0x53: {  	[tilespmem:s11], [sflag:$0x2] =	stream.linear.gather [hbm4b:s12+s11], $0x1400, $0x38;
	[tilespmem:$0x10800] =	vst v63  }
0x54: {  	_ =	swait.ge [sflag:s4], $0x1400  }
0x55: {  	[sflag:s4] =	ssyncset.done $0x0  }
0x56: {  	s18 =	simm.s32 $0x1400;
	s13 =	rddreg [dreg:$0x6];
	[sflag:s4] =	ssyncadd.s32 $0xFFFFEC00  }
0x57: {  	[tilespmem:s18], [sflag:$0x2] =	stream.linear.gather [hbm4b:s13+s11], $0x1400, $0x38;
	[tilespmem:$0x10800] =	vst v63  }
0x58: {  	_ =	swait.ge [sflag:s4], $0x1400  }
0x59: {  	[sflag:s4] =	ssyncset.done $0x0  }
0x5a: {  	[sflag:s4] =	ssyncadd.s32 $0xFFFFEC00  }
0x5b: {  	[tilespmem:s3], [sflag:$0x1] =	stream.indirect.gather [spmem:s20], $0x20, s11, s5, $0xb8;
	[tilespmem:$0x10800] =	vst v63  }
0x5c: {  	_ = 	snop  }
0x5d: {  	[tilespmem:s6], [sflag:$0x1] =	stream.indirect.gather [spmem:s20], $0x20, s5, s5, $0xb8;
	[tilespmem:$0x10800] =	vst v63  }
0x5e: {  	p0 =	por $0x0, $0x0;
	s13 =	simm.s32 $0xC000  }
0x5f: {  	[tilespmem:s8], [sflag:$0x1] =	stream.indirect.gather [spmem:s20], $0x20, s7, s5, $0xb8;
	[tilespmem:$0x10800] =	vst v63  }
0x60: {  	s19 =	simm.s32 $0x0;
	s13 =	sand.u32 @!p0 $0xC000, s13;
	_ =	swait.ge [sflag:s9], $0x1000  }
0x61: {  	s14 =	simm.s32 $0x180;
	s13 =	sshrl.u32 @!p0 s13, $0x2;
	[sflag:s9] =	ssyncset.done $0x0  }
0x62: {  	s15 =	simm.s32 @!p0 $0x80;
	s13 =	sadd.s32 @!p0 $0x2800, s13;
	[sflag:s9] =	ssyncadd.s32 $0xFFFFF000  }
0x63: {  	[tilespmem:s13], [sflag:$0x1] =	stream.indirect.gather @!p0 [spmem:s20], $0x20, s14, s15, $0xb8;
	[tilespmem:$0x10800] =	vst v63  }
0x64: {  	s13 =	sand.u32 $0xC000, s19  }
0x65: {  	s13 =	sshrl.u32 s13, $0x2  }
0x66: {  	s12 =	simm.s32 $0x10000;
	s13 =	sadd.s32 $0x2800, s13  }
0x67: {  	[spmem:s17] =	stream.indirect.scatter.add.f32 [tilespmem:s13], [sflag:$0x2], $0x20, s18, s5, $0xb8;
	[tilespmem:$0x10800] =	vst v63  }
0x68: {  	s14 =	simm.s32 $0x1480;
	s13 =	simm.s32 $0x200;
	_ =	swait.ge [sflag:s4], $0x1000  }
.LBB2_4:
0x69: {  	[sflag:s4] =	ssyncset.done $0x0  }
0x6a: {  	s11 =	sadd.s32 $0x1, s11;
	s15 =	smov.u32 s12;
	s12 =	sadd.s32 $0x4000, s12  }
0x6b: {  	p1 =	sgt.u32 s11, $0x24;
	p0 =	sne.s32 s12, $0xAC000;
	[sflag:s4] =	ssyncadd.s32 $0xFFFFF000  }
0x6c: {  	_ =	swait.ge [sflag:s9], $0x1000;
	s18 =	sand.u32 @!p1 $0xC000, s15;
	s19 =	simm.s32 @!p1 $0x80  }
0x6d: {  	s15 =	sadd.s32 $0xFFFF4000, s15;
	[sflag:s9] =	ssyncset.done $0x0;
	s18 =	sshrl.u32 @!p1 s18, $0x2  }
0x6e: {  	s15 =	sand.u32 $0xC000, s15;
	[sflag:s9] =	ssyncadd.s32 $0xFFFFF000;
	s18 =	sadd.s32 @!p1 $0x2800, s18  }
0x6f: {  	[tilespmem:s18], [sflag:$0x1] =	stream.indirect.gather @!p1 [spmem:s20], $0x20, s13, s19, $0xb8;
	[tilespmem:$0x10800] =	vst v63  }
.Ltmp1:
0x70: {  	_ = 	snop;
	(pc) =	sbr.rel @p0 .LBB2_4-.Ltmp1, $4  }
0x71: {  	s15 =	sshrl.u32 s15, $0x2  }
0x72: {  	s15 =	sadd.s32 $0x2800, s15  }
0x73: {  	[spmem:s17] =	stream.indirect.scatter.add.f32 [tilespmem:s15], [sflag:$0x2], $0x20, s14, s5, $0xb8;
	[tilespmem:$0x10800] =	vst v63  }
0x74: {  	s13 =	sadd.s32 $0x80, s13;
	s14 =	sadd.s32 $0x80, s14;
	_ =	swait.ge [sflag:s4], $0x1000  }
0x75: {  	[sflag:s4] =	ssyncset.done $0x0  }
0x76: {  	s11 =	simm.s32 $0x0;
	s12 =	rddreg [dreg:$0x7];
	[sflag:s4] =	ssyncadd.s32 $0xFFFFF000  }
0x77: {  	[tilespmem:s11], [sflag:$0x2] =	stream.linear.gather [hbm4b:s12+s11], $0x1400, $0x38;
	[tilespmem:$0x10800] =	vst v63  }
0x78: {  	_ =	swait.ge [sflag:s4], $0x1400  }
0x79: {  	[sflag:s4] =	ssyncset.done $0x0  }
0x7a: {  	s12 =	simm.s32 $0x1400;
	s13 =	rddreg [dreg:$0x8];
	[sflag:s4] =	ssyncadd.s32 $0xFFFFEC00  }
0x7b: {  	[tilespmem:s12], [sflag:$0x2] =	stream.linear.gather [hbm4b:s13+s11], $0x1400, $0x38;
	[tilespmem:$0x10800] =	vst v63  }
0x7c: {  	_ =	swait.ge [sflag:s4], $0x1400  }
0x7d: {  	[sflag:s4] =	ssyncset.done $0x0  }
0x7e: {  	[sflag:s4] =	ssyncadd.s32 $0xFFFFEC00  }
0x7f: {  	[tilespmem:s3], [sflag:$0x1] =	stream.indirect.gather [spmem:s20], $0x20, s11, s5, $0xb8;
	[tilespmem:$0x10800] =	vst v63  }
0x80: {  	s14 =	simm.s32 $0x180  }
0x81: {  	[tilespmem:s6], [sflag:$0x1] =	stream.indirect.gather [spmem:s20], $0x20, s5, s5, $0xb8;
	[tilespmem:$0x10800] =	vst v63  }
0x82: {  	p0 =	por $0x0, $0x0;
	s18 =	simm.s32 $0x0;
	s13 =	simm.s32 $0xC000  }
0x83: {  	[tilespmem:s8], [sflag:$0x1] =	stream.indirect.gather [spmem:s20], $0x20, s7, s5, $0xb8;
	[tilespmem:$0x10800] =	vst v63  }
0x84: {  	s15 =	simm.s32 @!p0 $0x80;
	s13 =	sand.u32 @!p0 $0xC000, s13;
	_ =	swait.ge [sflag:s9], $0x1000  }
0x85: {  	s18 =	sand.u32 $0xC000, s18;
	s13 =	sshrl.u32 @!p0 s13, $0x2;
	[sflag:s9] =	ssyncset.done $0x0  }
0x86: {  	s19 =	sshrl.u32 s18, $0x2;
	s13 =	sadd.s32 @!p0 $0x2800, s13;
	[sflag:s9] =	ssyncadd.s32 $0xFFFFF000  }
0x87: {  	[tilespmem:s13], [sflag:$0x1] =	stream.indirect.gather @!p0 [spmem:s20], $0x20, s14, s15, $0xb8;
	[tilespmem:$0x10800] =	vst v63  }
0x88: {  	s13 =	sadd.s32 $0x2800, s19;
	s14 =	simm.s32 $0x1480  }
0x89: {  	[spmem:s17] =	stream.indirect.scatter.add.f32 [tilespmem:s13], [sflag:$0x2], $0x20, s12, s5, $0xb8;
	[tilespmem:$0x10800] =	vst v63  }
0x8a: {  	s12 =	simm.s32 $0x10000;
	s13 =	simm.s32 $0x200;
	_ =	swait.ge [sflag:s4], $0x1000  }
.LBB2_6:
0x8b: {  	[sflag:s4] =	ssyncset.done $0x0  }
0x8c: {  	s11 =	sadd.s32 $0x1, s11;
	s15 =	smov.u32 s12;
	s12 =	sadd.s32 $0x4000, s12  }
0x8d: {  	p1 =	sgt.u32 s11, $0x24;
	p0 =	sne.s32 s12, $0xAC000;
	[sflag:s4] =	ssyncadd.s32 $0xFFFFF000  }
0x8e: {  	_ =	swait.ge [sflag:s9], $0x1000;
	s18 =	sand.u32 @!p1 $0xC000, s15;
	s19 =	simm.s32 @!p1 $0x80  }
0x8f: {  	s15 =	sadd.s32 $0xFFFF4000, s15;
	[sflag:s9] =	ssyncset.done $0x0;
	s18 =	sshrl.u32 @!p1 s18, $0x2  }
0x90: {  	s15 =	sand.u32 $0xC000, s15;
	[sflag:s9] =	ssyncadd.s32 $0xFFFFF000;
	s18 =	sadd.s32 @!p1 $0x2800, s18  }
0x91: {  	[tilespmem:s18], [sflag:$0x1] =	stream.indirect.gather @!p1 [spmem:s20], $0x20, s13, s19, $0xb8;
	[tilespmem:$0x10800] =	vst v63  }
.Ltmp2:
0x92: {  	_ = 	snop;
	(pc) =	sbr.rel @p0 .LBB2_6-.Ltmp2, $4  }
0x93: {  	s15 =	sshrl.u32 s15, $0x2  }
0x94: {  	s15 =	sadd.s32 $0x2800, s15  }
0x95: {  	[spmem:s17] =	stream.indirect.scatter.add.f32 [tilespmem:s15], [sflag:$0x2], $0x20, s14, s5, $0xb8;
	[tilespmem:$0x10800] =	vst v63  }
0x96: {  	s13 =	sadd.s32 $0x80, s13;
	s14 =	sadd.s32 $0x80, s14;
	_ =	swait.ge [sflag:s4], $0x1000  }
0x97: {  	[sflag:s4] =	ssyncset.done $0x0  }
0x98: {  	s11 =	simm.s32 $0x0;
	s12 =	rddreg [dreg:$0x9];
	[sflag:s4] =	ssyncadd.s32 $0xFFFFF000  }
0x99: {  	[tilespmem:s11], [sflag:$0x2] =	stream.linear.gather [hbm4b:s12+s11], $0x1400, $0x38;
	[tilespmem:$0x10800] =	vst v63  }
0x9a: {  	_ =	swait.ge [sflag:s4], $0x1400  }
0x9b: {  	[sflag:s4] =	ssyncset.done $0x0  }
0x9c: {  	s12 =	simm.s32 $0x1400;
	s13 =	rddreg [dreg:$0xa];
	[sflag:s4] =	ssyncadd.s32 $0xFFFFEC00  }
0x9d: {  	[tilespmem:s12], [sflag:$0x2] =	stream.linear.gather [hbm4b:s13+s11], $0x1400, $0x38;
	[tilespmem:$0x10800] =	vst v63  }
0x9e: {  	_ =	swait.ge [sflag:s4], $0x1400  }
0x9f: {  	[sflag:s4] =	ssyncset.done $0x0  }
0xa0: {  	[sflag:s4] =	ssyncadd.s32 $0xFFFFEC00  }
0xa1: {  	[tilespmem:s3], [sflag:$0x1] =	stream.indirect.gather [spmem:s20], $0x20, s11, s5, $0xb8;
	[tilespmem:$0x10800] =	vst v63  }
0xa2: {  	s14 =	simm.s32 $0x180  }
0xa3: {  	[tilespmem:s6], [sflag:$0x1] =	stream.indirect.gather [spmem:s20], $0x20, s5, s5, $0xb8;
	[tilespmem:$0x10800] =	vst v63  }
0xa4: {  	p0 =	por $0x0, $0x0;
	s18 =	simm.s32 $0x0;
	s13 =	simm.s32 $0xC000  }
0xa5: {  	[tilespmem:s8], [sflag:$0x1] =	stream.indirect.gather [spmem:s20], $0x20, s7, s5, $0xb8;
	[tilespmem:$0x10800] =	vst v63  }
0xa6: {  	s15 =	simm.s32 @!p0 $0x80;
	s13 =	sand.u32 @!p0 $0xC000, s13;
	_ =	swait.ge [sflag:s9], $0x1000  }
0xa7: {  	s18 =	sand.u32 $0xC000, s18;
	s13 =	sshrl.u32 @!p0 s13, $0x2;
	[sflag:s9] =	ssyncset.done $0x0  }
0xa8: {  	s19 =	sshrl.u32 s18, $0x2;
	s13 =	sadd.s32 @!p0 $0x2800, s13;
	[sflag:s9] =	ssyncadd.s32 $0xFFFFF000  }
0xa9: {  	[tilespmem:s13], [sflag:$0x1] =	stream.indirect.gather @!p0 [spmem:s20], $0x20, s14, s15, $0xb8;
	[tilespmem:$0x10800] =	vst v63  }
0xaa: {  	s13 =	sadd.s32 $0x2800, s19;
	s14 =	simm.s32 $0x1480  }
0xab: {  	[spmem:s17] =	stream.indirect.scatter.add.f32 [tilespmem:s13], [sflag:$0x2], $0x20, s12, s5, $0xb8;
	[tilespmem:$0x10800] =	vst v63  }
0xac: {  	s12 =	simm.s32 $0x10000;
	s13 =	simm.s32 $0x200;
	_ =	swait.ge [sflag:s4], $0x1000  }
.LBB2_8:
0xad: {  	[sflag:s4] =	ssyncset.done $0x0  }
0xae: {  	s11 =	sadd.s32 $0x1, s11;
	s15 =	smov.u32 s12;
	s12 =	sadd.s32 $0x4000, s12  }
0xaf: {  	p1 =	sgt.u32 s11, $0x24;
	p0 =	sne.s32 s12, $0xAC000;
	[sflag:s4] =	ssyncadd.s32 $0xFFFFF000  }
0xb0: {  	_ =	swait.ge [sflag:s9], $0x1000;
	s18 =	sand.u32 @!p1 $0xC000, s15;
	s19 =	simm.s32 @!p1 $0x80  }
0xb1: {  	s15 =	sadd.s32 $0xFFFF4000, s15;
	[sflag:s9] =	ssyncset.done $0x0;
	s18 =	sshrl.u32 @!p1 s18, $0x2  }
0xb2: {  	s15 =	sand.u32 $0xC000, s15;
	[sflag:s9] =	ssyncadd.s32 $0xFFFFF000;
	s18 =	sadd.s32 @!p1 $0x2800, s18  }
0xb3: {  	[tilespmem:s18], [sflag:$0x1] =	stream.indirect.gather @!p1 [spmem:s20], $0x20, s13, s19, $0xb8;
	[tilespmem:$0x10800] =	vst v63  }
.Ltmp3:
0xb4: {  	_ = 	snop;
	(pc) =	sbr.rel @p0 .LBB2_8-.Ltmp3, $4  }
0xb5: {  	s15 =	sshrl.u32 s15, $0x2  }
0xb6: {  	s15 =	sadd.s32 $0x2800, s15  }
0xb7: {  	[spmem:s17] =	stream.indirect.scatter.add.f32 [tilespmem:s15], [sflag:$0x2], $0x20, s14, s5, $0xb8;
	[tilespmem:$0x10800] =	vst v63  }
0xb8: {  	s13 =	sadd.s32 $0x80, s13;
	s14 =	sadd.s32 $0x80, s14;
	_ =	swait.ge [sflag:s4], $0x1000  }
0xb9: {  	[sflag:s4] =	ssyncset.done $0x0  }
0xba: {  	s11 =	simm.s32 $0x0;
	s12 =	rddreg [dreg:$0xb];
	[sflag:s4] =	ssyncadd.s32 $0xFFFFF000  }
0xbb: {  	[tilespmem:s11], [sflag:$0x2] =	stream.linear.gather [hbm4b:s12+s11], $0x1400, $0x38;
	[tilespmem:$0x10800] =	vst v63  }
0xbc: {  	_ =	swait.ge [sflag:s4], $0x1400  }
0xbd: {  	[sflag:s4] =	ssyncset.done $0x0  }
0xbe: {  	s12 =	simm.s32 $0x1400;
	s13 =	rddreg [dreg:$0xc];
	[sflag:s4] =	ssyncadd.s32 $0xFFFFEC00  }
0xbf: {  	[tilespmem:s12], [sflag:$0x2] =	stream.linear.gather [hbm4b:s13+s11], $0x1400, $0x38;
	[tilespmem:$0x10800] =	vst v63  }
0xc0: {  	_ =	swait.ge [sflag:s4], $0x1400  }
0xc1: {  	[sflag:s4] =	ssyncset.done $0x0  }
0xc2: {  	[sflag:s4] =	ssyncadd.s32 $0xFFFFEC00  }
0xc3: {  	[tilespmem:s3], [sflag:$0x1] =	stream.indirect.gather [spmem:s20], $0x20, s11, s5, $0xb8;
	[tilespmem:$0x10800] =	vst v63  }
0xc4: {  	s14 =	simm.s32 $0x180  }
0xc5: {  	[tilespmem:s6], [sflag:$0x1] =	stream.indirect.gather [spmem:s20], $0x20, s5, s5, $0xb8;
	[tilespmem:$0x10800] =	vst v63  }
0xc6: {  	p0 =	por $0x0, $0x0;
	s18 =	simm.s32 $0x0;
	s13 =	simm.s32 $0xC000  }
0xc7: {  	[tilespmem:s8], [sflag:$0x1] =	stream.indirect.gather [spmem:s20], $0x20, s7, s5, $0xb8;
	[tilespmem:$0x10800] =	vst v63  }
0xc8: {  	s15 =	simm.s32 @!p0 $0x80;
	s13 =	sand.u32 @!p0 $0xC000, s13;
	_ =	swait.ge [sflag:s9], $0x1000  }
0xc9: {  	s18 =	sand.u32 $0xC000, s18;
	s13 =	sshrl.u32 @!p0 s13, $0x2;
	[sflag:s9] =	ssyncset.done $0x0  }
0xca: {  	s19 =	sshrl.u32 s18, $0x2;
	s13 =	sadd.s32 @!p0 $0x2800, s13;
	[sflag:s9] =	ssyncadd.s32 $0xFFFFF000  }
0xcb: {  	[tilespmem:s13], [sflag:$0x1] =	stream.indirect.gather @!p0 [spmem:s20], $0x20, s14, s15, $0xb8;
	[tilespmem:$0x10800] =	vst v63  }
0xcc: {  	s13 =	sadd.s32 $0x2800, s19;
	s14 =	simm.s32 $0x1480  }
0xcd: {  	[spmem:s17] =	stream.indirect.scatter.add.f32 [tilespmem:s13], [sflag:$0x2], $0x20, s12, s5, $0xb8;
	[tilespmem:$0x10800] =	vst v63  }
0xce: {  	s12 =	simm.s32 $0x10000;
	s13 =	simm.s32 $0x200;
	_ =	swait.ge [sflag:s4], $0x1000  }
.LBB2_10:
0xcf: {  	[sflag:s4] =	ssyncset.done $0x0  }
0xd0: {  	s11 =	sadd.s32 $0x1, s11;
	s15 =	smov.u32 s12;
	s12 =	sadd.s32 $0x4000, s12  }
0xd1: {  	p1 =	sgt.u32 s11, $0x24;
	p0 =	sne.s32 s12, $0xAC000;
	[sflag:s4] =	ssyncadd.s32 $0xFFFFF000  }
0xd2: {  	_ =	swait.ge [sflag:s9], $0x1000;
	s18 =	sand.u32 @!p1 $0xC000, s15;
	s19 =	simm.s32 @!p1 $0x80  }
0xd3: {  	s15 =	sadd.s32 $0xFFFF4000, s15;
	[sflag:s9] =	ssyncset.done $0x0;
	s18 =	sshrl.u32 @!p1 s18, $0x2  }
0xd4: {  	s15 =	sand.u32 $0xC000, s15;
	[sflag:s9] =	ssyncadd.s32 $0xFFFFF000;
	s18 =	sadd.s32 @!p1 $0x2800, s18  }
0xd5: {  	[tilespmem:s18], [sflag:$0x1] =	stream.indirect.gather @!p1 [spmem:s20], $0x20, s13, s19, $0xb8;
	[tilespmem:$0x10800] =	vst v63  }
.Ltmp4:
0xd6: {  	_ = 	snop;
	(pc) =	sbr.rel @p0 .LBB2_10-.Ltmp4, $4  }
0xd7: {  	s15 =	sshrl.u32 s15, $0x2  }
0xd8: {  	s15 =	sadd.s32 $0x2800, s15  }
0xd9: {  	[spmem:s17] =	stream.indirect.scatter.add.f32 [tilespmem:s15], [sflag:$0x2], $0x20, s14, s5, $0xb8;
	[tilespmem:$0x10800] =	vst v63  }
0xda: {  	s13 =	sadd.s32 $0x80, s13;
	s14 =	sadd.s32 $0x80, s14;
	_ =	swait.ge [sflag:s4], $0x1000  }
0xdb: {  	[sflag:s4] =	ssyncset.done $0x0  }
0xdc: {  	[sflag:s4] =	ssyncadd.s32 $0xFFFFF000  }
0xdd: {  	[bflag:$0x0] =	sbarrier.arrive $0xFFFF  }
0xde: {  	s11 =	sshrl.u32 s24, $0x3;
	s12 =	rddreg [dreg:$0xd]  }
0xdf: {  	[hbm:s12], [sflag:s10] =	dma.local [spmem:s11], $0x200  }
0xe0: {  	_ =	swait.ge [sflag:s4], $0x200  }
0xe1: {  	[sflag:s4] =	ssyncset.done $0x0  }
0xe2: {  	s12 =	sshrl.u32 s25, $0x3;
	s13 =	rddreg [dreg:$0x13];
	[sflag:s4] =	ssyncadd.s32 $0xFFFFFE00  }
0xe3: {  	[hbm:s13], [sflag:s10] =	dma.local [spmem:s12], $0x200  }
0xe4: {  	_ =	swait.ge [sflag:s4], $0x200  }
0xe5: {  	[sflag:s4] =	ssyncset.done $0x0  }
0xe6: {  	s14 =	sshrl.u32 s26, $0x3;
	s15 =	rddreg [dreg:$0x14];
	[sflag:s4] =	ssyncadd.s32 $0xFFFFFE00  }
0xe7: {  	[hbm:s15], [sflag:s10] =	dma.local [spmem:s14], $0x200  }
0xe8: {  	_ =	swait.ge [sflag:s4], $0x200  }
0xe9: {  	[sflag:s4] =	ssyncset.done $0x0  }
0xea: {  	s18 =	sshrl.u32 s28, $0x3;
	[sflag:s4] =	ssyncadd.s32 $0xFFFFFE00  }
0xeb: {  	[hbm:s21], [sflag:s10] =	dma.local [spmem:s18], $0x200  }
0xec: {  	s1 =	sadd.s32 $0x1, s1;
	_ =	swait.ge [sflag:s4], $0x200  }
0xed: {  	p0 =	sne.s32 s1, s23;
	[sflag:s4] =	ssyncset.done $0x0  }
.Ltmp5:
0xee: {  	s19 =	sshrl.u32 s29, $0x3;
	[sflag:s4] =	ssyncadd.s32 $0xFFFFFE00;
	(pc) =	sbr.rel @p0 .LBB2_1-.Ltmp5, $4  }
0xef: {  	[hbm:s22], [sflag:s10] =	dma.local [spmem:s19], $0x200  }
0xf0: {  	_ =	swait.ge [sflag:s4], $0x200  }
0xf1: {  	[sflag:s4] =	ssyncset.done $0x0  }
0xf2: {  	[sflag:s4] =	ssyncadd.s32 $0xFFFFFE00  }
0xf3: {  	_ =	sfence.sel $0x180000  }
0xf4: {  	[bflag:$0x0] =	sbarrier.arrive $0xFFFF  }
0xf5: {  	_ =	strace $0x9000004D  }
0xf6: {  	s0 =	stileid.u32;
	[bflag:$0x2] =	sbarrier.arrive $0xFFFF  }
0xf7: {  	p0 =	sne.s32 s0, $0x0;
	s0 =	rddreg [dreg:$0x4]  }
0xf8: {  	s0 =	sadd.s32 @!p0 $0x100000, s0  }
0xf9: {  	[sflag:s0] =	ssyncadd.tile.s32 @!p0 $0x1;
	_ =	shalt  }
.Lfunc_end2:
_tile_overlayer_lowered:
.L_overlay_start_2:
0xfa: {  	(tag) =	ssettag $0x2  }
0xfb: {  	s0 =	rddreg [dreg:$0x0];
	s2 =	stileid.u32  }
0xfc: {  	s1 =	rddreg [dreg:$0x1];
	p0 =	sne.s32 s2, $0x0  }
0xfd: {  	s3 =	rddreg [dreg:$0x2];
	[bflag:$0x3] =	sbarrier.arrive $0xFFFF;
	s2 =	simm.s32 @!p0 $0x1C02  }
0xfe: {  	[timem:s3], [sflag:s2] =	dma.local @!p0 [hbm:s0], s1  }
0xff: {  	s0 =	simm.s32 @!p0 $0x2  }
0x100: {  	_ =	swait.ge @!p0 [sflag:s0], s1  }
0x101: {  	s1 =	ssub.s32 @!p0 $0x0, s1;
	[sflag:s0] =	ssyncset.done @!p0 $0x0  }
0x102: {  	[sflag:s0] =	ssyncadd.s32 @!p0 s1  }
0x103: {  	[bflag:$0x3] =	sbarrier.arrive $0xFFFF  }
0x104: {  	_ =	shalt  }

// kernel: kernel.8.cloned.1.call-start
scs
__scs_entry_jumppad:
0x0: {  	(pc) =	sbr.rel $0x88, $3  }
0x1: {  	(tag) =	ssettag $0x0;
	lr =	simm.s32 $0x1  }
0x2: {  	[smem:$0x3F9B] =	sst lr;
	_ =	strace $0xD0000000  }
0x3: {  	_ = 	snop  }
0x4: {  	_ = 	snop  }
0x5: {  	_ = 	snop  }
0x6: {  	_ = 	snop  }
0x7: {  	_ = 	snop  }
__scs_overlays_trampoline_lowered:
0x8: {  	[smem:$0x3FAA] =	sst s0  }
0x9: {  	[smem:$0x3FAB] =	sst s1  }
0xa: {  	[smem:$0x3FAC] =	sst s2  }
0xb: {  	[smem:$0x3FAD] =	sst s3  }
0xc: {  	[smem:$0x3FAE] =	sst s4  }
0xd: {  	[smem:$0x3FAF] =	sst s5  }
0xe: {  	[smem:$0x3FB0] =	sst s6  }
0xf: {  	[smem:$0x3FB1] =	sst s7  }
0x10: {  	[smem:$0x3FB2] =	sst s8  }
0x11: {  	[smem:$0x3FB3] =	sst s9;
	s0 =	simm.s32 @!p0 $0x0  }
0x12: {  	s1 =	sld [smem:$0x3F99];
	s0 =	simm.s32 @p0 $0x1  }
0x13: {  	[smem:$0x3FB4] =	sst s0;
	s0 =	simm.s32 @!p1 $0x0  }
0x14: {  	s2 =	sld [smem:$0x3F98];
	s0 =	simm.s32 @p1 $0x1  }
0x15: {  	[smem:$0x3FB5] =	sst s0;
	s0 =	simm.s32 @!p2 $0x0  }
0x16: {  	s3 =	sld [smem:$0x3FDB];
	s0 =	simm.s32 @p2 $0x1  }
0x17: {  	s4 =	simm.s32 $0x1BF5;
	[smem:$0x3FB7] =	sst s0  }
0x18: {  	s0 =	sld [smem:$0x3F9A];
	_ =	swait.ge [sflag:s4], $0x0  }
0x19: {  	s7 =	sld [smem:$0x3F9B]  }
0x1a: {  	s8 =	sadd.s32 $0xFFFFE003, lr  }
0x1b: {  	s9 =	sadd.s32 $0xFFFFFEF7, lr;
	s5 =	simm.s32 $0xFFFFFFFF;
	p2 =	slt.u32 s8, $0xFFFFF086  }
0x1c: {  	p1 =	slt.u32 s9, $0xF7A;
	s5 =	simm.s32 @!p2 $0x0  }
0x1d: {  	s5 =	simm.s32 @p1 $0x1;
	p0 =	seq.s32 s7, s2  }
0x1e: {  	s7 =	smul.u32 @!p0 $0xF7A, s2;
	p2 =	seq.s32 @!p0 s5, $0x0  }
0x1f: {  	s9 =	smul.u32 $0xF7A, s1;
	s8 =	simm.s32 @!p0 $0x1BF5;
	p2 =	por !p2, p0  }
0x20: {  	[sflag:s8] =	ssyncset.s32 @!p0 $0xFFFFF086;
	s6 =	sadd.s32 @!p0 s3, s7;
	s7 =	simm.s32 @!p0 $0x108  }
0x21: {  	s3 =	sadd.s32 s3, s9;
	s6 =	sadd.s32 @!p0 $0x88, s6;
	s7 =	simm.s32 @p2 $0x1082  }
0x22: {  	[simem:s7], [sflag:s8] =	dma.local @!p0 [hbm:s6], $0xF7A  }
0x23: {  	s9 =	sor.u32 $0xD0000000, s2;
	s6 =	simm.s32 $0x108;
	_ =	swait.ge @!p0 [sflag:s8], $0x0  }
0x24: {  	s3 =	sadd.s32 $0x88, s3;
	s6 =	simm.s32 @!p1 $0x1082;
	[sflag:s4] =	ssyncset.s32 $0xFFFFF086  }
0x25: {  	[simem:s6], [sflag:s4] =	dma.local [hbm:s3], $0xF7A  }
0x26: {  	[smem:$0x3F9B] =	sst s1;
	(tag) =	ssettag s2;
	_ =	strace s9  }
0x27: {  	s1 =	sld [smem:$0x3FAB]  }
0x28: {  	s2 =	sld [smem:$0x3FAC]  }
0x29: {  	s4 =	sld [smem:$0x3FAE]  }
0x2a: {  	p0 =	seq.s32 s5, $0x0;
	s5 =	sld [smem:$0x3FAF]  }
0x2b: {  	s6 =	sld [smem:$0x3FB0]  }
0x2c: {  	s7 =	sld [smem:$0x3FB1]  }
0x2d: {  	s3 =	simm.s32 $0x108;
	s8 =	sld [smem:$0x3FB2]  }
0x2e: {  	s3 =	simm.s32 @!p0 $0x1082;
	s9 =	sld [smem:$0x3FB3]  }
0x2f: {  	lr =	sadd.s32 s0, s3;
	s0 =	sld [smem:$0x3FAA]  }
0x30: {  	s3 =	sld [smem:$0x3FAD]  }
0x31: {  	[smem:$0x3FB6] =	sst s10  }
0x32: {  	s10 =	sld [smem:$0x3FB4];
	_ =	sdelay $0x3  }
0x33: {  	p0 =	seq.s32 s10, $0x1;
	s10 =	sld [smem:$0x3FB6];
	_ =	sdelay $0x3  }
0x34: {  	[smem:$0x3FB6] =	sst s10  }
0x35: {  	s10 =	sld [smem:$0x3FB5];
	_ =	sdelay $0x3  }
0x36: {  	p1 =	seq.s32 s10, $0x1;
	s10 =	sld [smem:$0x3FB6];
	_ =	sdelay $0x3  }
0x37: {  	[smem:$0x3FB6] =	sst s10  }
0x38: {  	s10 =	sld [smem:$0x3FB7]  }
0x39: {  	_ = 	snop;
	(pc) =	sbr.ind lr, $3  }
0x3a: {  	_ = 	snop  }
0x3b: {  	_ = 	snop  }
0x3c: {  	p2 =	seq.s32 s10, $0x1;
	s10 =	sld [smem:$0x3FB6]  }
0x3d: {  	_ =	shalt  }
0x3e: {  	_ =	shalt  }
0x3f: {  	_ =	shalt  }
0x40: {  	_ =	shalt  }
0x41: {  	_ =	shalt  }
0x42: {  	_ =	shalt  }
0x43: {  	_ =	shalt  }
0x44: {  	_ =	shalt  }
0x45: {  	_ =	shalt  }
0x46: {  	_ =	shalt  }
0x47: {  	_ =	shalt  }
0x48: {  	_ =	shalt  }
0x49: {  	_ =	shalt  }
0x4a: {  	_ =	shalt  }
0x4b: {  	_ =	shalt  }
0x4c: {  	_ =	shalt  }
0x4d: {  	_ =	shalt  }
0x4e: {  	_ =	shalt  }
0x4f: {  	_ =	shalt  }
0x50: {  	_ =	shalt  }
0x51: {  	_ =	shalt  }
0x52: {  	_ =	shalt  }
0x53: {  	_ =	shalt  }
0x54: {  	_ =	shalt  }
0x55: {  	_ =	shalt  }
0x56: {  	_ =	shalt  }
0x57: {  	_ =	shalt  }
0x58: {  	_ =	shalt  }
0x59: {  	_ =	shalt  }
0x5a: {  	_ =	shalt  }
0x5b: {  	_ =	shalt  }
0x5c: {  	_ =	shalt  }
0x5d: {  	_ =	shalt  }
0x5e: {  	_ =	shalt  }
0x5f: {  	_ =	shalt  }
0x60: {  	_ =	shalt  }
0x61: {  	_ =	shalt  }
0x62: {  	_ =	shalt  }
0x63: {  	_ =	shalt  }
0x64: {  	_ =	shalt  }
0x65: {  	_ =	shalt  }
0x66: {  	_ =	shalt  }
0x67: {  	_ =	shalt  }
0x68: {  	_ =	shalt  }
0x69: {  	_ =	shalt  }
0x6a: {  	_ =	shalt  }
0x6b: {  	_ =	shalt  }
0x6c: {  	_ =	shalt  }
0x6d: {  	_ =	shalt  }
0x6e: {  	_ =	shalt  }
0x6f: {  	_ =	shalt  }
0x70: {  	_ =	shalt  }
0x71: {  	_ =	shalt  }
0x72: {  	_ =	shalt  }
0x73: {  	_ =	shalt  }
0x74: {  	_ =	shalt  }
0x75: {  	_ =	shalt  }
0x76: {  	_ =	shalt  }
0x77: {  	_ =	shalt  }
0x78: {  	_ =	shalt  }
0x79: {  	_ =	shalt  }
0x7a: {  	_ =	shalt  }
0x7b: {  	_ =	shalt  }
0x7c: {  	_ =	shalt  }
0x7d: {  	_ =	shalt  }
0x7e: {  	_ =	shalt  }
0x7f: {  	_ =	shalt  }
0x80: {  	_ =	shalt  }
0x81: {  	_ =	shalt  }
0x82: {  	_ =	shalt  }
0x83: {  	_ =	shalt  }
0x84: {  	_ =	shalt  }
0x85: {  	_ =	shalt  }
0x86: {  	_ =	shalt  }
0x87: {  	_ =	shalt  }
.Lfunc_end0:
.L_simem_size_0:
called_computation_lowered:
.L_overlay_start_0:
0x88: {  	s2 =	sld [smem:$0x3FD9]  }
0x89: {  	s3 =	sld [smem:$0x3FFE];
	_ =	sdelay $0x1  }
0x8a: {  	s1 =	srdreg.scid  }
0x8b: {  	s0 =	sand.u32 $0x1, s1  }
0x8c: {  	s17 =	sshll.u32 s0, $0xA;
	s2 =	sadd.s32 s3, s2  }
0x8d: {  	s2 =	sadd.s32 s2, s17  }
0x8e: {  	[smem:$0x3FC2] =	sst s2  }
0x8f: {  	_ = 	snop  }
0x90: {  	s2 =	sld [smem:$0x3FD0];
	(tm) =	ssettm $0x1  }
0x91: {  	s18 =	sld [smem:$0x3FFB];
	_ =	sdelay $0x3  }
0x92: {  	_ =	strace s18  }
0x93: {  	s3 =	sld [smem:$0x3FFC];
	_ =	sdelay $0x3  }
0x94: {  	_ =	strace s3  }
0x95: {  	s3 =	sld [smem:$0x3FFD];
	_ =	sdelay $0x3  }
0x96: {  	_ =	strace s3  }
0x97: {  	_ =	strace $0x8FFFFFFF  }
0x98: {  	s19 =	sld [smem:$0x3FDB];
	_ =	sdelay $0x1  }
0x99: {  	s4 =	simm.s32 $_scs_section_size  }
0x9a: {  	s5 =	simm.s32 $_size__tile_overlayer_lowered;
	s6 =	simm.s32 $_tile_overlayer_lowered  }
0x9b: {  	s22 =	simm.s32 $0x1BFF;
	s21 =	sshll.u32 s6, $0x1;
	s3 =	sadd.s32 s4, s19  }
0x9c: {  	s7 =	simm.s32 $0x0;
	s20 =	sshll.u32 s5, $0x1;
	s5 =	sadd.s32 s21, s3  }
0x9d: {  	[timem:s7], [sflag:s22] =	dma.local [hbm:s5], s20  }
0x9e: {  	_ =	swait.ge [sflag:s22], s20  }
0x9f: {  	s4 =	ssub.s32 $0x0, s20;
	[sflag:s22] =	ssyncset.done $0x0  }
0xa0: {  	[sflag:s22] =	ssyncadd.s32 s4;
	_ =	sdelay $0x1  }
0xa1: {  	s23 =	simm.s32 $0x1B8B  }
0xa2: {  	_ =	swait.ge [sflag:s23], $0x1  }
0xa3: {  	[sflag:s23] =	ssyncset.done $0x0  }
0xa4: {  	s25 =	simm.s32 $0x1B8E;
	s24 =	sld [smem:$0x3FFE];
	[sflag:s23] =	ssyncadd.s32 $0xFFFFFFFF  }
0xa5: {  	s26 =	simm.s32 $execute0_lowered;
	[smem:$0x3FD2] =	sst s25  }
0xa6: {  	s5 =	sshll.u32 s26, $0x1;
	_ =	strace $0x80000046;
	[dreg:$0x1] =	wrdreg $0xFFFFFFFF  }
0xa7: {  	s28 =	simm.s32 $_size_execute0_lowered;
	s3 =	sadd.s32 s3, s5;
	[dreg:$0x0] =	wrdreg $0x0  }
0xa8: {  	s5 =	sshll.u32 s28, $0x1;
	[dreg:$0x2] =	wrdreg s3  }
0xa9: {  	[dreg:$0x3] =	wrdreg s5  }
0xaa: {  	[dreg:$0x4] =	wrdreg $0xC0  }
0xab: {  	_ =	task [dreg:s7], $0x5FFFF  }
0xac: {  	[dreg:$0x1] =	wrdreg $0xFFFFFFFF  }
0xad: {  	[dreg:$0x0] =	wrdreg $0x60  }
0xae: {  	[dreg:$0x2] =	wrdreg s2  }
0xaf: {  	[dreg:$0x3] =	wrdreg s24  }
0xb0: {  	[dreg:$0x4] =	wrdreg $0x9  }
0xb1: {  	_ =	task.clear_ibuf [dreg:s7], $0x5FFFF;
	_ =	strace $0x90000046  }
0xb2: {  	s29 =	simm.s32 $0x9;
	_ =	strace $0x80000048  }
0xb3: {  	_ =	swait.ge [sflag:s29], $0x1  }
0xb4: {  	[sflag:s29] =	ssyncadd.s32 $0xFFFFFFFF  }
0xb5: {  	_ =	strace $0x90000048  }
0xb6: {  	_ =	sfence  }
0xb7: {  	s30 =	sld [smem:$0x0];
	_ =	sdelay $0x2  }
0xb8: {  	s31 =	sshll.u32 s1, $0xD;
	s1 =	sshrl.u32 s1, $0x2  }
0xb9: {  	s3 =	sand.u32 $0x4000, s31;
	s1 =	sadd.s32 s1, s30  }
0xba: {  	s0 =	sor.u32 s3, s0;
	s1 =	sshll.u32 s1, $0x11  }
0xbb: {  	s0 =	sor.u32 s1, s0  }
0xbc: {  	s0 =	sadd.s32 $0x8F2B, s0  }
0xbd: {  	[sflag:s0] =	ssyncadd.remote.s32 $0x1  }
0xbe: {  	_ =	sfence.sel $0xFFFF  }
0xbf: {  	[dreg:$0x0] =	wrdreg $0xFFFFFFFF;
	(pc) =	sbr.abs _section_cstart, $3  }
0xc0: {  	[dreg:$0x1] =	wrdreg $0xFFFFFFFF  }
0xc1: {  	_ =	task.clear_ibuf [dreg:s7], $0x2FFFF;
	_ =	strace $0x9FFFFFFF  }
0xc2: {  	(tm) =	ssettm $0x7FFFFFFF  }
0xc3: {  	_ =	shalt  }
tec
execute0_lowered:
.L_overlay_start_1:
0x0: {  	(tag) =	ssettag $0x1  }
0x1: {  	s4 =	rddreg [dreg:$0x0]  }
0x2: {  	s3 =	rddreg [dreg:$0x1];
	s2 =	srdreg.scid  }
0x3: {  	s1 =	stileid.u32;
	s0 =	rddreg [dreg:$0x2];
	s11 =	simm.s32 $0x1400  }
0x4: {  	s12 =	simm.s32 $0x2800;
	s13 =	simm.s32 $0x3C00;
	s14 =	simm.s32 $0x5000  }
0x5: {  	s15 =	simm.s32 $0x7800;
	s16 =	simm.s32 $0x0;
	s5 =	sand.u32 $0x1, s2  }
0x6: {  	s6 =	smul.u32 $0x5000, s1;
	s2 =	simm.s32 $0x0;
	s7 =	sshll.u32 s5, $0x4  }
0x7: {  	s29 =	sadd.s32 $0x1A00, s3;
	s8 =	smul.u32 $0x2800, s5;
	s7 =	sor.u32 s1, s7  }
0x8: {  	[smem:$0x7FF] =	sst s2;
	s5 =	ssub.s32 $0x2, s5;
	s7 =	smul.u32 $0x500, s7  }
0x9: {  	_ =	strace $0x80000047;
	s30 =	sshrl.u32 s5, $0x1;
	s6 =	sadd.s32 s8, s6  }
0xa: {  	s10 =	ssub.s32 s5, s30;
	s6 =	sshrl.u32 s6, $0x3;
	s9 =	sadd.s32 s7, s3  }
0xb: {  	s31 =	sadd.s32 $0x280, s6;
	s3 =	sadd.s32 s4, s6;
	s5 =	sadd.s32 s29, s6  }
0xc: {  	s4 =	sadd.s32 s4, s31;
	s6 =	sadd.s32 s29, s31;
	s7 =	sadd.s32 $0xBA00, s9  }
0xd: {  	v0 =	vimm.f32 $0.0e+00;
	v1 =	vimm.f32 $1.000000000e+00;
	s8 =	sadd.s32 $0x15A00, s9;
	s9 =	smax.u32 s10, $0x1;
	s10 =	simm.s32 $0x1  }
.LBB2_1:
0xe: {  	s17 =	simm.s32 $0x40;
	s18 =	simm.s32 $0x0  }
.LBB2_2:
0xf: {  	p0 =	sne.s32 s17, $0x9FC0;
	[tilespmem:s18+$0x5000] =	vst v0;
	s19 =	smov.u32 s17;
	s17 =	sadd.s32 $0x40, s17  }
.Ltmp0:
0x10: {  	[tilespmem:s18+$0x7800] =	vst v0;
	(pc) =	sbr.rel @p0 .LBB2_2-.Ltmp0, $2  }
0x11: {  	_ =	sdelay $0x2  }
0x12: {  	s18 =	sshra.s32 s19, $0x2  }
0x13: {  	[tilespmem:s18+$0x5000] =	vst v0  }
0x14: {  	[tilespmem:s18+$0x7800] =	vst v0;
	s17 =	simm.s32 $0x0  }
0x15: {  	[tilespmem:s17], [sflag:$0x1] =	stream.linear.gather [hbm4b:s3+s17], $0x1400, $0x38;
	[tilespmem:$0xA000] =	vst v63  }
0x16: {  	_ =	swait.ge [sflag:s10], $0x1400  }
0x17: {  	[sflag:s10] =	ssyncset.done $0x0  }
0x18: {  	[sflag:s10] =	ssyncadd.s32 $0xFFFFEC00  }
0x19: {  	[tilespmem:s11], [sflag:$0x1] =	stream.linear.gather [hbm4b:s4+s17], $0x1400, $0x38;
	[tilespmem:$0xA000] =	vst v63  }
0x1a: {  	_ =	swait.ge [sflag:s10], $0x1400  }
0x1b: {  	[sflag:s10] =	ssyncset.done $0x0  }
0x1c: {  	[sflag:s10] =	ssyncadd.s32 $0xFFFFEC00  }
0x1d: {  	[tilespmem:s12], [sflag:$0x1] =	stream.linear.gather [hbm4b:s5+s17], $0x1400, $0x38;
	[tilespmem:$0xA000] =	vst v63  }
0x1e: {  	_ =	swait.ge [sflag:s10], $0x1400  }
0x1f: {  	[sflag:s10] =	ssyncset.done $0x0  }
0x20: {  	[sflag:s10] =	ssyncadd.s32 $0xFFFFEC00  }
0x21: {  	[tilespmem:s13], [sflag:$0x1] =	stream.linear.gather [hbm4b:s6+s17], $0x1400, $0x38;
	[tilespmem:$0xA000] =	vst v63  }
0x22: {  	_ =	swait.ge [sflag:s10], $0x1400  }
0x23: {  	[sflag:s10] =	ssyncset.done $0x0  }
0x24: {  	[sflag:s10] =	ssyncadd.s32 $0xFFFFEC00  }
.LBB2_4:
0x25: {  	s18 =	sshra.s32 s17, $0x2  }
0x26: {  	v2 =	vld [tilespmem:s18+$0x0];
	_ =	sdelay $0x7  }
0x27: {  	[tilespmem:v2+s14+$0x0] =	vst.idx.add.f32.msk $0xffff, v1  }
0x28: {  	v2 =	vld [tilespmem:s18+$0x2800];
	_ =	sdelay $0x7  }
0x29: {  	[tilespmem:v2+s15+$0x0] =	vst.idx.add.f32.msk $0xffff, v1  }
0x2a: {  	v2 =	vld [tilespmem:s18+$0x10];
	_ =	sdelay $0x7  }
0x2b: {  	[tilespmem:v2+s14+$0x0] =	vst.idx.add.f32.msk $0xffff, v1  }
0x2c: {  	v2 =	vld [tilespmem:s18+$0x2810];
	_ =	sdelay $0x7  }
0x2d: {  	[tilespmem:v2+s15+$0x0] =	vst.idx.add.f32.msk $0xffff, v1  }
0x2e: {  	v2 =	vld [tilespmem:s18+$0x20];
	_ =	sdelay $0x7  }
0x2f: {  	[tilespmem:v2+s14+$0x0] =	vst.idx.add.f32.msk $0xffff, v1  }
0x30: {  	v2 =	vld [tilespmem:s18+$0x2820];
	_ =	sdelay $0x7  }
0x31: {  	[tilespmem:v2+s15+$0x0] =	vst.idx.add.f32.msk $0xffff, v1  }
0x32: {  	v2 =	vld [tilespmem:s18+$0x30];
	_ =	sdelay $0x7  }
0x33: {  	[tilespmem:v2+s14+$0x0] =	vst.idx.add.f32.msk $0xffff, v1  }
0x34: {  	v2 =	vld [tilespmem:s18+$0x2830];
	_ =	sdelay $0x7  }
0x35: {  	[tilespmem:v2+s15+$0x0] =	vst.idx.add.f32.msk $0xffff, v1  }
0x36: {  	v2 =	vld [tilespmem:s18+$0x40];
	_ =	sdelay $0x7  }
0x37: {  	[tilespmem:v2+s14+$0x0] =	vst.idx.add.f32.msk $0xffff, v1  }
0x38: {  	v2 =	vld [tilespmem:s18+$0x2840];
	_ =	sdelay $0x7  }
0x39: {  	[tilespmem:v2+s15+$0x0] =	vst.idx.add.f32.msk $0xffff, v1  }
0x3a: {  	v2 =	vld [tilespmem:s18+$0x50];
	_ =	sdelay $0x7  }
0x3b: {  	[tilespmem:v2+s14+$0x0] =	vst.idx.add.f32.msk $0xffff, v1  }
0x3c: {  	v2 =	vld [tilespmem:s18+$0x2850];
	_ =	sdelay $0x7  }
0x3d: {  	[tilespmem:v2+s15+$0x0] =	vst.idx.add.f32.msk $0xffff, v1  }
0x3e: {  	v2 =	vld [tilespmem:s18+$0x60];
	_ =	sdelay $0x7  }
0x3f: {  	[tilespmem:v2+s14+$0x0] =	vst.idx.add.f32.msk $0xffff, v1  }
0x40: {  	v2 =	vld [tilespmem:s18+$0x2860];
	_ =	sdelay $0x7  }
0x41: {  	[tilespmem:v2+s15+$0x0] =	vst.idx.add.f32.msk $0xffff, v1  }
0x42: {  	v2 =	vld [tilespmem:s18+$0x70];
	_ =	sdelay $0x7  }
0x43: {  	[tilespmem:v2+s14+$0x0] =	vst.idx.add.f32.msk $0xffff, v1  }
0x44: {  	v2 =	vld [tilespmem:s18+$0x2870];
	_ =	sdelay $0x2  }
0x45: {  	p0 =	sne.s32 s17, $0x9E00  }
.Ltmp1:
0x46: {  	_ = 	snop;
	(pc) =	sbr.rel @p0 .LBB2_4-.Ltmp1, $2  }
0x47: {  	_ =	sdelay $0x2  }
0x48: {  	s17 =	sadd.s32 $0x200, s17;
	[tilespmem:v2+s15+$0x0] =	vst.idx.add.f32.msk $0xffff, v1  }
0x49: {  	[hbm4b:s7+s2] =	stream.linear.scatter [tilespmem:s14], [sflag:$0x1], $0x2800, $0x38;
	[tilespmem:$0xA000] =	vst v63  }
0x4a: {  	s16 =	sadd.s32 $0x1, s16;
	_ =	swait.ge [sflag:s10], $0x2800  }
0x4b: {  	p0 =	sne.s32 s16, s9;
	[sflag:s10] =	ssyncset.done $0x0  }
.Ltmp2:
0x4c: {  	[sflag:s10] =	ssyncadd.s32 $0xFFFFD800;
	(pc) =	sbr.rel @p0 .LBB2_1-.Ltmp2, $4  }
0x4d: {  	[hbm4b:s8+s2] =	stream.linear.scatter [tilespmem:s15], [sflag:$0x1], $0x2800, $0x38;
	[tilespmem:$0xA000] =	vst v63  }
0x4e: {  	_ =	swait.ge [sflag:s10], $0x2800  }
0x4f: {  	[sflag:s10] =	ssyncset.done $0x0  }
0x50: {  	[sflag:s10] =	ssyncadd.s32 $0xFFFFD800  }
0x51: {  	_ =	sfence.sel $0x180000  }
0x52: {  	[bflag:$0x0] =	sbarrier.arrive $0xFFFF  }
0x53: {  	p0 =	sne.s32 s1, $0x0;
	_ =	strace $0x90000047  }
0x54: {  	s0 =	sadd.s32 @!p0 $0x100000, s0;
	[bflag:$0x2] =	sbarrier.arrive $0xFFFF  }
0x55: {  	[sflag:s0] =	ssyncadd.tile.s32 @!p0 $0x1;
	_ =	shalt  }
.Lfunc_end2:
_tile_overlayer_lowered:
.L_overlay_start_2:
0x56: {  	(tag) =	ssettag $0x2  }
0x57: {  	s0 =	rddreg [dreg:$0x0];
	s2 =	stileid.u32  }
0x58: {  	s1 =	rddreg [dreg:$0x1];
	p0 =	sne.s32 s2, $0x0  }
0x59: {  	s3 =	rddreg [dreg:$0x2];
	[bflag:$0x3] =	sbarrier.arrive $0xFFFF;
	s2 =	simm.s32 @!p0 $0x1C01  }
0x5a: {  	[timem:s3], [sflag:s2] =	dma.local @!p0 [hbm:s0], s1  }
0x5b: {  	s0 =	simm.s32 @!p0 $0x1  }
0x5c: {  	_ =	swait.ge @!p0 [sflag:s0], s1  }
0x5d: {  	s1 =	ssub.s32 @!p0 $0x0, s1;
	[sflag:s0] =	ssyncset.done @!p0 $0x0  }
0x5e: {  	[sflag:s0] =	ssyncadd.s32 @!p0 s1  }
0x5f: {  	[bflag:$0x3] =	sbarrier.arrive $0xFFFF  }
0x60: {  	_ =	shalt  }

</sc_bundles>
